<compile_context>
chip_gen: v7x
topology: tpu7x:2x2x1
jax: 0.10.2.dev20260603
libtpu: 0.0.44.dev20260713+nightly
codegen_flags: <defaults>
</compile_context>

<pallas_src>
import functools

import jax
import jax.numpy as jnp
from jax import lax
from jax.experimental import pallas as pl
from jax.experimental.pallas import tpu as pltpu
from jax.experimental.pallas import tpu_sc as plsc

NC = 2
NS = 16
NW = NC * NS
K = 128


def _pad_rows(N):
    return -(-(N + 1) // (NS * 8)) * (NS * 8)


@functools.lru_cache(maxsize=None)
def _make_seg_sum(N, EP, C, gather, CPT0):
    CPT = EP // (NW * K)
    CPT1 = 2 * CPT - CPT0
    NB = 16
    D = 13
    LS = NB - D
    NP = _pad_rows(N)
    ROWS_T = NP // NS
    assert CPT1 >= D + LS + 1 and CPT0 >= CPT1
    mesh = plsc.VectorSubcoreMesh(core_axis_name="c", subcore_axis_name="s")

    scratch = [
        pltpu.VMEM_SHARED((NP, C), jnp.float32),
        pltpu.VMEM((CPT0, K), jnp.int32),
        pltpu.VMEM((NB, K, C), jnp.float32),
        pltpu.SemaphoreType.DMA,
    ]
    if gather:
        scratch += [
            pltpu.VMEM((CPT0, K), jnp.int32),
            pltpu.SemaphoreType.DMA,
        ]

    @functools.partial(
        pl.kernel,
        out_type=jax.ShapeDtypeStruct((NC, NP, C), jnp.float32),
        mesh=mesh,
        scratch_types=scratch,
        compiler_params=pltpu.CompilerParams(use_tc_tiling_on_sc=False),
    )
    def k(*refs):
        if gather:
            table, src2, dst2, zeros, out, acc, dstb, rows, ssem, srcb, gsem = refs
        else:
            ones, dst2, zeros, out, acc, dstb, rows, ssem = refs

        cid = lax.axis_index("c")
        sid = lax.axis_index("s")
        cnt = CPT0 - cid * (CPT0 - CPT1)
        cbase = cid * (NS * CPT0) + sid * cnt

        pltpu.sync_copy(dst2.at[pl.ds(cbase, CPT0)], dstb)

        def s_issue(j, b):
            pltpu.async_copy(rows.at[b], acc.at[dstb.at[j]], ssem, add=True)

        def s_wait(j, b):
            pltpu.make_async_copy(rows.at[b], acc.at[dstb.at[j]], ssem).wait()

        if gather:
            pltpu.sync_copy(src2.at[pl.ds(cbase, CPT0)], srcb)

            def g_issue(j, b):
                pltpu.async_copy(table.at[srcb.at[j]], rows.at[b], gsem)

            def g_wait(j, b):
                pltpu.make_async_copy(
                    table.at[srcb.at[j]], rows.at[b], gsem
                ).wait()

            for j in range(D):
                g_issue(j, j)
        else:
            pltpu.sync_copy(ones, rows.at[0])

        pltpu.sync_copy(zeros, acc.at[pl.ds(sid * ROWS_T, ROWS_T)])
        plsc.subcore_barrier()

        if gather:
            for i in range(LS):
                g_wait(i, i % NB)
                s_issue(i, i % NB)
                g_issue(i + D, (i + D) % NB)

            def body(i, carry):
                b = lax.rem(i, NB)
                g_wait(i, b)
                s_issue(i, b)
                s_wait(i - LS, lax.rem(i - LS, NB))
                g_issue(i + D, lax.rem(i + D, NB))
                return carry

            lax.fori_loop(LS, cnt - D, body, 0)

            def tail(i, carry):
                b = lax.rem(i, NB)
                g_wait(i, b)
                s_issue(i, b)
                return carry

            lax.fori_loop(cnt - D, cnt, tail, 0)

            def drain(i, carry):
                s_wait(i, lax.rem(i, NB))
                return carry

            lax.fori_loop(cnt - D - LS, cnt, drain, 0)
        else:
            F = 14
            for j in range(F):
                s_issue(j, 0)

            def body(i, carry):
                s_wait(i - F, 0)
                s_issue(i, 0)
                return carry

            lax.fori_loop(F, cnt, body, 0)

            def drain(i, carry):
                s_wait(i, 0)
                return carry

            lax.fori_loop(cnt - F, cnt, drain, 0)

        plsc.subcore_barrier()
        pltpu.sync_copy(
            acc.at[pl.ds(sid * ROWS_T, ROWS_T)],
            out.at[cid, pl.ds(sid * ROWS_T, ROWS_T)],
        )

    return k


@functools.lru_cache(maxsize=None)
def _make_mm(N, IN, C1):
    GB = 10
    RB = N // GB

    def body(xr, w, xw):
        xw[...] = jnp.dot(xr[...], w[...], preferred_element_type=jnp.float32)

    return pl.pallas_call(
        body,
        grid=(GB,),
        in_specs=[
            pl.BlockSpec((RB, IN), lambda i: (i, 0)),
            pl.BlockSpec((IN, C1), lambda i: (0, 0)),
        ],
        out_specs=pl.BlockSpec((RB, C1), lambda i: (i, 0)),
        out_shape=jax.ShapeDtypeStruct((N, C1), jnp.float32),
    )


@functools.lru_cache(maxsize=None)
def _make_stage1(N, NP, C1, CD):
    GB = 10
    RB = N // GB

    def body(degp, xw, hs1, dinv8):
        d = degp[0] + degp[1] + 1.0
        di = lax.rsqrt(d)
        dinv8[...] = di
        hs1[...] = xw[...] * di[:, 0:1]

    return pl.pallas_call(
        body,
        grid=(GB,),
        in_specs=[
            pl.BlockSpec((2, RB, CD), lambda i: (0, i, 0)),
            pl.BlockSpec((RB, C1), lambda i: (i, 0)),
        ],
        out_specs=[
            pl.BlockSpec((RB, C1), lambda i: (i, 0)),
            pl.BlockSpec((RB, CD), lambda i: (i, 0)),
        ],
        out_shape=[
            jax.ShapeDtypeStruct((N, C1), jnp.float32),
            jax.ShapeDtypeStruct((N, CD), jnp.float32),
        ],
    )


@functools.lru_cache(maxsize=None)
def _make_stage2(N, NP, C1, C2, CD):
    GB = 10
    RB = N // GB

    def body(acc1, hs1, dinv8, b1, w2, hs2):
        di = dinv8[:, 0:1]
        h = jnp.maximum((acc1[0] + acc1[1] + hs1[...]) * di + b1[...], 0.0)
        hs2[...] = (
            jnp.dot(h, w2[...], preferred_element_type=jnp.float32) * di
        )

    return pl.pallas_call(
        body,
        grid=(GB,),
        in_specs=[
            pl.BlockSpec((2, RB, C1), lambda i: (0, i, 0)),
            pl.BlockSpec((RB, C1), lambda i: (i, 0)),
            pl.BlockSpec((RB, CD), lambda i: (i, 0)),
            pl.BlockSpec((1, C1), lambda i: (0, 0)),
            pl.BlockSpec((C1, C2), lambda i: (0, 0)),
        ],
        out_specs=pl.BlockSpec((RB, C2), lambda i: (i, 0)),
        out_shape=jax.ShapeDtypeStruct((N, C2), jnp.float32),
    )


@functools.lru_cache(maxsize=None)
def _make_stage3(N, NP, C2, CD, OUT):
    GB = 10
    RB = N // GB

    def body(acc2, hs2, dinv8, b2, z):
        di = dinv8[:, 0:1]
        v = (acc2[0] + acc2[1] + hs2[...]) * di + b2[...]
        z[...] = v[:, :OUT]

    return pl.pallas_call(
        body,
        grid=(GB,),
        in_specs=[
            pl.BlockSpec((2, RB, C2), lambda i: (0, i, 0)),
            pl.BlockSpec((RB, C2), lambda i: (i, 0)),
            pl.BlockSpec((RB, CD), lambda i: (i, 0)),
            pl.BlockSpec((1, C2), lambda i: (0, 0)),
        ],
        out_specs=pl.BlockSpec((RB, OUT), lambda i: (i, 0)),
        out_shape=jax.ShapeDtypeStruct((N, OUT), jnp.float32),
    )


def kernel(x, edge_index, W1, b1, W2, b2):
    N, IN = x.shape
    HID = W1.shape[1]
    OUT = W2.shape[1]
    E = edge_index.shape[1]
    assert N % NS == 0

    C1 = 32
    C2 = 16
    CD = 8

    f32 = jnp.float32
    src = edge_index[0].astype(jnp.int32)
    dst = edge_index[1].astype(jnp.int32)
    NP = _pad_rows(N)
    EP = -(-E // (NW * K)) * (NW * K)
    CPT = EP // (NW * K)
    CPT0_L1 = min(2 * CPT - 9, int(round(2 * CPT * 0.72)))
    CPT0_L2 = min(2 * CPT - 9, int(round(2 * CPT * 0.58)))
    spare = max(CPT0_L1, CPT0_L2) - CPT
    pad = EP - E + spare * K
    if pad:
        src = jnp.concatenate([src, jnp.zeros((pad,), jnp.int32)])
        pad_dst = N + jnp.arange(pad, dtype=jnp.int32) % (NP - N)
        dst = jnp.concatenate([dst, pad_dst])
    src2 = src.reshape(-1, K)
    dst2 = dst.reshape(-1, K)

    W1p = jnp.zeros((IN, C1), f32).at[:, :HID].set(W1)
    b1p = jnp.zeros((1, C1), f32).at[0, :HID].set(b1)
    W2p = jnp.zeros((C1, C2), f32).at[:HID, :OUT].set(W2)
    b2p = jnp.zeros((1, C2), f32).at[0, :OUT].set(b2)
    ROWS_T = _pad_rows(N) // NS
    zerosD = jnp.zeros((ROWS_T, CD), f32)
    zeros1 = jnp.zeros((ROWS_T, C1), f32)
    zeros2 = jnp.zeros((ROWS_T, C2), f32)
    onesD = jnp.ones((K, CD), f32)

    xw1 = _make_mm(N, IN, C1)(x, W1p)
    deg_parts = _make_seg_sum(N, EP, CD, False, CPT)(onesD, dst2, zerosD)
    hs1, dinv8 = _make_stage1(N, NP, C1, CD)(deg_parts, xw1)
    acc1 = _make_seg_sum(N, EP, C1, True, CPT0_L1)(hs1, src2, dst2, zeros1)
    hs2 = _make_stage2(N, NP, C1, C2, CD)(acc1, hs1, dinv8, b1p, W2p)
    acc2 = _make_seg_sum(N, EP, C2, True, CPT0_L2)(hs2, src2, dst2, zeros2)
    return _make_stage3(N, NP, C2, CD, OUT)(acc2, hs2, dinv8, b2p)

# --- scband reference (transcript-rebuilt; emitter-appended) ---
"""Pipeline reference for scband-points-of-interest-61495341744389 (READ-ONLY COPY).

The authoritative reference and input builder live on the scoring server;
editing this copy changes nothing except your own understanding.
"""

import jax, jax.numpy as jnp
import numpy as np

N_NODES = 10000
N_EDGES = 320000
IN_CH = 128
OUT_CH = 10
HID_CH = 2 * OUT_CH


def setup_inputs(seed: int = 0) -> dict:
    key = jax.random.key(seed)
    k1, k2, k3, k4, k5, k6 = jax.random.split(key, 6)
    x = jax.random.normal(k1, (N_NODES, IN_CH), dtype=jnp.float32)
    edge_index = jax.random.randint(k2, (2, N_EDGES), 0, N_NODES, dtype=jnp.int64)
    # glorot-style init for GCNConv weights
    W1 = jax.random.normal(k3, (IN_CH, HID_CH), dtype=jnp.float32) * (1.0 / np.sqrt(IN_CH))
    b1 = jnp.zeros((HID_CH,), dtype=jnp.float32)
    W2 = jax.random.normal(k4, (HID_CH, OUT_CH), dtype=jnp.float32) * (1.0 / np.sqrt(HID_CH))
    b2 = jnp.zeros((OUT_CH,), dtype=jnp.float32)
    return {"x": x, "edge_index": edge_index, "W1": W1, "b1": b1, "W2": W2, "b2": b2}


def _gcn_conv(x, src, dst, norm, W, b):
    # x' = D^{-1/2} (A + I) D^{-1/2} x W + b
    h = x @ W
    msg = h[src] * norm[:, None]
    out = jax.ops.segment_sum(msg, dst, num_segments=x.shape[0])
    return out + b


def reference(x, edge_index, W1, b1, W2, b2):
    N = x.shape[0]
    loop = jnp.arange(N, dtype=edge_index.dtype)
    src = jnp.concatenate([edge_index[0], loop])
    dst = jnp.concatenate([edge_index[1], loop])
    deg = jnp.zeros((N,), dtype=jnp.float32).at[dst].add(1.0)
    dinv = jnp.where(deg > 0, jax.lax.rsqrt(deg), 0.0)
    norm = dinv[src] * dinv[dst]
    h = _gcn_conv(x, src, dst, norm, W1, b1)
    h = jax.nn.relu(h)
    z = _gcn_conv(h, src, dst, norm, W2, b2)
    return z

if __name__ == "__main__":
    import jax
    _d = setup_inputs()
    print(jax.jit(kernel)(*tuple(_d.values())))

</pallas_src>

<mosaic_0001>
#map = affine_map<(d0, d1) -> (0, 0)>
#map1 = affine_map<(d0, d1) -> (0, 0, 0)>
module attributes {stable_mosaic.version = 14 : i64} {
  func.func @k(%arg0: i32, %arg1: i32, %arg2: memref<10000x16xf32, #tpu.memory_space<hbm>>, %arg3: memref<2563x128xi32, #tpu.memory_space<hbm>>, %arg4: memref<2563x128xi32, #tpu.memory_space<hbm>>, %arg5: memref<632x16xf32, #tpu.memory_space<hbm>>, %arg6: memref<2x10112x16xf32, #tpu.memory_space<hbm>>, %arg7: memref<10112x16xf32, #tpu.memory_space<vmem_shared>>, %arg8: memref<92x128xi32, #tpu.memory_space<vmem>>, %arg9: memref<16x128x16xf32, #tpu.memory_space<vmem>>, %arg10: memref<!tpu.dma_semaphore, #tpu.memory_space<semaphore_mem>>, %arg11: memref<92x128xi32, #tpu.memory_space<vmem>>, %arg12: memref<!tpu.dma_semaphore, #tpu.memory_space<semaphore_mem>>) attributes {dimension_semantics = [#tpu.dimension_semantics<core_parallel>, #tpu.dimension_semantics<subcore_parallel>], iteration_bounds = array<i64: 2, 16>, scalar_prefetch = 0 : i64, scratch_operands = 6 : i64, tpu.core_type = #tpu.core_type<sc_vector_subcore>, window_params = [{transform_indices = #map}, {transform_indices = #map}, {transform_indices = #map}, {transform_indices = #map}, {transform_indices = #map1}]} {
    %mul3A = arith.constant 26 : i32
    %mul3A_0 = arith.muli %arg0, %mul3A : i32
    %sub3A = arith.constant 92 : i32
    %sub3A_1 = arith.subi %sub3A, %mul3A_0 : i32
    %mul3A_2 = arith.constant 1472 : i32
    %mul3A_3 = arith.muli %arg0, %mul3A_2 : i32
    %mul3A_4 = arith.muli %arg1, %sub3A_1 : i32
    %add3A = arith.addi %mul3A_3, %mul3A_4 : i32
    "tpu.region"() ({
      %run_scoped3A = tpu.sem_alloc : memref<!tpu.dma_semaphore, #tpu.memory_space<semaphore_mem>>
      %dma_start3A_309 = arith.constant 0 : i32
      %dma_start3A_310 = tpu.memref_slice %arg4[%add3A, %dma_start3A_309] : memref<2563x128xi32, #tpu.memory_space<hbm>> -> memref<92x128xi32, #tpu.memory_space<hbm>>
      %dma_start3A_311 = arith.constant 0 : i32
      %dma_start3A_312 = tpu.memref_slice %arg4[%add3A, %dma_start3A_311] : memref<2563x128xi32, #tpu.memory_space<hbm>> -> memref<92x128xi32, #tpu.memory_space<hbm>>
      tpu.enqueue_dma source(%dma_start3A_312 : memref<92x128xi32, #tpu.memory_space<hbm>>) target(%arg8 : memref<92x128xi32, #tpu.memory_space<vmem>>) target_semaphore(%run_scoped3A : memref<!tpu.dma_semaphore, #tpu.memory_space<semaphore_mem>>)
      %dma_wait3A_313 = arith.constant 0 : i32
      %dma_wait3A_314 = tpu.memref_slice %arg4[%add3A, %dma_wait3A_313] : memref<2563x128xi32, #tpu.memory_space<hbm>> -> memref<92x128xi32, #tpu.memory_space<hbm>>
      %dma_wait3A_315 = arith.constant 0 : i32
      %dma_wait3A_316 = tpu.memref_slice %arg4[%add3A, %dma_wait3A_315] : memref<2563x128xi32, #tpu.memory_space<hbm>> -> memref<92x128xi32, #tpu.memory_space<hbm>>
      tpu.wait_dma2 semaphore(%run_scoped3A : memref<!tpu.dma_semaphore, #tpu.memory_space<semaphore_mem>>) src(%dma_wait3A_316 : memref<92x128xi32, #tpu.memory_space<hbm>>) dst(%arg8 : memref<92x128xi32, #tpu.memory_space<vmem>>)
      tpu.yield
    }) : () -> ()
    "tpu.region"() ({
      %run_scoped3A = tpu.sem_alloc : memref<!tpu.dma_semaphore, #tpu.memory_space<semaphore_mem>>
      %dma_start3A_309 = arith.constant 0 : i32
      %dma_start3A_310 = tpu.memref_slice %arg3[%add3A, %dma_start3A_309] : memref<2563x128xi32, #tpu.memory_space<hbm>> -> memref<92x128xi32, #tpu.memory_space<hbm>>
      %dma_start3A_311 = arith.constant 0 : i32
      %dma_start3A_312 = tpu.memref_slice %arg3[%add3A, %dma_start3A_311] : memref<2563x128xi32, #tpu.memory_space<hbm>> -> memref<92x128xi32, #tpu.memory_space<hbm>>
      tpu.enqueue_dma source(%dma_start3A_312 : memref<92x128xi32, #tpu.memory_space<hbm>>) target(%arg11 : memref<92x128xi32, #tpu.memory_space<vmem>>) target_semaphore(%run_scoped3A : memref<!tpu.dma_semaphore, #tpu.memory_space<semaphore_mem>>)
      %dma_wait3A_313 = arith.constant 0 : i32
      %dma_wait3A_314 = tpu.memref_slice %arg3[%add3A, %dma_wait3A_313] : memref<2563x128xi32, #tpu.memory_space<hbm>> -> memref<92x128xi32, #tpu.memory_space<hbm>>
      %dma_wait3A_315 = arith.constant 0 : i32
      %dma_wait3A_316 = tpu.memref_slice %arg3[%add3A, %dma_wait3A_315] : memref<2563x128xi32, #tpu.memory_space<hbm>> -> memref<92x128xi32, #tpu.memory_space<hbm>>
      tpu.wait_dma2 semaphore(%run_scoped3A : memref<!tpu.dma_semaphore, #tpu.memory_space<semaphore_mem>>) src(%dma_wait3A_316 : memref<92x128xi32, #tpu.memory_space<hbm>>) dst(%arg11 : memref<92x128xi32, #tpu.memory_space<vmem>>)
      tpu.yield
    }) : () -> ()
    %dma_start3A = arith.constant 0 : i32
    %dma_start3A_5 = arith.constant 0 : i32
    %dma_start3A_6 = arith.constant 0 : i32
    %dma_start3A_7 = arith.constant 0 : i32
    %dma_start3A_8 = tpu.memref_slice %arg9[%dma_start3A_5, %dma_start3A_6, %dma_start3A_7] : memref<16x128x16xf32, #tpu.memory_space<vmem>> -> memref<1x128x16xf32, #tpu.memory_space<vmem>>
    %dma_start3A_9 = tpu.memref_squeeze %dma_start3A_8 : memref<1x128x16xf32, #tpu.memory_space<vmem>> -> memref<128x16xf32, #tpu.memory_space<vmem>>
    %dma_start3A_10 = arith.constant 0 : i32
    %dma_start3A_11 = tpu.memref_slice %arg11[%dma_start3A, %dma_start3A_10] : memref<92x128xi32, #tpu.memory_space<vmem>> -> memref<1x128xi32, #tpu.memory_space<vmem>>
    %dma_start3A_12 = tpu.memref_squeeze %dma_start3A_11 : memref<1x128xi32, #tpu.memory_space<vmem>> -> memref<128xi32, #tpu.memory_space<vmem>>
    %dma_start3A_13 = arith.constant 0 : i32
    %dma_start3A_14 = arith.constant 0 : i32
    %dma_start3A_15 = tpu.memref_slice %arg2[%dma_start3A_13, %dma_start3A_14] : memref<10000x16xf32, #tpu.memory_space<hbm>> -> memref<10000x16xf32, #tpu.memory_space<hbm>>
    tpu.enqueue_indirect_dma source(%dma_start3A_15 : memref<10000x16xf32, #tpu.memory_space<hbm>>) target(%dma_start3A_9 : memref<128x16xf32, #tpu.memory_space<vmem>>) offsets(%dma_start3A_12 : memref<128xi32, #tpu.memory_space<vmem>>) semaphore(%arg12 : memref<!tpu.dma_semaphore, #tpu.memory_space<semaphore_mem>>)
    %dma_start3A_16 = arith.constant 1 : i32
    %dma_start3A_17 = arith.constant 1 : i32
    %dma_start3A_18 = arith.constant 0 : i32
    %dma_start3A_19 = arith.constant 0 : i32
    %dma_start3A_20 = tpu.memref_slice %arg9[%dma_start3A_17, %dma_start3A_18, %dma_start3A_19] : memref<16x128x16xf32, #tpu.memory_space<vmem>> -> memref<1x128x16xf32, #tpu.memory_space<vmem>>
    %dma_start3A_21 = tpu.memref_squeeze %dma_start3A_20 : memref<1x128x16xf32, #tpu.memory_space<vmem>> -> memref<128x16xf32, #tpu.memory_space<vmem>>
    %dma_start3A_22 = arith.constant 0 : i32
    %dma_start3A_23 = tpu.memref_slice %arg11[%dma_start3A_16, %dma_start3A_22] : memref<92x128xi32, #tpu.memory_space<vmem>> -> memref<1x128xi32, #tpu.memory_space<vmem>>
    %dma_start3A_24 = tpu.memref_squeeze %dma_start3A_23 : memref<1x128xi32, #tpu.memory_space<vmem>> -> memref<128xi32, #tpu.memory_space<vmem>>
    %dma_start3A_25 = arith.constant 0 : i32
    %dma_start3A_26 = arith.constant 0 : i32
    %dma_start3A_27 = tpu.memref_slice %arg2[%dma_start3A_25, %dma_start3A_26] : memref<10000x16xf32, #tpu.memory_space<hbm>> -> memref<10000x16xf32, #tpu.memory_space<hbm>>
    tpu.enqueue_indirect_dma source(%dma_start3A_27 : memref<10000x16xf32, #tpu.memory_space<hbm>>) target(%dma_start3A_21 : memref<128x16xf32, #tpu.memory_space<vmem>>) offsets(%dma_start3A_24 : memref<128xi32, #tpu.memory_space<vmem>>) semaphore(%arg12 : memref<!tpu.dma_semaphore, #tpu.memory_space<semaphore_mem>>)
    %dma_start3A_28 = arith.constant 2 : i32
    %dma_start3A_29 = arith.constant 2 : i32
    %dma_start3A_30 = arith.constant 0 : i32
    %dma_start3A_31 = arith.constant 0 : i32
    %dma_start3A_32 = tpu.memref_slice %arg9[%dma_start3A_29, %dma_start3A_30, %dma_start3A_31] : memref<16x128x16xf32, #tpu.memory_space<vmem>> -> memref<1x128x16xf32, #tpu.memory_space<vmem>>
    %dma_start3A_33 = tpu.memref_squeeze %dma_start3A_32 : memref<1x128x16xf32, #tpu.memory_space<vmem>> -> memref<128x16xf32, #tpu.memory_space<vmem>>
    %dma_start3A_34 = arith.constant 0 : i32
    %dma_start3A_35 = tpu.memref_slice %arg11[%dma_start3A_28, %dma_start3A_34] : memref<92x128xi32, #tpu.memory_space<vmem>> -> memref<1x128xi32, #tpu.memory_space<vmem>>
    %dma_start3A_36 = tpu.memref_squeeze %dma_start3A_35 : memref<1x128xi32, #tpu.memory_space<vmem>> -> memref<128xi32, #tpu.memory_space<vmem>>
    %dma_start3A_37 = arith.constant 0 : i32
    %dma_start3A_38 = arith.constant 0 : i32
    %dma_start3A_39 = tpu.memref_slice %arg2[%dma_start3A_37, %dma_start3A_38] : memref<10000x16xf32, #tpu.memory_space<hbm>> -> memref<10000x16xf32, #tpu.memory_space<hbm>>
    tpu.enqueue_indirect_dma source(%dma_start3A_39 : memref<10000x16xf32, #tpu.memory_space<hbm>>) target(%dma_start3A_33 : memref<128x16xf32, #tpu.memory_space<vmem>>) offsets(%dma_start3A_36 : memref<128xi32, #tpu.memory_space<vmem>>) semaphore(%arg12 : memref<!tpu.dma_semaphore, #tpu.memory_space<semaphore_mem>>)
    %dma_start3A_40 = arith.constant 3 : i32
    %dma_start3A_41 = arith.constant 3 : i32
    %dma_start3A_42 = arith.constant 0 : i32
    %dma_start3A_43 = arith.constant 0 : i32
    %dma_start3A_44 = tpu.memref_slice %arg9[%dma_start3A_41, %dma_start3A_42, %dma_start3A_43] : memref<16x128x16xf32, #tpu.memory_space<vmem>> -> memref<1x128x16xf32, #tpu.memory_space<vmem>>
    %dma_start3A_45 = tpu.memref_squeeze %dma_start3A_44 : memref<1x128x16xf32, #tpu.memory_space<vmem>> -> memref<128x16xf32, #tpu.memory_space<vmem>>
    %dma_start3A_46 = arith.constant 0 : i32
    %dma_start3A_47 = tpu.memref_slice %arg11[%dma_start3A_40, %dma_start3A_46] : memref<92x128xi32, #tpu.memory_space<vmem>> -> memref<1x128xi32, #tpu.memory_space<vmem>>
    %dma_start3A_48 = tpu.memref_squeeze %dma_start3A_47 : memref<1x128xi32, #tpu.memory_space<vmem>> -> memref<128xi32, #tpu.memory_space<vmem>>
    %dma_start3A_49 = arith.constant 0 : i32
    %dma_start3A_50 = arith.constant 0 : i32
    %dma_start3A_51 = tpu.memref_slice %arg2[%dma_start3A_49, %dma_start3A_50] : memref<10000x16xf32, #tpu.memory_space<hbm>> -> memref<10000x16xf32, #tpu.memory_space<hbm>>
    tpu.enqueue_indirect_dma source(%dma_start3A_51 : memref<10000x16xf32, #tpu.memory_space<hbm>>) target(%dma_start3A_45 : memref<128x16xf32, #tpu.memory_space<vmem>>) offsets(%dma_start3A_48 : memref<128xi32, #tpu.memory_space<vmem>>) semaphore(%arg12 : memref<!tpu.dma_semaphore, #tpu.memory_space<semaphore_mem>>)
    %dma_start3A_52 = arith.constant 4 : i32
    %dma_start3A_53 = arith.constant 4 : i32
    %dma_start3A_54 = arith.constant 0 : i32
    %dma_start3A_55 = arith.constant 0 : i32
    %dma_start3A_56 = tpu.memref_slice %arg9[%dma_start3A_53, %dma_start3A_54, %dma_start3A_55] : memref<16x128x16xf32, #tpu.memory_space<vmem>> -> memref<1x128x16xf32, #tpu.memory_space<vmem>>
    %dma_start3A_57 = tpu.memref_squeeze %dma_start3A_56 : memref<1x128x16xf32, #tpu.memory_space<vmem>> -> memref<128x16xf32, #tpu.memory_space<vmem>>
    %dma_start3A_58 = arith.constant 0 : i32
    %dma_start3A_59 = tpu.memref_slice %arg11[%dma_start3A_52, %dma_start3A_58] : memref<92x128xi32, #tpu.memory_space<vmem>> -> memref<1x128xi32, #tpu.memory_space<vmem>>
    %dma_start3A_60 = tpu.memref_squeeze %dma_start3A_59 : memref<1x128xi32, #tpu.memory_space<vmem>> -> memref<128xi32, #tpu.memory_space<vmem>>
    %dma_start3A_61 = arith.constant 0 : i32
    %dma_start3A_62 = arith.constant 0 : i32
    %dma_start3A_63 = tpu.memref_slice %arg2[%dma_start3A_61, %dma_start3A_62] : memref<10000x16xf32, #tpu.memory_space<hbm>> -> memref<10000x16xf32, #tpu.memory_space<hbm>>
    tpu.enqueue_indirect_dma source(%dma_start3A_63 : memref<10000x16xf32, #tpu.memory_space<hbm>>) target(%dma_start3A_57 : memref<128x16xf32, #tpu.memory_space<vmem>>) offsets(%dma_start3A_60 : memref<128xi32, #tpu.memory_space<vmem>>) semaphore(%arg12 : memref<!tpu.dma_semaphore, #tpu.memory_space<semaphore_mem>>)
    %dma_start3A_64 = arith.constant 5 : i32
    %dma_start3A_65 = arith.constant 5 : i32
    %dma_start3A_66 = arith.constant 0 : i32
    %dma_start3A_67 = arith.constant 0 : i32
    %dma_start3A_68 = tpu.memref_slice %arg9[%dma_start3A_65, %dma_start3A_66, %dma_start3A_67] : memref<16x128x16xf32, #tpu.memory_space<vmem>> -> memref<1x128x16xf32, #tpu.memory_space<vmem>>
    %dma_start3A_69 = tpu.memref_squeeze %dma_start3A_68 : memref<1x128x16xf32, #tpu.memory_space<vmem>> -> memref<128x16xf32, #tpu.memory_space<vmem>>
    %dma_start3A_70 = arith.constant 0 : i32
    %dma_start3A_71 = tpu.memref_slice %arg11[%dma_start3A_64, %dma_start3A_70] : memref<92x128xi32, #tpu.memory_space<vmem>> -> memref<1x128xi32, #tpu.memory_space<vmem>>
    %dma_start3A_72 = tpu.memref_squeeze %dma_start3A_71 : memref<1x128xi32, #tpu.memory_space<vmem>> -> memref<128xi32, #tpu.memory_space<vmem>>
    %dma_start3A_73 = arith.constant 0 : i32
    %dma_start3A_74 = arith.constant 0 : i32
    %dma_start3A_75 = tpu.memref_slice %arg2[%dma_start3A_73, %dma_start3A_74] : memref<10000x16xf32, #tpu.memory_space<hbm>> -> memref<10000x16xf32, #tpu.memory_space<hbm>>
    tpu.enqueue_indirect_dma source(%dma_start3A_75 : memref<10000x16xf32, #tpu.memory_space<hbm>>) target(%dma_start3A_69 : memref<128x16xf32, #tpu.memory_space<vmem>>) offsets(%dma_start3A_72 : memref<128xi32, #tpu.memory_space<vmem>>) semaphore(%arg12 : memref<!tpu.dma_semaphore, #tpu.memory_space<semaphore_mem>>)
    %dma_start3A_76 = arith.constant 6 : i32
    %dma_start3A_77 = arith.constant 6 : i32
    %dma_start3A_78 = arith.constant 0 : i32
    %dma_start3A_79 = arith.constant 0 : i32
    %dma_start3A_80 = tpu.memref_slice %arg9[%dma_start3A_77, %dma_start3A_78, %dma_start3A_79] : memref<16x128x16xf32, #tpu.memory_space<vmem>> -> memref<1x128x16xf32, #tpu.memory_space<vmem>>
    %dma_start3A_81 = tpu.memref_squeeze %dma_start3A_80 : memref<1x128x16xf32, #tpu.memory_space<vmem>> -> memref<128x16xf32, #tpu.memory_space<vmem>>
    %dma_start3A_82 = arith.constant 0 : i32
    %dma_start3A_83 = tpu.memref_slice %arg11[%dma_start3A_76, %dma_start3A_82] : memref<92x128xi32, #tpu.memory_space<vmem>> -> memref<1x128xi32, #tpu.memory_space<vmem>>
    %dma_start3A_84 = tpu.memref_squeeze %dma_start3A_83 : memref<1x128xi32, #tpu.memory_space<vmem>> -> memref<128xi32, #tpu.memory_space<vmem>>
    %dma_start3A_85 = arith.constant 0 : i32
    %dma_start3A_86 = arith.constant 0 : i32
    %dma_start3A_87 = tpu.memref_slice %arg2[%dma_start3A_85, %dma_start3A_86] : memref<10000x16xf32, #tpu.memory_space<hbm>> -> memref<10000x16xf32, #tpu.memory_space<hbm>>
    tpu.enqueue_indirect_dma source(%dma_start3A_87 : memref<10000x16xf32, #tpu.memory_space<hbm>>) target(%dma_start3A_81 : memref<128x16xf32, #tpu.memory_space<vmem>>) offsets(%dma_start3A_84 : memref<128xi32, #tpu.memory_space<vmem>>) semaphore(%arg12 : memref<!tpu.dma_semaphore, #tpu.memory_space<semaphore_mem>>)
    %dma_start3A_88 = arith.constant 7 : i32
    %dma_start3A_89 = arith.constant 7 : i32
    %dma_start3A_90 = arith.constant 0 : i32
    %dma_start3A_91 = arith.constant 0 : i32
    %dma_start3A_92 = tpu.memref_slice %arg9[%dma_start3A_89, %dma_start3A_90, %dma_start3A_91] : memref<16x128x16xf32, #tpu.memory_space<vmem>> -> memref<1x128x16xf32, #tpu.memory_space<vmem>>
    %dma_start3A_93 = tpu.memref_squeeze %dma_start3A_92 : memref<1x128x16xf32, #tpu.memory_space<vmem>> -> memref<128x16xf32, #tpu.memory_space<vmem>>
    %dma_start3A_94 = arith.constant 0 : i32
    %dma_start3A_95 = tpu.memref_slice %arg11[%dma_start3A_88, %dma_start3A_94] : memref<92x128xi32, #tpu.memory_space<vmem>> -> memref<1x128xi32, #tpu.memory_space<vmem>>
    %dma_start3A_96 = tpu.memref_squeeze %dma_start3A_95 : memref<1x128xi32, #tpu.memory_space<vmem>> -> memref<128xi32, #tpu.memory_space<vmem>>
    %dma_start3A_97 = arith.constant 0 : i32
    %dma_start3A_98 = arith.constant 0 : i32
    %dma_start3A_99 = tpu.memref_slice %arg2[%dma_start3A_97, %dma_start3A_98] : memref<10000x16xf32, #tpu.memory_space<hbm>> -> memref<10000x16xf32, #tpu.memory_space<hbm>>
    tpu.enqueue_indirect_dma source(%dma_start3A_99 : memref<10000x16xf32, #tpu.memory_space<hbm>>) target(%dma_start3A_93 : memref<128x16xf32, #tpu.memory_space<vmem>>) offsets(%dma_start3A_96 : memref<128xi32, #tpu.memory_space<vmem>>) semaphore(%arg12 : memref<!tpu.dma_semaphore, #tpu.memory_space<semaphore_mem>>)
    %dma_start3A_100 = arith.constant 8 : i32
    %dma_start3A_101 = arith.constant 8 : i32
    %dma_start3A_102 = arith.constant 0 : i32
    %dma_start3A_103 = arith.constant 0 : i32
    %dma_start3A_104 = tpu.memref_slice %arg9[%dma_start3A_101, %dma_start3A_102, %dma_start3A_103] : memref<16x128x16xf32, #tpu.memory_space<vmem>> -> memref<1x128x16xf32, #tpu.memory_space<vmem>>
    %dma_start3A_105 = tpu.memref_squeeze %dma_start3A_104 : memref<1x128x16xf32, #tpu.memory_space<vmem>> -> memref<128x16xf32, #tpu.memory_space<vmem>>
    %dma_start3A_106 = arith.constant 0 : i32
    %dma_start3A_107 = tpu.memref_slice %arg11[%dma_start3A_100, %dma_start3A_106] : memref<92x128xi32, #tpu.memory_space<vmem>> -> memref<1x128xi32, #tpu.memory_space<vmem>>
    %dma_start3A_108 = tpu.memref_squeeze %dma_start3A_107 : memref<1x128xi32, #tpu.memory_space<vmem>> -> memref<128xi32, #tpu.memory_space<vmem>>
    %dma_start3A_109 = arith.constant 0 : i32
    %dma_start3A_110 = arith.constant 0 : i32
    %dma_start3A_111 = tpu.memref_slice %arg2[%dma_start3A_109, %dma_start3A_110] : memref<10000x16xf32, #tpu.memory_space<hbm>> -> memref<10000x16xf32, #tpu.memory_space<hbm>>
    tpu.enqueue_indirect_dma source(%dma_start3A_111 : memref<10000x16xf32, #tpu.memory_space<hbm>>) target(%dma_start3A_105 : memref<128x16xf32, #tpu.memory_space<vmem>>) offsets(%dma_start3A_108 : memref<128xi32, #tpu.memory_space<vmem>>) semaphore(%arg12 : memref<!tpu.dma_semaphore, #tpu.memory_space<semaphore_mem>>)
    %dma_start3A_112 = arith.constant 9 : i32
    %dma_start3A_113 = arith.constant 9 : i32
    %dma_start3A_114 = arith.constant 0 : i32
    %dma_start3A_115 = arith.constant 0 : i32
    %dma_start3A_116 = tpu.memref_slice %arg9[%dma_start3A_113, %dma_start3A_114, %dma_start3A_115] : memref<16x128x16xf32, #tpu.memory_space<vmem>> -> memref<1x128x16xf32, #tpu.memory_space<vmem>>
    %dma_start3A_117 = tpu.memref_squeeze %dma_start3A_116 : memref<1x128x16xf32, #tpu.memory_space<vmem>> -> memref<128x16xf32, #tpu.memory_space<vmem>>
    %dma_start3A_118 = arith.constant 0 : i32
    %dma_start3A_119 = tpu.memref_slice %arg11[%dma_start3A_112, %dma_start3A_118] : memref<92x128xi32, #tpu.memory_space<vmem>> -> memref<1x128xi32, #tpu.memory_space<vmem>>
    %dma_start3A_120 = tpu.memref_squeeze %dma_start3A_119 : memref<1x128xi32, #tpu.memory_space<vmem>> -> memref<128xi32, #tpu.memory_space<vmem>>
    %dma_start3A_121 = arith.constant 0 : i32
    %dma_start3A_122 = arith.constant 0 : i32
    %dma_start3A_123 = tpu.memref_slice %arg2[%dma_start3A_121, %dma_start3A_122] : memref<10000x16xf32, #tpu.memory_space<hbm>> -> memref<10000x16xf32, #tpu.memory_space<hbm>>
    tpu.enqueue_indirect_dma source(%dma_start3A_123 : memref<10000x16xf32, #tpu.memory_space<hbm>>) target(%dma_start3A_117 : memref<128x16xf32, #tpu.memory_space<vmem>>) offsets(%dma_start3A_120 : memref<128xi32, #tpu.memory_space<vmem>>) semaphore(%arg12 : memref<!tpu.dma_semaphore, #tpu.memory_space<semaphore_mem>>)
    %dma_start3A_124 = arith.constant 10 : i32
    %dma_start3A_125 = arith.constant 10 : i32
    %dma_start3A_126 = arith.constant 0 : i32
    %dma_start3A_127 = arith.constant 0 : i32
    %dma_start3A_128 = tpu.memref_slice %arg9[%dma_start3A_125, %dma_start3A_126, %dma_start3A_127] : memref<16x128x16xf32, #tpu.memory_space<vmem>> -> memref<1x128x16xf32, #tpu.memory_space<vmem>>
    %dma_start3A_129 = tpu.memref_squeeze %dma_start3A_128 : memref<1x128x16xf32, #tpu.memory_space<vmem>> -> memref<128x16xf32, #tpu.memory_space<vmem>>
    %dma_start3A_130 = arith.constant 0 : i32
    %dma_start3A_131 = tpu.memref_slice %arg11[%dma_start3A_124, %dma_start3A_130] : memref<92x128xi32, #tpu.memory_space<vmem>> -> memref<1x128xi32, #tpu.memory_space<vmem>>
    %dma_start3A_132 = tpu.memref_squeeze %dma_start3A_131 : memref<1x128xi32, #tpu.memory_space<vmem>> -> memref<128xi32, #tpu.memory_space<vmem>>
    %dma_start3A_133 = arith.constant 0 : i32
    %dma_start3A_134 = arith.constant 0 : i32
    %dma_start3A_135 = tpu.memref_slice %arg2[%dma_start3A_133, %dma_start3A_134] : memref<10000x16xf32, #tpu.memory_space<hbm>> -> memref<10000x16xf32, #tpu.memory_space<hbm>>
    tpu.enqueue_indirect_dma source(%dma_start3A_135 : memref<10000x16xf32, #tpu.memory_space<hbm>>) target(%dma_start3A_129 : memref<128x16xf32, #tpu.memory_space<vmem>>) offsets(%dma_start3A_132 : memref<128xi32, #tpu.memory_space<vmem>>) semaphore(%arg12 : memref<!tpu.dma_semaphore, #tpu.memory_space<semaphore_mem>>)
    %dma_start3A_136 = arith.constant 11 : i32
    %dma_start3A_137 = arith.constant 11 : i32
    %dma_start3A_138 = arith.constant 0 : i32
    %dma_start3A_139 = arith.constant 0 : i32
    %dma_start3A_140 = tpu.memref_slice %arg9[%dma_start3A_137, %dma_start3A_138, %dma_start3A_139] : memref<16x128x16xf32, #tpu.memory_space<vmem>> -> memref<1x128x16xf32, #tpu.memory_space<vmem>>
    %dma_start3A_141 = tpu.memref_squeeze %dma_start3A_140 : memref<1x128x16xf32, #tpu.memory_space<vmem>> -> memref<128x16xf32, #tpu.memory_space<vmem>>
    %dma_start3A_142 = arith.constant 0 : i32
    %dma_start3A_143 = tpu.memref_slice %arg11[%dma_start3A_136, %dma_start3A_142] : memref<92x128xi32, #tpu.memory_space<vmem>> -> memref<1x128xi32, #tpu.memory_space<vmem>>
    %dma_start3A_144 = tpu.memref_squeeze %dma_start3A_143 : memref<1x128xi32, #tpu.memory_space<vmem>> -> memref<128xi32, #tpu.memory_space<vmem>>
    %dma_start3A_145 = arith.constant 0 : i32
    %dma_start3A_146 = arith.constant 0 : i32
    %dma_start3A_147 = tpu.memref_slice %arg2[%dma_start3A_145, %dma_start3A_146] : memref<10000x16xf32, #tpu.memory_space<hbm>> -> memref<10000x16xf32, #tpu.memory_space<hbm>>
    tpu.enqueue_indirect_dma source(%dma_start3A_147 : memref<10000x16xf32, #tpu.memory_space<hbm>>) target(%dma_start3A_141 : memref<128x16xf32, #tpu.memory_space<vmem>>) offsets(%dma_start3A_144 : memref<128xi32, #tpu.memory_space<vmem>>) semaphore(%arg12 : memref<!tpu.dma_semaphore, #tpu.memory_space<semaphore_mem>>)
    %dma_start3A_148 = arith.constant 12 : i32
    %dma_start3A_149 = arith.constant 12 : i32
    %dma_start3A_150 = arith.constant 0 : i32
    %dma_start3A_151 = arith.constant 0 : i32
    %dma_start3A_152 = tpu.memref_slice %arg9[%dma_start3A_149, %dma_start3A_150, %dma_start3A_151] : memref<16x128x16xf32, #tpu.memory_space<vmem>> -> memref<1x128x16xf32, #tpu.memory_space<vmem>>
    %dma_start3A_153 = tpu.memref_squeeze %dma_start3A_152 : memref<1x128x16xf32, #tpu.memory_space<vmem>> -> memref<128x16xf32, #tpu.memory_space<vmem>>
    %dma_start3A_154 = arith.constant 0 : i32
    %dma_start3A_155 = tpu.memref_slice %arg11[%dma_start3A_148, %dma_start3A_154] : memref<92x128xi32, #tpu.memory_space<vmem>> -> memref<1x128xi32, #tpu.memory_space<vmem>>
    %dma_start3A_156 = tpu.memref_squeeze %dma_start3A_155 : memref<1x128xi32, #tpu.memory_space<vmem>> -> memref<128xi32, #tpu.memory_space<vmem>>
    %dma_start3A_157 = arith.constant 0 : i32
    %dma_start3A_158 = arith.constant 0 : i32
    %dma_start3A_159 = tpu.memref_slice %arg2[%dma_start3A_157, %dma_start3A_158] : memref<10000x16xf32, #tpu.memory_space<hbm>> -> memref<10000x16xf32, #tpu.memory_space<hbm>>
    tpu.enqueue_indirect_dma source(%dma_start3A_159 : memref<10000x16xf32, #tpu.memory_space<hbm>>) target(%dma_start3A_153 : memref<128x16xf32, #tpu.memory_space<vmem>>) offsets(%dma_start3A_156 : memref<128xi32, #tpu.memory_space<vmem>>) semaphore(%arg12 : memref<!tpu.dma_semaphore, #tpu.memory_space<semaphore_mem>>)
    %mul3A_160 = arith.constant 632 : i32
    %mul3A_161 = arith.muli %arg1, %mul3A_160 : i32
    "tpu.region"() ({
      %run_scoped3A = tpu.sem_alloc : memref<!tpu.dma_semaphore, #tpu.memory_space<semaphore_mem>>
      %dma_start3A_309 = arith.constant 0 : i32
      %dma_start3A_310 = tpu.memref_slice %arg7[%mul3A_161, %dma_start3A_309] : memref<10112x16xf32, #tpu.memory_space<vmem_shared>> -> memref<632x16xf32, #tpu.memory_space<vmem_shared>>
      tpu.enqueue_dma source(%arg5 : memref<632x16xf32, #tpu.memory_space<hbm>>) target(%dma_start3A_310 : memref<632x16xf32, #tpu.memory_space<vmem_shared>>) target_semaphore(%run_scoped3A : memref<!tpu.dma_semaphore, #tpu.memory_space<semaphore_mem>>)
      %dma_wait3A_311 = arith.constant 0 : i32
      %dma_wait3A_312 = tpu.memref_slice %arg7[%mul3A_161, %dma_wait3A_311] : memref<10112x16xf32, #tpu.memory_space<vmem_shared>> -> memref<632x16xf32, #tpu.memory_space<vmem_shared>>
      tpu.wait_dma2 semaphore(%run_scoped3A : memref<!tpu.dma_semaphore, #tpu.memory_space<semaphore_mem>>) src(%arg5 : memref<632x16xf32, #tpu.memory_space<hbm>>) dst(%dma_wait3A_312 : memref<632x16xf32, #tpu.memory_space<vmem_shared>>)
      tpu.yield
    }) : () -> ()
    %barrier3A = arith.constant 0 : index
    tpu.barrier barrier_id(%barrier3A)
    %dma_wait3A = arith.constant 0 : i32
    %dma_wait3A_162 = arith.constant 0 : i32
    %dma_wait3A_163 = arith.constant 0 : i32
    %dma_wait3A_164 = arith.constant 0 : i32
    %dma_wait3A_165 = tpu.memref_slice %arg9[%dma_wait3A_162, %dma_wait3A_163, %dma_wait3A_164] : memref<16x128x16xf32, #tpu.memory_space<vmem>> -> memref<1x128x16xf32, #tpu.memory_space<vmem>>
    %dma_wait3A_166 = tpu.memref_squeeze %dma_wait3A_165 : memref<1x128x16xf32, #tpu.memory_space<vmem>> -> memref<128x16xf32, #tpu.memory_space<vmem>>
    %dma_wait3A_167 = arith.constant 0 : i32
    %dma_wait3A_168 = tpu.memref_slice %arg11[%dma_wait3A, %dma_wait3A_167] : memref<92x128xi32, #tpu.memory_space<vmem>> -> memref<1x128xi32, #tpu.memory_space<vmem>>
    %dma_wait3A_169 = tpu.memref_squeeze %dma_wait3A_168 : memref<1x128xi32, #tpu.memory_space<vmem>> -> memref<128xi32, #tpu.memory_space<vmem>>
    %dma_wait3A_170 = arith.constant 0 : i32
    %dma_wait3A_171 = arith.constant 0 : i32
    %dma_wait3A_172 = tpu.memref_slice %arg2[%dma_wait3A_170, %dma_wait3A_171] : memref<10000x16xf32, #tpu.memory_space<hbm>> -> memref<10000x16xf32, #tpu.memory_space<hbm>>
    tpu.wait_indirect_dma semaphore(%arg12 : memref<!tpu.dma_semaphore, #tpu.memory_space<semaphore_mem>>) src(%dma_wait3A_172 : memref<10000x16xf32, #tpu.memory_space<hbm>>) dst(%dma_wait3A_166 : memref<128x16xf32, #tpu.memory_space<vmem>>)
    %dma_start3A_173 = arith.constant 0 : i32
    %dma_start3A_174 = arith.constant 0 : i32
    %dma_start3A_175 = arith.constant 0 : i32
    %dma_start3A_176 = arith.constant 0 : i32
    %dma_start3A_177 = tpu.memref_slice %arg9[%dma_start3A_173, %dma_start3A_175, %dma_start3A_176] : memref<16x128x16xf32, #tpu.memory_space<vmem>> -> memref<1x128x16xf32, #tpu.memory_space<vmem>>
    %dma_start3A_178 = tpu.memref_squeeze %dma_start3A_177 : memref<1x128x16xf32, #tpu.memory_space<vmem>> -> memref<128x16xf32, #tpu.memory_space<vmem>>
    %dma_start3A_179 = arith.constant 0 : i32
    %dma_start3A_180 = tpu.memref_slice %arg8[%dma_start3A_174, %dma_start3A_179] : memref<92x128xi32, #tpu.memory_space<vmem>> -> memref<1x128xi32, #tpu.memory_space<vmem>>
    %dma_start3A_181 = tpu.memref_squeeze %dma_start3A_180 : memref<1x128xi32, #tpu.memory_space<vmem>> -> memref<128xi32, #tpu.memory_space<vmem>>
    %dma_start3A_182 = arith.constant 0 : i32
    %dma_start3A_183 = arith.constant 0 : i32
    %dma_start3A_184 = tpu.memref_slice %arg7[%dma_start3A_182, %dma_start3A_183] : memref<10112x16xf32, #tpu.memory_space<vmem_shared>> -> memref<10112x16xf32, #tpu.memory_space<vmem_shared>>
    tpu.enqueue_indirect_dma source(%dma_start3A_178 : memref<128x16xf32, #tpu.memory_space<vmem>>) target(%dma_start3A_184 : memref<10112x16xf32, #tpu.memory_space<vmem_shared>>) offsets(%dma_start3A_181 : memref<128xi32, #tpu.memory_space<vmem>>) semaphore(%arg10 : memref<!tpu.dma_semaphore, #tpu.memory_space<semaphore_mem>>) {add = true}
    %dma_start3A_185 = arith.constant 13 : i32
    %dma_start3A_186 = arith.constant 13 : i32
    %dma_start3A_187 = arith.constant 0 : i32
    %dma_start3A_188 = arith.constant 0 : i32
    %dma_start3A_189 = tpu.memref_slice %arg9[%dma_start3A_186, %dma_start3A_187, %dma_start3A_188] : memref<16x128x16xf32, #tpu.memory_space<vmem>> -> memref<1x128x16xf32, #tpu.memory_space<vmem>>
    %dma_start3A_190 = tpu.memref_squeeze %dma_start3A_189 : memref<1x128x16xf32, #tpu.memory_space<vmem>> -> memref<128x16xf32, #tpu.memory_space<vmem>>
    %dma_start3A_191 = arith.constant 0 : i32
    %dma_start3A_192 = tpu.memref_slice %arg11[%dma_start3A_185, %dma_start3A_191] : memref<92x128xi32, #tpu.memory_space<vmem>> -> memref<1x128xi32, #tpu.memory_space<vmem>>
    %dma_start3A_193 = tpu.memref_squeeze %dma_start3A_192 : memref<1x128xi32, #tpu.memory_space<vmem>> -> memref<128xi32, #tpu.memory_space<vmem>>
    %dma_start3A_194 = arith.constant 0 : i32
    %dma_start3A_195 = arith.constant 0 : i32
    %dma_start3A_196 = tpu.memref_slice %arg2[%dma_start3A_194, %dma_start3A_195] : memref<10000x16xf32, #tpu.memory_space<hbm>> -> memref<10000x16xf32, #tpu.memory_space<hbm>>
    tpu.enqueue_indirect_dma source(%dma_start3A_196 : memref<10000x16xf32, #tpu.memory_space<hbm>>) target(%dma_start3A_190 : memref<128x16xf32, #tpu.memory_space<vmem>>) offsets(%dma_start3A_193 : memref<128xi32, #tpu.memory_space<vmem>>) semaphore(%arg12 : memref<!tpu.dma_semaphore, #tpu.memory_space<semaphore_mem>>)
    %dma_wait3A_197 = arith.constant 1 : i32
    %dma_wait3A_198 = arith.constant 1 : i32
    %dma_wait3A_199 = arith.constant 0 : i32
    %dma_wait3A_200 = arith.constant 0 : i32
    %dma_wait3A_201 = tpu.memref_slice %arg9[%dma_wait3A_198, %dma_wait3A_199, %dma_wait3A_200] : memref<16x128x16xf32, #tpu.memory_space<vmem>> -> memref<1x128x16xf32, #tpu.memory_space<vmem>>
    %dma_wait3A_202 = tpu.memref_squeeze %dma_wait3A_201 : memref<1x128x16xf32, #tpu.memory_space<vmem>> -> memref<128x16xf32, #tpu.memory_space<vmem>>
    %dma_wait3A_203 = arith.constant 0 : i32
    %dma_wait3A_204 = tpu.memref_slice %arg11[%dma_wait3A_197, %dma_wait3A_203] : memref<92x128xi32, #tpu.memory_space<vmem>> -> memref<1x128xi32, #tpu.memory_space<vmem>>
    %dma_wait3A_205 = tpu.memref_squeeze %dma_wait3A_204 : memref<1x128xi32, #tpu.memory_space<vmem>> -> memref<128xi32, #tpu.memory_space<vmem>>
    %dma_wait3A_206 = arith.constant 0 : i32
    %dma_wait3A_207 = arith.constant 0 : i32
    %dma_wait3A_208 = tpu.memref_slice %arg2[%dma_wait3A_206, %dma_wait3A_207] : memref<10000x16xf32, #tpu.memory_space<hbm>> -> memref<10000x16xf32, #tpu.memory_space<hbm>>
    tpu.wait_indirect_dma semaphore(%arg12 : memref<!tpu.dma_semaphore, #tpu.memory_space<semaphore_mem>>) src(%dma_wait3A_208 : memref<10000x16xf32, #tpu.memory_space<hbm>>) dst(%dma_wait3A_202 : memref<128x16xf32, #tpu.memory_space<vmem>>)
    %dma_start3A_209 = arith.constant 1 : i32
    %dma_start3A_210 = arith.constant 1 : i32
    %dma_start3A_211 = arith.constant 0 : i32
    %dma_start3A_212 = arith.constant 0 : i32
    %dma_start3A_213 = tpu.memref_slice %arg9[%dma_start3A_209, %dma_start3A_211, %dma_start3A_212] : memref<16x128x16xf32, #tpu.memory_space<vmem>> -> memref<1x128x16xf32, #tpu.memory_space<vmem>>
    %dma_start3A_214 = tpu.memref_squeeze %dma_start3A_213 : memref<1x128x16xf32, #tpu.memory_space<vmem>> -> memref<128x16xf32, #tpu.memory_space<vmem>>
    %dma_start3A_215 = arith.constant 0 : i32
    %dma_start3A_216 = tpu.memref_slice %arg8[%dma_start3A_210, %dma_start3A_215] : memref<92x128xi32, #tpu.memory_space<vmem>> -> memref<1x128xi32, #tpu.memory_space<vmem>>
    %dma_start3A_217 = tpu.memref_squeeze %dma_start3A_216 : memref<1x128xi32, #tpu.memory_space<vmem>> -> memref<128xi32, #tpu.memory_space<vmem>>
    %dma_start3A_218 = arith.constant 0 : i32
    %dma_start3A_219 = arith.constant 0 : i32
    %dma_start3A_220 = tpu.memref_slice %arg7[%dma_start3A_218, %dma_start3A_219] : memref<10112x16xf32, #tpu.memory_space<vmem_shared>> -> memref<10112x16xf32, #tpu.memory_space<vmem_shared>>
    tpu.enqueue_indirect_dma source(%dma_start3A_214 : memref<128x16xf32, #tpu.memory_space<vmem>>) target(%dma_start3A_220 : memref<10112x16xf32, #tpu.memory_space<vmem_shared>>) offsets(%dma_start3A_217 : memref<128xi32, #tpu.memory_space<vmem>>) semaphore(%arg10 : memref<!tpu.dma_semaphore, #tpu.memory_space<semaphore_mem>>) {add = true}
    %dma_start3A_221 = arith.constant 14 : i32
    %dma_start3A_222 = arith.constant 14 : i32
    %dma_start3A_223 = arith.constant 0 : i32
    %dma_start3A_224 = arith.constant 0 : i32
    %dma_start3A_225 = tpu.memref_slice %arg9[%dma_start3A_222, %dma_start3A_223, %dma_start3A_224] : memref<16x128x16xf32, #tpu.memory_space<vmem>> -> memref<1x128x16xf32, #tpu.memory_space<vmem>>
    %dma_start3A_226 = tpu.memref_squeeze %dma_start3A_225 : memref<1x128x16xf32, #tpu.memory_space<vmem>> -> memref<128x16xf32, #tpu.memory_space<vmem>>
    %dma_start3A_227 = arith.constant 0 : i32
    %dma_start3A_228 = tpu.memref_slice %arg11[%dma_start3A_221, %dma_start3A_227] : memref<92x128xi32, #tpu.memory_space<vmem>> -> memref<1x128xi32, #tpu.memory_space<vmem>>
    %dma_start3A_229 = tpu.memref_squeeze %dma_start3A_228 : memref<1x128xi32, #tpu.memory_space<vmem>> -> memref<128xi32, #tpu.memory_space<vmem>>
    %dma_start3A_230 = arith.constant 0 : i32
    %dma_start3A_231 = arith.constant 0 : i32
    %dma_start3A_232 = tpu.memref_slice %arg2[%dma_start3A_230, %dma_start3A_231] : memref<10000x16xf32, #tpu.memory_space<hbm>> -> memref<10000x16xf32, #tpu.memory_space<hbm>>
    tpu.enqueue_indirect_dma source(%dma_start3A_232 : memref<10000x16xf32, #tpu.memory_space<hbm>>) target(%dma_start3A_226 : memref<128x16xf32, #tpu.memory_space<vmem>>) offsets(%dma_start3A_229 : memref<128xi32, #tpu.memory_space<vmem>>) semaphore(%arg12 : memref<!tpu.dma_semaphore, #tpu.memory_space<semaphore_mem>>)
    %dma_wait3A_233 = arith.constant 2 : i32
    %dma_wait3A_234 = arith.constant 2 : i32
    %dma_wait3A_235 = arith.constant 0 : i32
    %dma_wait3A_236 = arith.constant 0 : i32
    %dma_wait3A_237 = tpu.memref_slice %arg9[%dma_wait3A_234, %dma_wait3A_235, %dma_wait3A_236] : memref<16x128x16xf32, #tpu.memory_space<vmem>> -> memref<1x128x16xf32, #tpu.memory_space<vmem>>
    %dma_wait3A_238 = tpu.memref_squeeze %dma_wait3A_237 : memref<1x128x16xf32, #tpu.memory_space<vmem>> -> memref<128x16xf32, #tpu.memory_space<vmem>>
    %dma_wait3A_239 = arith.constant 0 : i32
    %dma_wait3A_240 = tpu.memref_slice %arg11[%dma_wait3A_233, %dma_wait3A_239] : memref<92x128xi32, #tpu.memory_space<vmem>> -> memref<1x128xi32, #tpu.memory_space<vmem>>
    %dma_wait3A_241 = tpu.memref_squeeze %dma_wait3A_240 : memref<1x128xi32, #tpu.memory_space<vmem>> -> memref<128xi32, #tpu.memory_space<vmem>>
    %dma_wait3A_242 = arith.constant 0 : i32
    %dma_wait3A_243 = arith.constant 0 : i32
    %dma_wait3A_244 = tpu.memref_slice %arg2[%dma_wait3A_242, %dma_wait3A_243] : memref<10000x16xf32, #tpu.memory_space<hbm>> -> memref<10000x16xf32, #tpu.memory_space<hbm>>
    tpu.wait_indirect_dma semaphore(%arg12 : memref<!tpu.dma_semaphore, #tpu.memory_space<semaphore_mem>>) src(%dma_wait3A_244 : memref<10000x16xf32, #tpu.memory_space<hbm>>) dst(%dma_wait3A_238 : memref<128x16xf32, #tpu.memory_space<vmem>>)
    %dma_start3A_245 = arith.constant 2 : i32
    %dma_start3A_246 = arith.constant 2 : i32
    %dma_start3A_247 = arith.constant 0 : i32
    %dma_start3A_248 = arith.constant 0 : i32
    %dma_start3A_249 = tpu.memref_slice %arg9[%dma_start3A_245, %dma_start3A_247, %dma_start3A_248] : memref<16x128x16xf32, #tpu.memory_space<vmem>> -> memref<1x128x16xf32, #tpu.memory_space<vmem>>
    %dma_start3A_250 = tpu.memref_squeeze %dma_start3A_249 : memref<1x128x16xf32, #tpu.memory_space<vmem>> -> memref<128x16xf32, #tpu.memory_space<vmem>>
    %dma_start3A_251 = arith.constant 0 : i32
    %dma_start3A_252 = tpu.memref_slice %arg8[%dma_start3A_246, %dma_start3A_251] : memref<92x128xi32, #tpu.memory_space<vmem>> -> memref<1x128xi32, #tpu.memory_space<vmem>>
    %dma_start3A_253 = tpu.memref_squeeze %dma_start3A_252 : memref<1x128xi32, #tpu.memory_space<vmem>> -> memref<128xi32, #tpu.memory_space<vmem>>
    %dma_start3A_254 = arith.constant 0 : i32
    %dma_start3A_255 = arith.constant 0 : i32
    %dma_start3A_256 = tpu.memref_slice %arg7[%dma_start3A_254, %dma_start3A_255] : memref<10112x16xf32, #tpu.memory_space<vmem_shared>> -> memref<10112x16xf32, #tpu.memory_space<vmem_shared>>
    tpu.enqueue_indirect_dma source(%dma_start3A_250 : memref<128x16xf32, #tpu.memory_space<vmem>>) target(%dma_start3A_256 : memref<10112x16xf32, #tpu.memory_space<vmem_shared>>) offsets(%dma_start3A_253 : memref<128xi32, #tpu.memory_space<vmem>>) semaphore(%arg10 : memref<!tpu.dma_semaphore, #tpu.memory_space<semaphore_mem>>) {add = true}
    %dma_start3A_257 = arith.constant 15 : i32
    %dma_start3A_258 = arith.constant 15 : i32
    %dma_start3A_259 = arith.constant 0 : i32
    %dma_start3A_260 = arith.constant 0 : i32
    %dma_start3A_261 = tpu.memref_slice %arg9[%dma_start3A_258, %dma_start3A_259, %dma_start3A_260] : memref<16x128x16xf32, #tpu.memory_space<vmem>> -> memref<1x128x16xf32, #tpu.memory_space<vmem>>
    %dma_start3A_262 = tpu.memref_squeeze %dma_start3A_261 : memref<1x128x16xf32, #tpu.memory_space<vmem>> -> memref<128x16xf32, #tpu.memory_space<vmem>>
    %dma_start3A_263 = arith.constant 0 : i32
    %dma_start3A_264 = tpu.memref_slice %arg11[%dma_start3A_257, %dma_start3A_263] : memref<92x128xi32, #tpu.memory_space<vmem>> -> memref<1x128xi32, #tpu.memory_space<vmem>>
    %dma_start3A_265 = tpu.memref_squeeze %dma_start3A_264 : memref<1x128xi32, #tpu.memory_space<vmem>> -> memref<128xi32, #tpu.memory_space<vmem>>
    %dma_start3A_266 = arith.constant 0 : i32
    %dma_start3A_267 = arith.constant 0 : i32
    %dma_start3A_268 = tpu.memref_slice %arg2[%dma_start3A_266, %dma_start3A_267] : memref<10000x16xf32, #tpu.memory_space<hbm>> -> memref<10000x16xf32, #tpu.memory_space<hbm>>
    tpu.enqueue_indirect_dma source(%dma_start3A_268 : memref<10000x16xf32, #tpu.memory_space<hbm>>) target(%dma_start3A_262 : memref<128x16xf32, #tpu.memory_space<vmem>>) offsets(%dma_start3A_265 : memref<128xi32, #tpu.memory_space<vmem>>) semaphore(%arg12 : memref<!tpu.dma_semaphore, #tpu.memory_space<semaphore_mem>>)
    %sub3A_269 = arith.constant 13 : i32
    %sub3A_270 = arith.subi %sub3A_1, %sub3A_269 : i32
    %while3A = arith.constant 0 : i32
    %while3A_271 = arith.constant 3 : i32
    %while3A_272 = arith.subi %sub3A_270, %while3A_271 : i32
    %while3A_273 = arith.addi %while3A_271, %while3A_272 : i32
    %while3A_274 = arith.constant 1 : i32
    %while3A_275 = arith.divsi %while3A_272, %while3A_274 : i32
    %while3A_276 = arith.muli %while3A_275, %while3A_274 : i32
    %while3A_277 = arith.addi %while3A_271, %while3A_276 : i32
    %while3A_278 = arith.constant 1 : i32
    scf.for %while3A_309 = %while3A_271 to %while3A_277 step %while3A_278  : i32 {
      %rem3A = arith.constant 16 : i32
      %rem3A_310 = arith.remsi %while3A_309, %rem3A : i32
      %dma_wait3A_311 = arith.constant 0 : i32
      %dma_wait3A_312 = arith.constant 0 : i32
      %dma_wait3A_313 = tpu.memref_slice %arg9[%rem3A_310, %dma_wait3A_311, %dma_wait3A_312] : memref<16x128x16xf32, #tpu.memory_space<vmem>> -> memref<1x128x16xf32, #tpu.memory_space<vmem>>
      %dma_wait3A_314 = tpu.memref_squeeze %dma_wait3A_313 : memref<1x128x16xf32, #tpu.memory_space<vmem>> -> memref<128x16xf32, #tpu.memory_space<vmem>>
      %dma_wait3A_315 = arith.constant 0 : i32
      %dma_wait3A_316 = tpu.memref_slice %arg11[%while3A_309, %dma_wait3A_315] : memref<92x128xi32, #tpu.memory_space<vmem>> -> memref<1x128xi32, #tpu.memory_space<vmem>>
      %dma_wait3A_317 = tpu.memref_squeeze %dma_wait3A_316 : memref<1x128xi32, #tpu.memory_space<vmem>> -> memref<128xi32, #tpu.memory_space<vmem>>
      %dma_wait3A_318 = arith.constant 0 : i32
      %dma_wait3A_319 = arith.constant 0 : i32
      %dma_wait3A_320 = tpu.memref_slice %arg2[%dma_wait3A_318, %dma_wait3A_319] : memref<10000x16xf32, #tpu.memory_space<hbm>> -> memref<10000x16xf32, #tpu.memory_space<hbm>>
      tpu.wait_indirect_dma semaphore(%arg12 : memref<!tpu.dma_semaphore, #tpu.memory_space<semaphore_mem>>) src(%dma_wait3A_320 : memref<10000x16xf32, #tpu.memory_space<hbm>>) dst(%dma_wait3A_314 : memref<128x16xf32, #tpu.memory_space<vmem>>)
      %dma_start3A_321 = arith.constant 0 : i32
      %dma_start3A_322 = arith.constant 0 : i32
      %dma_start3A_323 = tpu.memref_slice %arg9[%rem3A_310, %dma_start3A_321, %dma_start3A_322] : memref<16x128x16xf32, #tpu.memory_space<vmem>> -> memref<1x128x16xf32, #tpu.memory_space<vmem>>
      %dma_start3A_324 = tpu.memref_squeeze %dma_start3A_323 : memref<1x128x16xf32, #tpu.memory_space<vmem>> -> memref<128x16xf32, #tpu.memory_space<vmem>>
      %dma_start3A_325 = arith.constant 0 : i32
      %dma_start3A_326 = tpu.memref_slice %arg8[%while3A_309, %dma_start3A_325] : memref<92x128xi32, #tpu.memory_space<vmem>> -> memref<1x128xi32, #tpu.memory_space<vmem>>
      %dma_start3A_327 = tpu.memref_squeeze %dma_start3A_326 : memref<1x128xi32, #tpu.memory_space<vmem>> -> memref<128xi32, #tpu.memory_space<vmem>>
      %dma_start3A_328 = arith.constant 0 : i32
      %dma_start3A_329 = arith.constant 0 : i32
      %dma_start3A_330 = tpu.memref_slice %arg7[%dma_start3A_328, %dma_start3A_329] : memref<10112x16xf32, #tpu.memory_space<vmem_shared>> -> memref<10112x16xf32, #tpu.memory_space<vmem_shared>>
      tpu.enqueue_indirect_dma source(%dma_start3A_324 : memref<128x16xf32, #tpu.memory_space<vmem>>) target(%dma_start3A_330 : memref<10112x16xf32, #tpu.memory_space<vmem_shared>>) offsets(%dma_start3A_327 : memref<128xi32, #tpu.memory_space<vmem>>) semaphore(%arg10 : memref<!tpu.dma_semaphore, #tpu.memory_space<semaphore_mem>>) {add = true}
      %sub3A_331 = arith.constant 3 : i32
      %sub3A_332 = arith.subi %while3A_309, %sub3A_331 : i32
      %sub3A_333 = arith.constant 3 : i32
      %sub3A_334 = arith.subi %while3A_309, %sub3A_333 : i32
      %rem3A_335 = arith.constant 16 : i32
      %rem3A_336 = arith.remsi %sub3A_334, %rem3A_335 : i32
      %dma_wait3A_337 = arith.constant 0 : i32
      %dma_wait3A_338 = arith.constant 0 : i32
      %dma_wait3A_339 = tpu.memref_slice %arg9[%rem3A_336, %dma_wait3A_337, %dma_wait3A_338] : memref<16x128x16xf32, #tpu.memory_space<vmem>> -> memref<1x128x16xf32, #tpu.memory_space<vmem>>
      %dma_wait3A_340 = tpu.memref_squeeze %dma_wait3A_339 : memref<1x128x16xf32, #tpu.memory_space<vmem>> -> memref<128x16xf32, #tpu.memory_space<vmem>>
      %dma_wait3A_341 = arith.constant 0 : i32
      %dma_wait3A_342 = tpu.memref_slice %arg8[%sub3A_332, %dma_wait3A_341] : memref<92x128xi32, #tpu.memory_space<vmem>> -> memref<1x128xi32, #tpu.memory_space<vmem>>
      %dma_wait3A_343 = tpu.memref_squeeze %dma_wait3A_342 : memref<1x128xi32, #tpu.memory_space<vmem>> -> memref<128xi32, #tpu.memory_space<vmem>>
      %dma_wait3A_344 = arith.constant 0 : i32
      %dma_wait3A_345 = arith.constant 0 : i32
      %dma_wait3A_346 = tpu.memref_slice %arg7[%dma_wait3A_344, %dma_wait3A_345] : memref<10112x16xf32, #tpu.memory_space<vmem_shared>> -> memref<10112x16xf32, #tpu.memory_space<vmem_shared>>
      tpu.wait_indirect_dma semaphore(%arg10 : memref<!tpu.dma_semaphore, #tpu.memory_space<semaphore_mem>>) src(%dma_wait3A_340 : memref<128x16xf32, #tpu.memory_space<vmem>>) dst(%dma_wait3A_346 : memref<10112x16xf32, #tpu.memory_space<vmem_shared>>)
      %add3A_347 = arith.constant 13 : i32
      %add3A_348 = arith.addi %while3A_309, %add3A_347 : i32
      %add3A_349 = arith.constant 13 : i32
      %add3A_350 = arith.addi %while3A_309, %add3A_349 : i32
      %rem3A_351 = arith.constant 16 : i32
      %rem3A_352 = arith.remsi %add3A_350, %rem3A_351 : i32
      %dma_start3A_353 = arith.constant 0 : i32
      %dma_start3A_354 = arith.constant 0 : i32
      %dma_start3A_355 = tpu.memref_slice %arg9[%rem3A_352, %dma_start3A_353, %dma_start3A_354] : memref<16x128x16xf32, #tpu.memory_space<vmem>> -> memref<1x128x16xf32, #tpu.memory_space<vmem>>
      %dma_start3A_356 = tpu.memref_squeeze %dma_start3A_355 : memref<1x128x16xf32, #tpu.memory_space<vmem>> -> memref<128x16xf32, #tpu.memory_space<vmem>>
      %dma_start3A_357 = arith.constant 0 : i32
      %dma_start3A_358 = tpu.memref_slice %arg11[%add3A_348, %dma_start3A_357] : memref<92x128xi32, #tpu.memory_space<vmem>> -> memref<1x128xi32, #tpu.memory_space<vmem>>
      %dma_start3A_359 = tpu.memref_squeeze %dma_start3A_358 : memref<1x128xi32, #tpu.memory_space<vmem>> -> memref<128xi32, #tpu.memory_space<vmem>>
      %dma_start3A_360 = arith.constant 0 : i32
      %dma_start3A_361 = arith.constant 0 : i32
      %dma_start3A_362 = tpu.memref_slice %arg2[%dma_start3A_360, %dma_start3A_361] : memref<10000x16xf32, #tpu.memory_space<hbm>> -> memref<10000x16xf32, #tpu.memory_space<hbm>>
      tpu.enqueue_indirect_dma source(%dma_start3A_362 : memref<10000x16xf32, #tpu.memory_space<hbm>>) target(%dma_start3A_356 : memref<128x16xf32, #tpu.memory_space<vmem>>) offsets(%dma_start3A_359 : memref<128xi32, #tpu.memory_space<vmem>>) semaphore(%arg12 : memref<!tpu.dma_semaphore, #tpu.memory_space<semaphore_mem>>)
    }
    %while3A_279 = arith.constant 1 : i32
    scf.for %while3A_309 = %while3A_277 to %while3A_273 step %while3A_279  : i32 {
      %rem3A = arith.constant 16 : i32
      %rem3A_310 = arith.remsi %while3A_309, %rem3A : i32
      %dma_wait3A_311 = arith.constant 0 : i32
      %dma_wait3A_312 = arith.constant 0 : i32
      %dma_wait3A_313 = tpu.memref_slice %arg9[%rem3A_310, %dma_wait3A_311, %dma_wait3A_312] : memref<16x128x16xf32, #tpu.memory_space<vmem>> -> memref<1x128x16xf32, #tpu.memory_space<vmem>>
      %dma_wait3A_314 = tpu.memref_squeeze %dma_wait3A_313 : memref<1x128x16xf32, #tpu.memory_space<vmem>> -> memref<128x16xf32, #tpu.memory_space<vmem>>
      %dma_wait3A_315 = arith.constant 0 : i32
      %dma_wait3A_316 = tpu.memref_slice %arg11[%while3A_309, %dma_wait3A_315] : memref<92x128xi32, #tpu.memory_space<vmem>> -> memref<1x128xi32, #tpu.memory_space<vmem>>
      %dma_wait3A_317 = tpu.memref_squeeze %dma_wait3A_316 : memref<1x128xi32, #tpu.memory_space<vmem>> -> memref<128xi32, #tpu.memory_space<vmem>>
      %dma_wait3A_318 = arith.constant 0 : i32
      %dma_wait3A_319 = arith.constant 0 : i32
      %dma_wait3A_320 = tpu.memref_slice %arg2[%dma_wait3A_318, %dma_wait3A_319] : memref<10000x16xf32, #tpu.memory_space<hbm>> -> memref<10000x16xf32, #tpu.memory_space<hbm>>
      tpu.wait_indirect_dma semaphore(%arg12 : memref<!tpu.dma_semaphore, #tpu.memory_space<semaphore_mem>>) src(%dma_wait3A_320 : memref<10000x16xf32, #tpu.memory_space<hbm>>) dst(%dma_wait3A_314 : memref<128x16xf32, #tpu.memory_space<vmem>>)
      %dma_start3A_321 = arith.constant 0 : i32
      %dma_start3A_322 = arith.constant 0 : i32
      %dma_start3A_323 = tpu.memref_slice %arg9[%rem3A_310, %dma_start3A_321, %dma_start3A_322] : memref<16x128x16xf32, #tpu.memory_space<vmem>> -> memref<1x128x16xf32, #tpu.memory_space<vmem>>
      %dma_start3A_324 = tpu.memref_squeeze %dma_start3A_323 : memref<1x128x16xf32, #tpu.memory_space<vmem>> -> memref<128x16xf32, #tpu.memory_space<vmem>>
      %dma_start3A_325 = arith.constant 0 : i32
      %dma_start3A_326 = tpu.memref_slice %arg8[%while3A_309, %dma_start3A_325] : memref<92x128xi32, #tpu.memory_space<vmem>> -> memref<1x128xi32, #tpu.memory_space<vmem>>
      %dma_start3A_327 = tpu.memref_squeeze %dma_start3A_326 : memref<1x128xi32, #tpu.memory_space<vmem>> -> memref<128xi32, #tpu.memory_space<vmem>>
      %dma_start3A_328 = arith.constant 0 : i32
      %dma_start3A_329 = arith.constant 0 : i32
      %dma_start3A_330 = tpu.memref_slice %arg7[%dma_start3A_328, %dma_start3A_329] : memref<10112x16xf32, #tpu.memory_space<vmem_shared>> -> memref<10112x16xf32, #tpu.memory_space<vmem_shared>>
      tpu.enqueue_indirect_dma source(%dma_start3A_324 : memref<128x16xf32, #tpu.memory_space<vmem>>) target(%dma_start3A_330 : memref<10112x16xf32, #tpu.memory_space<vmem_shared>>) offsets(%dma_start3A_327 : memref<128xi32, #tpu.memory_space<vmem>>) semaphore(%arg10 : memref<!tpu.dma_semaphore, #tpu.memory_space<semaphore_mem>>) {add = true}
      %sub3A_331 = arith.constant 3 : i32
      %sub3A_332 = arith.subi %while3A_309, %sub3A_331 : i32
      %sub3A_333 = arith.constant 3 : i32
      %sub3A_334 = arith.subi %while3A_309, %sub3A_333 : i32
      %rem3A_335 = arith.constant 16 : i32
      %rem3A_336 = arith.remsi %sub3A_334, %rem3A_335 : i32
      %dma_wait3A_337 = arith.constant 0 : i32
      %dma_wait3A_338 = arith.constant 0 : i32
      %dma_wait3A_339 = tpu.memref_slice %arg9[%rem3A_336, %dma_wait3A_337, %dma_wait3A_338] : memref<16x128x16xf32, #tpu.memory_space<vmem>> -> memref<1x128x16xf32, #tpu.memory_space<vmem>>
      %dma_wait3A_340 = tpu.memref_squeeze %dma_wait3A_339 : memref<1x128x16xf32, #tpu.memory_space<vmem>> -> memref<128x16xf32, #tpu.memory_space<vmem>>
      %dma_wait3A_341 = arith.constant 0 : i32
      %dma_wait3A_342 = tpu.memref_slice %arg8[%sub3A_332, %dma_wait3A_341] : memref<92x128xi32, #tpu.memory_space<vmem>> -> memref<1x128xi32, #tpu.memory_space<vmem>>
      %dma_wait3A_343 = tpu.memref_squeeze %dma_wait3A_342 : memref<1x128xi32, #tpu.memory_space<vmem>> -> memref<128xi32, #tpu.memory_space<vmem>>
      %dma_wait3A_344 = arith.constant 0 : i32
      %dma_wait3A_345 = arith.constant 0 : i32
      %dma_wait3A_346 = tpu.memref_slice %arg7[%dma_wait3A_344, %dma_wait3A_345] : memref<10112x16xf32, #tpu.memory_space<vmem_shared>> -> memref<10112x16xf32, #tpu.memory_space<vmem_shared>>
      tpu.wait_indirect_dma semaphore(%arg10 : memref<!tpu.dma_semaphore, #tpu.memory_space<semaphore_mem>>) src(%dma_wait3A_340 : memref<128x16xf32, #tpu.memory_space<vmem>>) dst(%dma_wait3A_346 : memref<10112x16xf32, #tpu.memory_space<vmem_shared>>)
      %add3A_347 = arith.constant 13 : i32
      %add3A_348 = arith.addi %while3A_309, %add3A_347 : i32
      %add3A_349 = arith.constant 13 : i32
      %add3A_350 = arith.addi %while3A_309, %add3A_349 : i32
      %rem3A_351 = arith.constant 16 : i32
      %rem3A_352 = arith.remsi %add3A_350, %rem3A_351 : i32
      %dma_start3A_353 = arith.constant 0 : i32
      %dma_start3A_354 = arith.constant 0 : i32
      %dma_start3A_355 = tpu.memref_slice %arg9[%rem3A_352, %dma_start3A_353, %dma_start3A_354] : memref<16x128x16xf32, #tpu.memory_space<vmem>> -> memref<1x128x16xf32, #tpu.memory_space<vmem>>
      %dma_start3A_356 = tpu.memref_squeeze %dma_start3A_355 : memref<1x128x16xf32, #tpu.memory_space<vmem>> -> memref<128x16xf32, #tpu.memory_space<vmem>>
      %dma_start3A_357 = arith.constant 0 : i32
      %dma_start3A_358 = tpu.memref_slice %arg11[%add3A_348, %dma_start3A_357] : memref<92x128xi32, #tpu.memory_space<vmem>> -> memref<1x128xi32, #tpu.memory_space<vmem>>
      %dma_start3A_359 = tpu.memref_squeeze %dma_start3A_358 : memref<1x128xi32, #tpu.memory_space<vmem>> -> memref<128xi32, #tpu.memory_space<vmem>>
      %dma_start3A_360 = arith.constant 0 : i32
      %dma_start3A_361 = arith.constant 0 : i32
      %dma_start3A_362 = tpu.memref_slice %arg2[%dma_start3A_360, %dma_start3A_361] : memref<10000x16xf32, #tpu.memory_space<hbm>> -> memref<10000x16xf32, #tpu.memory_space<hbm>>
      tpu.enqueue_indirect_dma source(%dma_start3A_362 : memref<10000x16xf32, #tpu.memory_space<hbm>>) target(%dma_start3A_356 : memref<128x16xf32, #tpu.memory_space<vmem>>) offsets(%dma_start3A_359 : memref<128xi32, #tpu.memory_space<vmem>>) semaphore(%arg12 : memref<!tpu.dma_semaphore, #tpu.memory_space<semaphore_mem>>)
    }
    %sub3A_280 = arith.constant 13 : i32
    %sub3A_281 = arith.subi %sub3A_1, %sub3A_280 : i32
    %while3A_282 = arith.constant 0 : i32
    %while3A_283 = arith.subi %sub3A_1, %sub3A_281 : i32
    %while3A_284 = arith.addi %sub3A_281, %while3A_283 : i32
    %while3A_285 = arith.constant 1 : i32
    %while3A_286 = arith.divsi %while3A_283, %while3A_285 : i32
    %while3A_287 = arith.muli %while3A_286, %while3A_285 : i32
    %while3A_288 = arith.addi %sub3A_281, %while3A_287 : i32
    %while3A_289 = arith.constant 1 : i32
    scf.for %while3A_309 = %sub3A_281 to %while3A_288 step %while3A_289  : i32 {
      %rem3A = arith.constant 16 : i32
      %rem3A_310 = arith.remsi %while3A_309, %rem3A : i32
      %dma_wait3A_311 = arith.constant 0 : i32
      %dma_wait3A_312 = arith.constant 0 : i32
      %dma_wait3A_313 = tpu.memref_slice %arg9[%rem3A_310, %dma_wait3A_311, %dma_wait3A_312] : memref<16x128x16xf32, #tpu.memory_space<vmem>> -> memref<1x128x16xf32, #tpu.memory_space<vmem>>
      %dma_wait3A_314 = tpu.memref_squeeze %dma_wait3A_313 : memref<1x128x16xf32, #tpu.memory_space<vmem>> -> memref<128x16xf32, #tpu.memory_space<vmem>>
      %dma_wait3A_315 = arith.constant 0 : i32
      %dma_wait3A_316 = tpu.memref_slice %arg11[%while3A_309, %dma_wait3A_315] : memref<92x128xi32, #tpu.memory_space<vmem>> -> memref<1x128xi32, #tpu.memory_space<vmem>>
      %dma_wait3A_317 = tpu.memref_squeeze %dma_wait3A_316 : memref<1x128xi32, #tpu.memory_space<vmem>> -> memref<128xi32, #tpu.memory_space<vmem>>
      %dma_wait3A_318 = arith.constant 0 : i32
      %dma_wait3A_319 = arith.constant 0 : i32
      %dma_wait3A_320 = tpu.memref_slice %arg2[%dma_wait3A_318, %dma_wait3A_319] : memref<10000x16xf32, #tpu.memory_space<hbm>> -> memref<10000x16xf32, #tpu.memory_space<hbm>>
      tpu.wait_indirect_dma semaphore(%arg12 : memref<!tpu.dma_semaphore, #tpu.memory_space<semaphore_mem>>) src(%dma_wait3A_320 : memref<10000x16xf32, #tpu.memory_space<hbm>>) dst(%dma_wait3A_314 : memref<128x16xf32, #tpu.memory_space<vmem>>)
      %dma_start3A_321 = arith.constant 0 : i32
      %dma_start3A_322 = arith.constant 0 : i32
      %dma_start3A_323 = tpu.memref_slice %arg9[%rem3A_310, %dma_start3A_321, %dma_start3A_322] : memref<16x128x16xf32, #tpu.memory_space<vmem>> -> memref<1x128x16xf32, #tpu.memory_space<vmem>>
      %dma_start3A_324 = tpu.memref_squeeze %dma_start3A_323 : memref<1x128x16xf32, #tpu.memory_space<vmem>> -> memref<128x16xf32, #tpu.memory_space<vmem>>
      %dma_start3A_325 = arith.constant 0 : i32
      %dma_start3A_326 = tpu.memref_slice %arg8[%while3A_309, %dma_start3A_325] : memref<92x128xi32, #tpu.memory_space<vmem>> -> memref<1x128xi32, #tpu.memory_space<vmem>>
      %dma_start3A_327 = tpu.memref_squeeze %dma_start3A_326 : memref<1x128xi32, #tpu.memory_space<vmem>> -> memref<128xi32, #tpu.memory_space<vmem>>
      %dma_start3A_328 = arith.constant 0 : i32
      %dma_start3A_329 = arith.constant 0 : i32
      %dma_start3A_330 = tpu.memref_slice %arg7[%dma_start3A_328, %dma_start3A_329] : memref<10112x16xf32, #tpu.memory_space<vmem_shared>> -> memref<10112x16xf32, #tpu.memory_space<vmem_shared>>
      tpu.enqueue_indirect_dma source(%dma_start3A_324 : memref<128x16xf32, #tpu.memory_space<vmem>>) target(%dma_start3A_330 : memref<10112x16xf32, #tpu.memory_space<vmem_shared>>) offsets(%dma_start3A_327 : memref<128xi32, #tpu.memory_space<vmem>>) semaphore(%arg10 : memref<!tpu.dma_semaphore, #tpu.memory_space<semaphore_mem>>) {add = true}
    }
    %while3A_290 = arith.constant 1 : i32
    scf.for %while3A_309 = %while3A_288 to %while3A_284 step %while3A_290  : i32 {
      %rem3A = arith.constant 16 : i32
      %rem3A_310 = arith.remsi %while3A_309, %rem3A : i32
      %dma_wait3A_311 = arith.constant 0 : i32
      %dma_wait3A_312 = arith.constant 0 : i32
      %dma_wait3A_313 = tpu.memref_slice %arg9[%rem3A_310, %dma_wait3A_311, %dma_wait3A_312] : memref<16x128x16xf32, #tpu.memory_space<vmem>> -> memref<1x128x16xf32, #tpu.memory_space<vmem>>
      %dma_wait3A_314 = tpu.memref_squeeze %dma_wait3A_313 : memref<1x128x16xf32, #tpu.memory_space<vmem>> -> memref<128x16xf32, #tpu.memory_space<vmem>>
      %dma_wait3A_315 = arith.constant 0 : i32
      %dma_wait3A_316 = tpu.memref_slice %arg11[%while3A_309, %dma_wait3A_315] : memref<92x128xi32, #tpu.memory_space<vmem>> -> memref<1x128xi32, #tpu.memory_space<vmem>>
      %dma_wait3A_317 = tpu.memref_squeeze %dma_wait3A_316 : memref<1x128xi32, #tpu.memory_space<vmem>> -> memref<128xi32, #tpu.memory_space<vmem>>
      %dma_wait3A_318 = arith.constant 0 : i32
      %dma_wait3A_319 = arith.constant 0 : i32
      %dma_wait3A_320 = tpu.memref_slice %arg2[%dma_wait3A_318, %dma_wait3A_319] : memref<10000x16xf32, #tpu.memory_space<hbm>> -> memref<10000x16xf32, #tpu.memory_space<hbm>>
      tpu.wait_indirect_dma semaphore(%arg12 : memref<!tpu.dma_semaphore, #tpu.memory_space<semaphore_mem>>) src(%dma_wait3A_320 : memref<10000x16xf32, #tpu.memory_space<hbm>>) dst(%dma_wait3A_314 : memref<128x16xf32, #tpu.memory_space<vmem>>)
      %dma_start3A_321 = arith.constant 0 : i32
      %dma_start3A_322 = arith.constant 0 : i32
      %dma_start3A_323 = tpu.memref_slice %arg9[%rem3A_310, %dma_start3A_321, %dma_start3A_322] : memref<16x128x16xf32, #tpu.memory_space<vmem>> -> memref<1x128x16xf32, #tpu.memory_space<vmem>>
      %dma_start3A_324 = tpu.memref_squeeze %dma_start3A_323 : memref<1x128x16xf32, #tpu.memory_space<vmem>> -> memref<128x16xf32, #tpu.memory_space<vmem>>
      %dma_start3A_325 = arith.constant 0 : i32
      %dma_start3A_326 = tpu.memref_slice %arg8[%while3A_309, %dma_start3A_325] : memref<92x128xi32, #tpu.memory_space<vmem>> -> memref<1x128xi32, #tpu.memory_space<vmem>>
      %dma_start3A_327 = tpu.memref_squeeze %dma_start3A_326 : memref<1x128xi32, #tpu.memory_space<vmem>> -> memref<128xi32, #tpu.memory_space<vmem>>
      %dma_start3A_328 = arith.constant 0 : i32
      %dma_start3A_329 = arith.constant 0 : i32
      %dma_start3A_330 = tpu.memref_slice %arg7[%dma_start3A_328, %dma_start3A_329] : memref<10112x16xf32, #tpu.memory_space<vmem_shared>> -> memref<10112x16xf32, #tpu.memory_space<vmem_shared>>
      tpu.enqueue_indirect_dma source(%dma_start3A_324 : memref<128x16xf32, #tpu.memory_space<vmem>>) target(%dma_start3A_330 : memref<10112x16xf32, #tpu.memory_space<vmem_shared>>) offsets(%dma_start3A_327 : memref<128xi32, #tpu.memory_space<vmem>>) semaphore(%arg10 : memref<!tpu.dma_semaphore, #tpu.memory_space<semaphore_mem>>) {add = true}
    }
    %sub3A_291 = arith.constant 13 : i32
    %sub3A_292 = arith.subi %sub3A_1, %sub3A_291 : i32
    %sub3A_293 = arith.constant 3 : i32
    %sub3A_294 = arith.subi %sub3A_292, %sub3A_293 : i32
    %while3A_295 = arith.constant 0 : i32
    %while3A_296 = arith.subi %sub3A_1, %sub3A_294 : i32
    %while3A_297 = arith.addi %sub3A_294, %while3A_296 : i32
    %while3A_298 = arith.constant 1 : i32
    %while3A_299 = arith.divsi %while3A_296, %while3A_298 : i32
    %while3A_300 = arith.muli %while3A_299, %while3A_298 : i32
    %while3A_301 = arith.addi %sub3A_294, %while3A_300 : i32
    %while3A_302 = arith.constant 1 : i32
    scf.for %while3A_309 = %sub3A_294 to %while3A_301 step %while3A_302  : i32 {
      %rem3A = arith.constant 16 : i32
      %rem3A_310 = arith.remsi %while3A_309, %rem3A : i32
      %dma_wait3A_311 = arith.constant 0 : i32
      %dma_wait3A_312 = arith.constant 0 : i32
      %dma_wait3A_313 = tpu.memref_slice %arg9[%rem3A_310, %dma_wait3A_311, %dma_wait3A_312] : memref<16x128x16xf32, #tpu.memory_space<vmem>> -> memref<1x128x16xf32, #tpu.memory_space<vmem>>
      %dma_wait3A_314 = tpu.memref_squeeze %dma_wait3A_313 : memref<1x128x16xf32, #tpu.memory_space<vmem>> -> memref<128x16xf32, #tpu.memory_space<vmem>>
      %dma_wait3A_315 = arith.constant 0 : i32
      %dma_wait3A_316 = tpu.memref_slice %arg8[%while3A_309, %dma_wait3A_315] : memref<92x128xi32, #tpu.memory_space<vmem>> -> memref<1x128xi32, #tpu.memory_space<vmem>>
      %dma_wait3A_317 = tpu.memref_squeeze %dma_wait3A_316 : memref<1x128xi32, #tpu.memory_space<vmem>> -> memref<128xi32, #tpu.memory_space<vmem>>
      %dma_wait3A_318 = arith.constant 0 : i32
      %dma_wait3A_319 = arith.constant 0 : i32
      %dma_wait3A_320 = tpu.memref_slice %arg7[%dma_wait3A_318, %dma_wait3A_319] : memref<10112x16xf32, #tpu.memory_space<vmem_shared>> -> memref<10112x16xf32, #tpu.memory_space<vmem_shared>>
      tpu.wait_indirect_dma semaphore(%arg10 : memref<!tpu.dma_semaphore, #tpu.memory_space<semaphore_mem>>) src(%dma_wait3A_314 : memref<128x16xf32, #tpu.memory_space<vmem>>) dst(%dma_wait3A_320 : memref<10112x16xf32, #tpu.memory_space<vmem_shared>>)
    }
    %while3A_303 = arith.constant 1 : i32
    scf.for %while3A_309 = %while3A_301 to %while3A_297 step %while3A_303  : i32 {
      %rem3A = arith.constant 16 : i32
      %rem3A_310 = arith.remsi %while3A_309, %rem3A : i32
      %dma_wait3A_311 = arith.constant 0 : i32
      %dma_wait3A_312 = arith.constant 0 : i32
      %dma_wait3A_313 = tpu.memref_slice %arg9[%rem3A_310, %dma_wait3A_311, %dma_wait3A_312] : memref<16x128x16xf32, #tpu.memory_space<vmem>> -> memref<1x128x16xf32, #tpu.memory_space<vmem>>
      %dma_wait3A_314 = tpu.memref_squeeze %dma_wait3A_313 : memref<1x128x16xf32, #tpu.memory_space<vmem>> -> memref<128x16xf32, #tpu.memory_space<vmem>>
      %dma_wait3A_315 = arith.constant 0 : i32
      %dma_wait3A_316 = tpu.memref_slice %arg8[%while3A_309, %dma_wait3A_315] : memref<92x128xi32, #tpu.memory_space<vmem>> -> memref<1x128xi32, #tpu.memory_space<vmem>>
      %dma_wait3A_317 = tpu.memref_squeeze %dma_wait3A_316 : memref<1x128xi32, #tpu.memory_space<vmem>> -> memref<128xi32, #tpu.memory_space<vmem>>
      %dma_wait3A_318 = arith.constant 0 : i32
      %dma_wait3A_319 = arith.constant 0 : i32
      %dma_wait3A_320 = tpu.memref_slice %arg7[%dma_wait3A_318, %dma_wait3A_319] : memref<10112x16xf32, #tpu.memory_space<vmem_shared>> -> memref<10112x16xf32, #tpu.memory_space<vmem_shared>>
      tpu.wait_indirect_dma semaphore(%arg10 : memref<!tpu.dma_semaphore, #tpu.memory_space<semaphore_mem>>) src(%dma_wait3A_314 : memref<128x16xf32, #tpu.memory_space<vmem>>) dst(%dma_wait3A_320 : memref<10112x16xf32, #tpu.memory_space<vmem_shared>>)
    }
    %barrier3A_304 = arith.constant 0 : index
    tpu.barrier barrier_id(%barrier3A_304)
    %mul3A_305 = arith.constant 632 : i32
    %mul3A_306 = arith.muli %arg1, %mul3A_305 : i32
    %mul3A_307 = arith.constant 632 : i32
    %mul3A_308 = arith.muli %arg1, %mul3A_307 : i32
    "tpu.region"() ({
      %run_scoped3A = tpu.sem_alloc : memref<!tpu.dma_semaphore, #tpu.memory_space<semaphore_mem>>
      %dma_start3A_309 = arith.constant 0 : i32
      %dma_start3A_310 = tpu.memref_slice %arg6[%arg0, %mul3A_308, %dma_start3A_309] : memref<2x10112x16xf32, #tpu.memory_space<hbm>> -> memref<1x632x16xf32, #tpu.memory_space<hbm>>
      %dma_start3A_311 = tpu.memref_squeeze %dma_start3A_310 : memref<1x632x16xf32, #tpu.memory_space<hbm>> -> memref<632x16xf32, #tpu.memory_space<hbm>>
      %dma_start3A_312 = arith.constant 0 : i32
      %dma_start3A_313 = tpu.memref_slice %arg7[%mul3A_306, %dma_start3A_312] : memref<10112x16xf32, #tpu.memory_space<vmem_shared>> -> memref<632x16xf32, #tpu.memory_space<vmem_shared>>
      tpu.enqueue_dma source(%dma_start3A_313 : memref<632x16xf32, #tpu.memory_space<vmem_shared>>) target(%dma_start3A_311 : memref<632x16xf32, #tpu.memory_space<hbm>>) target_semaphore(%run_scoped3A : memref<!tpu.dma_semaphore, #tpu.memory_space<semaphore_mem>>)
      %dma_wait3A_314 = arith.constant 0 : i32
      %dma_wait3A_315 = tpu.memref_slice %arg6[%arg0, %mul3A_308, %dma_wait3A_314] : memref<2x10112x16xf32, #tpu.memory_space<hbm>> -> memref<1x632x16xf32, #tpu.memory_space<hbm>>
      %dma_wait3A_316 = tpu.memref_squeeze %dma_wait3A_315 : memref<1x632x16xf32, #tpu.memory_space<hbm>> -> memref<632x16xf32, #tpu.memory_space<hbm>>
      %dma_wait3A_317 = arith.constant 0 : i32
      %dma_wait3A_318 = tpu.memref_slice %arg7[%mul3A_306, %dma_wait3A_317] : memref<10112x16xf32, #tpu.memory_space<vmem_shared>> -> memref<632x16xf32, #tpu.memory_space<vmem_shared>>
      tpu.wait_dma2 semaphore(%run_scoped3A : memref<!tpu.dma_semaphore, #tpu.memory_space<semaphore_mem>>) src(%dma_wait3A_318 : memref<632x16xf32, #tpu.memory_space<vmem_shared>>) dst(%dma_wait3A_316 : memref<632x16xf32, #tpu.memory_space<hbm>>)
      tpu.yield
    }) : () -> ()
    return
  }
}

#map = affine_map<(d0, d1) -> (0, 0)>
#map1 = affine_map<(d0, d1) -> (0, 0, 0)>
module attributes {stable_mosaic.version = 14 : i64} {
  func.func @k(%arg0: i32, %arg1: i32, %arg2: memref<128x8xf32, #tpu.memory_space<hbm>>, %arg3: memref<2563x128xi32, #tpu.memory_space<hbm>>, %arg4: memref<632x8xf32, #tpu.memory_space<hbm>>, %arg5: memref<2x10112x8xf32, #tpu.memory_space<hbm>>, %arg6: memref<10112x8xf32, #tpu.memory_space<vmem_shared>>, %arg7: memref<79x128xi32, #tpu.memory_space<vmem>>, %arg8: memref<16x128x8xf32, #tpu.memory_space<vmem>>, %arg9: memref<!tpu.dma_semaphore, #tpu.memory_space<semaphore_mem>>) attributes {dimension_semantics = [#tpu.dimension_semantics<core_parallel>, #tpu.dimension_semantics<subcore_parallel>], iteration_bounds = array<i64: 2, 16>, scalar_prefetch = 0 : i64, scratch_operands = 4 : i64, tpu.core_type = #tpu.core_type<sc_vector_subcore>, window_params = [{transform_indices = #map}, {transform_indices = #map}, {transform_indices = #map}, {transform_indices = #map1}]} {
    %mul3A = arith.constant 0 : i32
    %mul3A_0 = arith.muli %arg0, %mul3A : i32
    %sub3A = arith.constant 79 : i32
    %sub3A_1 = arith.subi %sub3A, %mul3A_0 : i32
    %mul3A_2 = arith.constant 1264 : i32
    %mul3A_3 = arith.muli %arg0, %mul3A_2 : i32
    %mul3A_4 = arith.muli %arg1, %sub3A_1 : i32
    %add3A = arith.addi %mul3A_3, %mul3A_4 : i32
    "tpu.region"() ({
      %run_scoped3A_199 = tpu.sem_alloc : memref<!tpu.dma_semaphore, #tpu.memory_space<semaphore_mem>>
      %dma_start3A_200 = arith.constant 0 : i32
      %dma_start3A_201 = tpu.memref_slice %arg3[%add3A, %dma_start3A_200] : memref<2563x128xi32, #tpu.memory_space<hbm>> -> memref<79x128xi32, #tpu.memory_space<hbm>>
      %dma_start3A_202 = arith.constant 0 : i32
      %dma_start3A_203 = tpu.memref_slice %arg3[%add3A, %dma_start3A_202] : memref<2563x128xi32, #tpu.memory_space<hbm>> -> memref<79x128xi32, #tpu.memory_space<hbm>>
      tpu.enqueue_dma source(%dma_start3A_203 : memref<79x128xi32, #tpu.memory_space<hbm>>) target(%arg7 : memref<79x128xi32, #tpu.memory_space<vmem>>) target_semaphore(%run_scoped3A_199 : memref<!tpu.dma_semaphore, #tpu.memory_space<semaphore_mem>>)
      %dma_wait3A = arith.constant 0 : i32
      %dma_wait3A_204 = tpu.memref_slice %arg3[%add3A, %dma_wait3A] : memref<2563x128xi32, #tpu.memory_space<hbm>> -> memref<79x128xi32, #tpu.memory_space<hbm>>
      %dma_wait3A_205 = arith.constant 0 : i32
      %dma_wait3A_206 = tpu.memref_slice %arg3[%add3A, %dma_wait3A_205] : memref<2563x128xi32, #tpu.memory_space<hbm>> -> memref<79x128xi32, #tpu.memory_space<hbm>>
      tpu.wait_dma2 semaphore(%run_scoped3A_199 : memref<!tpu.dma_semaphore, #tpu.memory_space<semaphore_mem>>) src(%dma_wait3A_206 : memref<79x128xi32, #tpu.memory_space<hbm>>) dst(%arg7 : memref<79x128xi32, #tpu.memory_space<vmem>>)
      tpu.yield
    }) : () -> ()
    %run_scoped3A = arith.constant 0 : i32
    "tpu.region"() ({
      %run_scoped3A_199 = tpu.sem_alloc : memref<!tpu.dma_semaphore, #tpu.memory_space<semaphore_mem>>
      %dma_start3A_200 = arith.constant 0 : i32
      %dma_start3A_201 = arith.constant 0 : i32
      %dma_start3A_202 = tpu.memref_slice %arg8[%run_scoped3A, %dma_start3A_200, %dma_start3A_201] : memref<16x128x8xf32, #tpu.memory_space<vmem>> -> memref<1x128x8xf32, #tpu.memory_space<vmem>>
      %dma_start3A_203 = tpu.memref_squeeze %dma_start3A_202 : memref<1x128x8xf32, #tpu.memory_space<vmem>> -> memref<128x8xf32, #tpu.memory_space<vmem>>
      %dma_start3A_204 = arith.constant 0 : i32
      %dma_start3A_205 = arith.constant 0 : i32
      %dma_start3A_206 = tpu.memref_slice %arg8[%run_scoped3A, %dma_start3A_204, %dma_start3A_205] : memref<16x128x8xf32, #tpu.memory_space<vmem>> -> memref<1x128x8xf32, #tpu.memory_space<vmem>>
      %dma_start3A_207 = tpu.memref_squeeze %dma_start3A_206 : memref<1x128x8xf32, #tpu.memory_space<vmem>> -> memref<128x8xf32, #tpu.memory_space<vmem>>
      tpu.enqueue_dma source(%arg2 : memref<128x8xf32, #tpu.memory_space<hbm>>) target(%dma_start3A_207 : memref<128x8xf32, #tpu.memory_space<vmem>>) target_semaphore(%run_scoped3A_199 : memref<!tpu.dma_semaphore, #tpu.memory_space<semaphore_mem>>)
      %dma_wait3A = arith.constant 0 : i32
      %dma_wait3A_208 = arith.constant 0 : i32
      %dma_wait3A_209 = tpu.memref_slice %arg8[%run_scoped3A, %dma_wait3A, %dma_wait3A_208] : memref<16x128x8xf32, #tpu.memory_space<vmem>> -> memref<1x128x8xf32, #tpu.memory_space<vmem>>
      %dma_wait3A_210 = tpu.memref_squeeze %dma_wait3A_209 : memref<1x128x8xf32, #tpu.memory_space<vmem>> -> memref<128x8xf32, #tpu.memory_space<vmem>>
      %dma_wait3A_211 = arith.constant 0 : i32
      %dma_wait3A_212 = arith.constant 0 : i32
      %dma_wait3A_213 = tpu.memref_slice %arg8[%run_scoped3A, %dma_wait3A_211, %dma_wait3A_212] : memref<16x128x8xf32, #tpu.memory_space<vmem>> -> memref<1x128x8xf32, #tpu.memory_space<vmem>>
      %dma_wait3A_214 = tpu.memref_squeeze %dma_wait3A_213 : memref<1x128x8xf32, #tpu.memory_space<vmem>> -> memref<128x8xf32, #tpu.memory_space<vmem>>
      tpu.wait_dma2 semaphore(%run_scoped3A_199 : memref<!tpu.dma_semaphore, #tpu.memory_space<semaphore_mem>>) src(%arg2 : memref<128x8xf32, #tpu.memory_space<hbm>>) dst(%dma_wait3A_214 : memref<128x8xf32, #tpu.memory_space<vmem>>)
      tpu.yield
    }) : () -> ()
    %mul3A_5 = arith.constant 632 : i32
    %mul3A_6 = arith.muli %arg1, %mul3A_5 : i32
    "tpu.region"() ({
      %run_scoped3A_199 = tpu.sem_alloc : memref<!tpu.dma_semaphore, #tpu.memory_space<semaphore_mem>>
      %dma_start3A_200 = arith.constant 0 : i32
      %dma_start3A_201 = tpu.memref_slice %arg6[%mul3A_6, %dma_start3A_200] : memref<10112x8xf32, #tpu.memory_space<vmem_shared>> -> memref<632x8xf32, #tpu.memory_space<vmem_shared>>
      tpu.enqueue_dma source(%arg4 : memref<632x8xf32, #tpu.memory_space<hbm>>) target(%dma_start3A_201 : memref<632x8xf32, #tpu.memory_space<vmem_shared>>) target_semaphore(%run_scoped3A_199 : memref<!tpu.dma_semaphore, #tpu.memory_space<semaphore_mem>>)
      %dma_wait3A = arith.constant 0 : i32
      %dma_wait3A_202 = tpu.memref_slice %arg6[%mul3A_6, %dma_wait3A] : memref<10112x8xf32, #tpu.memory_space<vmem_shared>> -> memref<632x8xf32, #tpu.memory_space<vmem_shared>>
      tpu.wait_dma2 semaphore(%run_scoped3A_199 : memref<!tpu.dma_semaphore, #tpu.memory_space<semaphore_mem>>) src(%arg4 : memref<632x8xf32, #tpu.memory_space<hbm>>) dst(%dma_wait3A_202 : memref<632x8xf32, #tpu.memory_space<vmem_shared>>)
      tpu.yield
    }) : () -> ()
    %barrier3A = arith.constant 0 : index
    tpu.barrier barrier_id(%barrier3A)
    %dma_start3A = arith.constant 0 : i32
    %dma_start3A_7 = arith.constant 0 : i32
    %dma_start3A_8 = arith.constant 0 : i32
    %dma_start3A_9 = arith.constant 0 : i32
    %dma_start3A_10 = tpu.memref_slice %arg8[%dma_start3A, %dma_start3A_8, %dma_start3A_9] : memref<16x128x8xf32, #tpu.memory_space<vmem>> -> memref<1x128x8xf32, #tpu.memory_space<vmem>>
    %dma_start3A_11 = tpu.memref_squeeze %dma_start3A_10 : memref<1x128x8xf32, #tpu.memory_space<vmem>> -> memref<128x8xf32, #tpu.memory_space<vmem>>
    %dma_start3A_12 = arith.constant 0 : i32
    %dma_start3A_13 = tpu.memref_slice %arg7[%dma_start3A_7, %dma_start3A_12] : memref<79x128xi32, #tpu.memory_space<vmem>> -> memref<1x128xi32, #tpu.memory_space<vmem>>
    %dma_start3A_14 = tpu.memref_squeeze %dma_start3A_13 : memref<1x128xi32, #tpu.memory_space<vmem>> -> memref<128xi32, #tpu.memory_space<vmem>>
    %dma_start3A_15 = arith.constant 0 : i32
    %dma_start3A_16 = arith.constant 0 : i32
    %dma_start3A_17 = tpu.memref_slice %arg6[%dma_start3A_15, %dma_start3A_16] : memref<10112x8xf32, #tpu.memory_space<vmem_shared>> -> memref<10112x8xf32, #tpu.memory_space<vmem_shared>>
    tpu.enqueue_indirect_dma source(%dma_start3A_11 : memref<128x8xf32, #tpu.memory_space<vmem>>) target(%dma_start3A_17 : memref<10112x8xf32, #tpu.memory_space<vmem_shared>>) offsets(%dma_start3A_14 : memref<128xi32, #tpu.memory_space<vmem>>) semaphore(%arg9 : memref<!tpu.dma_semaphore, #tpu.memory_space<semaphore_mem>>) {add = true}
    %dma_start3A_18 = arith.constant 0 : i32
    %dma_start3A_19 = arith.constant 1 : i32
    %dma_start3A_20 = arith.constant 0 : i32
    %dma_start3A_21 = arith.constant 0 : i32
    %dma_start3A_22 = tpu.memref_slice %arg8[%dma_start3A_18, %dma_start3A_20, %dma_start3A_21] : memref<16x128x8xf32, #tpu.memory_space<vmem>> -> memref<1x128x8xf32, #tpu.memory_space<vmem>>
    %dma_start3A_23 = tpu.memref_squeeze %dma_start3A_22 : memref<1x128x8xf32, #tpu.memory_space<vmem>> -> memref<128x8xf32, #tpu.memory_space<vmem>>
    %dma_start3A_24 = arith.constant 0 : i32
    %dma_start3A_25 = tpu.memref_slice %arg7[%dma_start3A_19, %dma_start3A_24] : memref<79x128xi32, #tpu.memory_space<vmem>> -> memref<1x128xi32, #tpu.memory_space<vmem>>
    %dma_start3A_26 = tpu.memref_squeeze %dma_start3A_25 : memref<1x128xi32, #tpu.memory_space<vmem>> -> memref<128xi32, #tpu.memory_space<vmem>>
    %dma_start3A_27 = arith.constant 0 : i32
    %dma_start3A_28 = arith.constant 0 : i32
    %dma_start3A_29 = tpu.memref_slice %arg6[%dma_start3A_27, %dma_start3A_28] : memref<10112x8xf32, #tpu.memory_space<vmem_shared>> -> memref<10112x8xf32, #tpu.memory_space<vmem_shared>>
    tpu.enqueue_indirect_dma source(%dma_start3A_23 : memref<128x8xf32, #tpu.memory_space<vmem>>) target(%dma_start3A_29 : memref<10112x8xf32, #tpu.memory_space<vmem_shared>>) offsets(%dma_start3A_26 : memref<128xi32, #tpu.memory_space<vmem>>) semaphore(%arg9 : memref<!tpu.dma_semaphore, #tpu.memory_space<semaphore_mem>>) {add = true}
    %dma_start3A_30 = arith.constant 0 : i32
    %dma_start3A_31 = arith.constant 2 : i32
    %dma_start3A_32 = arith.constant 0 : i32
    %dma_start3A_33 = arith.constant 0 : i32
    %dma_start3A_34 = tpu.memref_slice %arg8[%dma_start3A_30, %dma_start3A_32, %dma_start3A_33] : memref<16x128x8xf32, #tpu.memory_space<vmem>> -> memref<1x128x8xf32, #tpu.memory_space<vmem>>
    %dma_start3A_35 = tpu.memref_squeeze %dma_start3A_34 : memref<1x128x8xf32, #tpu.memory_space<vmem>> -> memref<128x8xf32, #tpu.memory_space<vmem>>
    %dma_start3A_36 = arith.constant 0 : i32
    %dma_start3A_37 = tpu.memref_slice %arg7[%dma_start3A_31, %dma_start3A_36] : memref<79x128xi32, #tpu.memory_space<vmem>> -> memref<1x128xi32, #tpu.memory_space<vmem>>
    %dma_start3A_38 = tpu.memref_squeeze %dma_start3A_37 : memref<1x128xi32, #tpu.memory_space<vmem>> -> memref<128xi32, #tpu.memory_space<vmem>>
    %dma_start3A_39 = arith.constant 0 : i32
    %dma_start3A_40 = arith.constant 0 : i32
    %dma_start3A_41 = tpu.memref_slice %arg6[%dma_start3A_39, %dma_start3A_40] : memref<10112x8xf32, #tpu.memory_space<vmem_shared>> -> memref<10112x8xf32, #tpu.memory_space<vmem_shared>>
    tpu.enqueue_indirect_dma source(%dma_start3A_35 : memref<128x8xf32, #tpu.memory_space<vmem>>) target(%dma_start3A_41 : memref<10112x8xf32, #tpu.memory_space<vmem_shared>>) offsets(%dma_start3A_38 : memref<128xi32, #tpu.memory_space<vmem>>) semaphore(%arg9 : memref<!tpu.dma_semaphore, #tpu.memory_space<semaphore_mem>>) {add = true}
    %dma_start3A_42 = arith.constant 0 : i32
    %dma_start3A_43 = arith.constant 3 : i32
    %dma_start3A_44 = arith.constant 0 : i32
    %dma_start3A_45 = arith.constant 0 : i32
    %dma_start3A_46 = tpu.memref_slice %arg8[%dma_start3A_42, %dma_start3A_44, %dma_start3A_45] : memref<16x128x8xf32, #tpu.memory_space<vmem>> -> memref<1x128x8xf32, #tpu.memory_space<vmem>>
    %dma_start3A_47 = tpu.memref_squeeze %dma_start3A_46 : memref<1x128x8xf32, #tpu.memory_space<vmem>> -> memref<128x8xf32, #tpu.memory_space<vmem>>
    %dma_start3A_48 = arith.constant 0 : i32
    %dma_start3A_49 = tpu.memref_slice %arg7[%dma_start3A_43, %dma_start3A_48] : memref<79x128xi32, #tpu.memory_space<vmem>> -> memref<1x128xi32, #tpu.memory_space<vmem>>
    %dma_start3A_50 = tpu.memref_squeeze %dma_start3A_49 : memref<1x128xi32, #tpu.memory_space<vmem>> -> memref<128xi32, #tpu.memory_space<vmem>>
    %dma_start3A_51 = arith.constant 0 : i32
    %dma_start3A_52 = arith.constant 0 : i32
    %dma_start3A_53 = tpu.memref_slice %arg6[%dma_start3A_51, %dma_start3A_52] : memref<10112x8xf32, #tpu.memory_space<vmem_shared>> -> memref<10112x8xf32, #tpu.memory_space<vmem_shared>>
    tpu.enqueue_indirect_dma source(%dma_start3A_47 : memref<128x8xf32, #tpu.memory_space<vmem>>) target(%dma_start3A_53 : memref<10112x8xf32, #tpu.memory_space<vmem_shared>>) offsets(%dma_start3A_50 : memref<128xi32, #tpu.memory_space<vmem>>) semaphore(%arg9 : memref<!tpu.dma_semaphore, #tpu.memory_space<semaphore_mem>>) {add = true}
    %dma_start3A_54 = arith.constant 0 : i32
    %dma_start3A_55 = arith.constant 4 : i32
    %dma_start3A_56 = arith.constant 0 : i32
    %dma_start3A_57 = arith.constant 0 : i32
    %dma_start3A_58 = tpu.memref_slice %arg8[%dma_start3A_54, %dma_start3A_56, %dma_start3A_57] : memref<16x128x8xf32, #tpu.memory_space<vmem>> -> memref<1x128x8xf32, #tpu.memory_space<vmem>>
    %dma_start3A_59 = tpu.memref_squeeze %dma_start3A_58 : memref<1x128x8xf32, #tpu.memory_space<vmem>> -> memref<128x8xf32, #tpu.memory_space<vmem>>
    %dma_start3A_60 = arith.constant 0 : i32
    %dma_start3A_61 = tpu.memref_slice %arg7[%dma_start3A_55, %dma_start3A_60] : memref<79x128xi32, #tpu.memory_space<vmem>> -> memref<1x128xi32, #tpu.memory_space<vmem>>
    %dma_start3A_62 = tpu.memref_squeeze %dma_start3A_61 : memref<1x128xi32, #tpu.memory_space<vmem>> -> memref<128xi32, #tpu.memory_space<vmem>>
    %dma_start3A_63 = arith.constant 0 : i32
    %dma_start3A_64 = arith.constant 0 : i32
    %dma_start3A_65 = tpu.memref_slice %arg6[%dma_start3A_63, %dma_start3A_64] : memref<10112x8xf32, #tpu.memory_space<vmem_shared>> -> memref<10112x8xf32, #tpu.memory_space<vmem_shared>>
    tpu.enqueue_indirect_dma source(%dma_start3A_59 : memref<128x8xf32, #tpu.memory_space<vmem>>) target(%dma_start3A_65 : memref<10112x8xf32, #tpu.memory_space<vmem_shared>>) offsets(%dma_start3A_62 : memref<128xi32, #tpu.memory_space<vmem>>) semaphore(%arg9 : memref<!tpu.dma_semaphore, #tpu.memory_space<semaphore_mem>>) {add = true}
    %dma_start3A_66 = arith.constant 0 : i32
    %dma_start3A_67 = arith.constant 5 : i32
    %dma_start3A_68 = arith.constant 0 : i32
    %dma_start3A_69 = arith.constant 0 : i32
    %dma_start3A_70 = tpu.memref_slice %arg8[%dma_start3A_66, %dma_start3A_68, %dma_start3A_69] : memref<16x128x8xf32, #tpu.memory_space<vmem>> -> memref<1x128x8xf32, #tpu.memory_space<vmem>>
    %dma_start3A_71 = tpu.memref_squeeze %dma_start3A_70 : memref<1x128x8xf32, #tpu.memory_space<vmem>> -> memref<128x8xf32, #tpu.memory_space<vmem>>
    %dma_start3A_72 = arith.constant 0 : i32
    %dma_start3A_73 = tpu.memref_slice %arg7[%dma_start3A_67, %dma_start3A_72] : memref<79x128xi32, #tpu.memory_space<vmem>> -> memref<1x128xi32, #tpu.memory_space<vmem>>
    %dma_start3A_74 = tpu.memref_squeeze %dma_start3A_73 : memref<1x128xi32, #tpu.memory_space<vmem>> -> memref<128xi32, #tpu.memory_space<vmem>>
    %dma_start3A_75 = arith.constant 0 : i32
    %dma_start3A_76 = arith.constant 0 : i32
    %dma_start3A_77 = tpu.memref_slice %arg6[%dma_start3A_75, %dma_start3A_76] : memref<10112x8xf32, #tpu.memory_space<vmem_shared>> -> memref<10112x8xf32, #tpu.memory_space<vmem_shared>>
    tpu.enqueue_indirect_dma source(%dma_start3A_71 : memref<128x8xf32, #tpu.memory_space<vmem>>) target(%dma_start3A_77 : memref<10112x8xf32, #tpu.memory_space<vmem_shared>>) offsets(%dma_start3A_74 : memref<128xi32, #tpu.memory_space<vmem>>) semaphore(%arg9 : memref<!tpu.dma_semaphore, #tpu.memory_space<semaphore_mem>>) {add = true}
    %dma_start3A_78 = arith.constant 0 : i32
    %dma_start3A_79 = arith.constant 6 : i32
    %dma_start3A_80 = arith.constant 0 : i32
    %dma_start3A_81 = arith.constant 0 : i32
    %dma_start3A_82 = tpu.memref_slice %arg8[%dma_start3A_78, %dma_start3A_80, %dma_start3A_81] : memref<16x128x8xf32, #tpu.memory_space<vmem>> -> memref<1x128x8xf32, #tpu.memory_space<vmem>>
    %dma_start3A_83 = tpu.memref_squeeze %dma_start3A_82 : memref<1x128x8xf32, #tpu.memory_space<vmem>> -> memref<128x8xf32, #tpu.memory_space<vmem>>
    %dma_start3A_84 = arith.constant 0 : i32
    %dma_start3A_85 = tpu.memref_slice %arg7[%dma_start3A_79, %dma_start3A_84] : memref<79x128xi32, #tpu.memory_space<vmem>> -> memref<1x128xi32, #tpu.memory_space<vmem>>
    %dma_start3A_86 = tpu.memref_squeeze %dma_start3A_85 : memref<1x128xi32, #tpu.memory_space<vmem>> -> memref<128xi32, #tpu.memory_space<vmem>>
    %dma_start3A_87 = arith.constant 0 : i32
    %dma_start3A_88 = arith.constant 0 : i32
    %dma_start3A_89 = tpu.memref_slice %arg6[%dma_start3A_87, %dma_start3A_88] : memref<10112x8xf32, #tpu.memory_space<vmem_shared>> -> memref<10112x8xf32, #tpu.memory_space<vmem_shared>>
    tpu.enqueue_indirect_dma source(%dma_start3A_83 : memref<128x8xf32, #tpu.memory_space<vmem>>) target(%dma_start3A_89 : memref<10112x8xf32, #tpu.memory_space<vmem_shared>>) offsets(%dma_start3A_86 : memref<128xi32, #tpu.memory_space<vmem>>) semaphore(%arg9 : memref<!tpu.dma_semaphore, #tpu.memory_space<semaphore_mem>>) {add = true}
    %dma_start3A_90 = arith.constant 0 : i32
    %dma_start3A_91 = arith.constant 7 : i32
    %dma_start3A_92 = arith.constant 0 : i32
    %dma_start3A_93 = arith.constant 0 : i32
    %dma_start3A_94 = tpu.memref_slice %arg8[%dma_start3A_90, %dma_start3A_92, %dma_start3A_93] : memref<16x128x8xf32, #tpu.memory_space<vmem>> -> memref<1x128x8xf32, #tpu.memory_space<vmem>>
    %dma_start3A_95 = tpu.memref_squeeze %dma_start3A_94 : memref<1x128x8xf32, #tpu.memory_space<vmem>> -> memref<128x8xf32, #tpu.memory_space<vmem>>
    %dma_start3A_96 = arith.constant 0 : i32
    %dma_start3A_97 = tpu.memref_slice %arg7[%dma_start3A_91, %dma_start3A_96] : memref<79x128xi32, #tpu.memory_space<vmem>> -> memref<1x128xi32, #tpu.memory_space<vmem>>
    %dma_start3A_98 = tpu.memref_squeeze %dma_start3A_97 : memref<1x128xi32, #tpu.memory_space<vmem>> -> memref<128xi32, #tpu.memory_space<vmem>>
    %dma_start3A_99 = arith.constant 0 : i32
    %dma_start3A_100 = arith.constant 0 : i32
    %dma_start3A_101 = tpu.memref_slice %arg6[%dma_start3A_99, %dma_start3A_100] : memref<10112x8xf32, #tpu.memory_space<vmem_shared>> -> memref<10112x8xf32, #tpu.memory_space<vmem_shared>>
    tpu.enqueue_indirect_dma source(%dma_start3A_95 : memref<128x8xf32, #tpu.memory_space<vmem>>) target(%dma_start3A_101 : memref<10112x8xf32, #tpu.memory_space<vmem_shared>>) offsets(%dma_start3A_98 : memref<128xi32, #tpu.memory_space<vmem>>) semaphore(%arg9 : memref<!tpu.dma_semaphore, #tpu.memory_space<semaphore_mem>>) {add = true}
    %dma_start3A_102 = arith.constant 0 : i32
    %dma_start3A_103 = arith.constant 8 : i32
    %dma_start3A_104 = arith.constant 0 : i32
    %dma_start3A_105 = arith.constant 0 : i32
    %dma_start3A_106 = tpu.memref_slice %arg8[%dma_start3A_102, %dma_start3A_104, %dma_start3A_105] : memref<16x128x8xf32, #tpu.memory_space<vmem>> -> memref<1x128x8xf32, #tpu.memory_space<vmem>>
    %dma_start3A_107 = tpu.memref_squeeze %dma_start3A_106 : memref<1x128x8xf32, #tpu.memory_space<vmem>> -> memref<128x8xf32, #tpu.memory_space<vmem>>
    %dma_start3A_108 = arith.constant 0 : i32
    %dma_start3A_109 = tpu.memref_slice %arg7[%dma_start3A_103, %dma_start3A_108] : memref<79x128xi32, #tpu.memory_space<vmem>> -> memref<1x128xi32, #tpu.memory_space<vmem>>
    %dma_start3A_110 = tpu.memref_squeeze %dma_start3A_109 : memref<1x128xi32, #tpu.memory_space<vmem>> -> memref<128xi32, #tpu.memory_space<vmem>>
    %dma_start3A_111 = arith.constant 0 : i32
    %dma_start3A_112 = arith.constant 0 : i32
    %dma_start3A_113 = tpu.memref_slice %arg6[%dma_start3A_111, %dma_start3A_112] : memref<10112x8xf32, #tpu.memory_space<vmem_shared>> -> memref<10112x8xf32, #tpu.memory_space<vmem_shared>>
    tpu.enqueue_indirect_dma source(%dma_start3A_107 : memref<128x8xf32, #tpu.memory_space<vmem>>) target(%dma_start3A_113 : memref<10112x8xf32, #tpu.memory_space<vmem_shared>>) offsets(%dma_start3A_110 : memref<128xi32, #tpu.memory_space<vmem>>) semaphore(%arg9 : memref<!tpu.dma_semaphore, #tpu.memory_space<semaphore_mem>>) {add = true}
    %dma_start3A_114 = arith.constant 0 : i32
    %dma_start3A_115 = arith.constant 9 : i32
    %dma_start3A_116 = arith.constant 0 : i32
    %dma_start3A_117 = arith.constant 0 : i32
    %dma_start3A_118 = tpu.memref_slice %arg8[%dma_start3A_114, %dma_start3A_116, %dma_start3A_117] : memref<16x128x8xf32, #tpu.memory_space<vmem>> -> memref<1x128x8xf32, #tpu.memory_space<vmem>>
    %dma_start3A_119 = tpu.memref_squeeze %dma_start3A_118 : memref<1x128x8xf32, #tpu.memory_space<vmem>> -> memref<128x8xf32, #tpu.memory_space<vmem>>
    %dma_start3A_120 = arith.constant 0 : i32
    %dma_start3A_121 = tpu.memref_slice %arg7[%dma_start3A_115, %dma_start3A_120] : memref<79x128xi32, #tpu.memory_space<vmem>> -> memref<1x128xi32, #tpu.memory_space<vmem>>
    %dma_start3A_122 = tpu.memref_squeeze %dma_start3A_121 : memref<1x128xi32, #tpu.memory_space<vmem>> -> memref<128xi32, #tpu.memory_space<vmem>>
    %dma_start3A_123 = arith.constant 0 : i32
    %dma_start3A_124 = arith.constant 0 : i32
    %dma_start3A_125 = tpu.memref_slice %arg6[%dma_start3A_123, %dma_start3A_124] : memref<10112x8xf32, #tpu.memory_space<vmem_shared>> -> memref<10112x8xf32, #tpu.memory_space<vmem_shared>>
    tpu.enqueue_indirect_dma source(%dma_start3A_119 : memref<128x8xf32, #tpu.memory_space<vmem>>) target(%dma_start3A_125 : memref<10112x8xf32, #tpu.memory_space<vmem_shared>>) offsets(%dma_start3A_122 : memref<128xi32, #tpu.memory_space<vmem>>) semaphore(%arg9 : memref<!tpu.dma_semaphore, #tpu.memory_space<semaphore_mem>>) {add = true}
    %dma_start3A_126 = arith.constant 0 : i32
    %dma_start3A_127 = arith.constant 10 : i32
    %dma_start3A_128 = arith.constant 0 : i32
    %dma_start3A_129 = arith.constant 0 : i32
    %dma_start3A_130 = tpu.memref_slice %arg8[%dma_start3A_126, %dma_start3A_128, %dma_start3A_129] : memref<16x128x8xf32, #tpu.memory_space<vmem>> -> memref<1x128x8xf32, #tpu.memory_space<vmem>>
    %dma_start3A_131 = tpu.memref_squeeze %dma_start3A_130 : memref<1x128x8xf32, #tpu.memory_space<vmem>> -> memref<128x8xf32, #tpu.memory_space<vmem>>
    %dma_start3A_132 = arith.constant 0 : i32
    %dma_start3A_133 = tpu.memref_slice %arg7[%dma_start3A_127, %dma_start3A_132] : memref<79x128xi32, #tpu.memory_space<vmem>> -> memref<1x128xi32, #tpu.memory_space<vmem>>
    %dma_start3A_134 = tpu.memref_squeeze %dma_start3A_133 : memref<1x128xi32, #tpu.memory_space<vmem>> -> memref<128xi32, #tpu.memory_space<vmem>>
    %dma_start3A_135 = arith.constant 0 : i32
    %dma_start3A_136 = arith.constant 0 : i32
    %dma_start3A_137 = tpu.memref_slice %arg6[%dma_start3A_135, %dma_start3A_136] : memref<10112x8xf32, #tpu.memory_space<vmem_shared>> -> memref<10112x8xf32, #tpu.memory_space<vmem_shared>>
    tpu.enqueue_indirect_dma source(%dma_start3A_131 : memref<128x8xf32, #tpu.memory_space<vmem>>) target(%dma_start3A_137 : memref<10112x8xf32, #tpu.memory_space<vmem_shared>>) offsets(%dma_start3A_134 : memref<128xi32, #tpu.memory_space<vmem>>) semaphore(%arg9 : memref<!tpu.dma_semaphore, #tpu.memory_space<semaphore_mem>>) {add = true}
    %dma_start3A_138 = arith.constant 0 : i32
    %dma_start3A_139 = arith.constant 11 : i32
    %dma_start3A_140 = arith.constant 0 : i32
    %dma_start3A_141 = arith.constant 0 : i32
    %dma_start3A_142 = tpu.memref_slice %arg8[%dma_start3A_138, %dma_start3A_140, %dma_start3A_141] : memref<16x128x8xf32, #tpu.memory_space<vmem>> -> memref<1x128x8xf32, #tpu.memory_space<vmem>>
    %dma_start3A_143 = tpu.memref_squeeze %dma_start3A_142 : memref<1x128x8xf32, #tpu.memory_space<vmem>> -> memref<128x8xf32, #tpu.memory_space<vmem>>
    %dma_start3A_144 = arith.constant 0 : i32
    %dma_start3A_145 = tpu.memref_slice %arg7[%dma_start3A_139, %dma_start3A_144] : memref<79x128xi32, #tpu.memory_space<vmem>> -> memref<1x128xi32, #tpu.memory_space<vmem>>
    %dma_start3A_146 = tpu.memref_squeeze %dma_start3A_145 : memref<1x128xi32, #tpu.memory_space<vmem>> -> memref<128xi32, #tpu.memory_space<vmem>>
    %dma_start3A_147 = arith.constant 0 : i32
    %dma_start3A_148 = arith.constant 0 : i32
    %dma_start3A_149 = tpu.memref_slice %arg6[%dma_start3A_147, %dma_start3A_148] : memref<10112x8xf32, #tpu.memory_space<vmem_shared>> -> memref<10112x8xf32, #tpu.memory_space<vmem_shared>>
    tpu.enqueue_indirect_dma source(%dma_start3A_143 : memref<128x8xf32, #tpu.memory_space<vmem>>) target(%dma_start3A_149 : memref<10112x8xf32, #tpu.memory_space<vmem_shared>>) offsets(%dma_start3A_146 : memref<128xi32, #tpu.memory_space<vmem>>) semaphore(%arg9 : memref<!tpu.dma_semaphore, #tpu.memory_space<semaphore_mem>>) {add = true}
    %dma_start3A_150 = arith.constant 0 : i32
    %dma_start3A_151 = arith.constant 12 : i32
    %dma_start3A_152 = arith.constant 0 : i32
    %dma_start3A_153 = arith.constant 0 : i32
    %dma_start3A_154 = tpu.memref_slice %arg8[%dma_start3A_150, %dma_start3A_152, %dma_start3A_153] : memref<16x128x8xf32, #tpu.memory_space<vmem>> -> memref<1x128x8xf32, #tpu.memory_space<vmem>>
    %dma_start3A_155 = tpu.memref_squeeze %dma_start3A_154 : memref<1x128x8xf32, #tpu.memory_space<vmem>> -> memref<128x8xf32, #tpu.memory_space<vmem>>
    %dma_start3A_156 = arith.constant 0 : i32
    %dma_start3A_157 = tpu.memref_slice %arg7[%dma_start3A_151, %dma_start3A_156] : memref<79x128xi32, #tpu.memory_space<vmem>> -> memref<1x128xi32, #tpu.memory_space<vmem>>
    %dma_start3A_158 = tpu.memref_squeeze %dma_start3A_157 : memref<1x128xi32, #tpu.memory_space<vmem>> -> memref<128xi32, #tpu.memory_space<vmem>>
    %dma_start3A_159 = arith.constant 0 : i32
    %dma_start3A_160 = arith.constant 0 : i32
    %dma_start3A_161 = tpu.memref_slice %arg6[%dma_start3A_159, %dma_start3A_160] : memref<10112x8xf32, #tpu.memory_space<vmem_shared>> -> memref<10112x8xf32, #tpu.memory_space<vmem_shared>>
    tpu.enqueue_indirect_dma source(%dma_start3A_155 : memref<128x8xf32, #tpu.memory_space<vmem>>) target(%dma_start3A_161 : memref<10112x8xf32, #tpu.memory_space<vmem_shared>>) offsets(%dma_start3A_158 : memref<128xi32, #tpu.memory_space<vmem>>) semaphore(%arg9 : memref<!tpu.dma_semaphore, #tpu.memory_space<semaphore_mem>>) {add = true}
    %dma_start3A_162 = arith.constant 0 : i32
    %dma_start3A_163 = arith.constant 13 : i32
    %dma_start3A_164 = arith.constant 0 : i32
    %dma_start3A_165 = arith.constant 0 : i32
    %dma_start3A_166 = tpu.memref_slice %arg8[%dma_start3A_162, %dma_start3A_164, %dma_start3A_165] : memref<16x128x8xf32, #tpu.memory_space<vmem>> -> memref<1x128x8xf32, #tpu.memory_space<vmem>>
    %dma_start3A_167 = tpu.memref_squeeze %dma_start3A_166 : memref<1x128x8xf32, #tpu.memory_space<vmem>> -> memref<128x8xf32, #tpu.memory_space<vmem>>
    %dma_start3A_168 = arith.constant 0 : i32
    %dma_start3A_169 = tpu.memref_slice %arg7[%dma_start3A_163, %dma_start3A_168] : memref<79x128xi32, #tpu.memory_space<vmem>> -> memref<1x128xi32, #tpu.memory_space<vmem>>
    %dma_start3A_170 = tpu.memref_squeeze %dma_start3A_169 : memref<1x128xi32, #tpu.memory_space<vmem>> -> memref<128xi32, #tpu.memory_space<vmem>>
    %dma_start3A_171 = arith.constant 0 : i32
    %dma_start3A_172 = arith.constant 0 : i32
    %dma_start3A_173 = tpu.memref_slice %arg6[%dma_start3A_171, %dma_start3A_172] : memref<10112x8xf32, #tpu.memory_space<vmem_shared>> -> memref<10112x8xf32, #tpu.memory_space<vmem_shared>>
    tpu.enqueue_indirect_dma source(%dma_start3A_167 : memref<128x8xf32, #tpu.memory_space<vmem>>) target(%dma_start3A_173 : memref<10112x8xf32, #tpu.memory_space<vmem_shared>>) offsets(%dma_start3A_170 : memref<128xi32, #tpu.memory_space<vmem>>) semaphore(%arg9 : memref<!tpu.dma_semaphore, #tpu.memory_space<semaphore_mem>>) {add = true}
    %while3A = arith.constant 0 : i32
    %while3A_174 = arith.constant 14 : i32
    %while3A_175 = arith.subi %sub3A_1, %while3A_174 : i32
    %while3A_176 = arith.addi %while3A_174, %while3A_175 : i32
    %while3A_177 = arith.constant 1 : i32
    %while3A_178 = arith.divsi %while3A_175, %while3A_177 : i32
    %while3A_179 = arith.muli %while3A_178, %while3A_177 : i32
    %while3A_180 = arith.addi %while3A_174, %while3A_179 : i32
    %while3A_181 = arith.constant 1 : i32
    scf.for %while3A_199 = %while3A_174 to %while3A_180 step %while3A_181  : i32 {
      %sub3A_200 = arith.constant 14 : i32
      %sub3A_201 = arith.subi %while3A_199, %sub3A_200 : i32
      %dma_wait3A = arith.constant 0 : i32
      %dma_wait3A_202 = arith.constant 0 : i32
      %dma_wait3A_203 = arith.constant 0 : i32
      %dma_wait3A_204 = tpu.memref_slice %arg8[%dma_wait3A, %dma_wait3A_202, %dma_wait3A_203] : memref<16x128x8xf32, #tpu.memory_space<vmem>> -> memref<1x128x8xf32, #tpu.memory_space<vmem>>
      %dma_wait3A_205 = tpu.memref_squeeze %dma_wait3A_204 : memref<1x128x8xf32, #tpu.memory_space<vmem>> -> memref<128x8xf32, #tpu.memory_space<vmem>>
      %dma_wait3A_206 = arith.constant 0 : i32
      %dma_wait3A_207 = tpu.memref_slice %arg7[%sub3A_201, %dma_wait3A_206] : memref<79x128xi32, #tpu.memory_space<vmem>> -> memref<1x128xi32, #tpu.memory_space<vmem>>
      %dma_wait3A_208 = tpu.memref_squeeze %dma_wait3A_207 : memref<1x128xi32, #tpu.memory_space<vmem>> -> memref<128xi32, #tpu.memory_space<vmem>>
      %dma_wait3A_209 = arith.constant 0 : i32
      %dma_wait3A_210 = arith.constant 0 : i32
      %dma_wait3A_211 = tpu.memref_slice %arg6[%dma_wait3A_209, %dma_wait3A_210] : memref<10112x8xf32, #tpu.memory_space<vmem_shared>> -> memref<10112x8xf32, #tpu.memory_space<vmem_shared>>
      tpu.wait_indirect_dma semaphore(%arg9 : memref<!tpu.dma_semaphore, #tpu.memory_space<semaphore_mem>>) src(%dma_wait3A_205 : memref<128x8xf32, #tpu.memory_space<vmem>>) dst(%dma_wait3A_211 : memref<10112x8xf32, #tpu.memory_space<vmem_shared>>)
      %dma_start3A_212 = arith.constant 0 : i32
      %dma_start3A_213 = arith.constant 0 : i32
      %dma_start3A_214 = arith.constant 0 : i32
      %dma_start3A_215 = tpu.memref_slice %arg8[%dma_start3A_212, %dma_start3A_213, %dma_start3A_214] : memref<16x128x8xf32, #tpu.memory_space<vmem>> -> memref<1x128x8xf32, #tpu.memory_space<vmem>>
      %dma_start3A_216 = tpu.memref_squeeze %dma_start3A_215 : memref<1x128x8xf32, #tpu.memory_space<vmem>> -> memref<128x8xf32, #tpu.memory_space<vmem>>
      %dma_start3A_217 = arith.constant 0 : i32
      %dma_start3A_218 = tpu.memref_slice %arg7[%while3A_199, %dma_start3A_217] : memref<79x128xi32, #tpu.memory_space<vmem>> -> memref<1x128xi32, #tpu.memory_space<vmem>>
      %dma_start3A_219 = tpu.memref_squeeze %dma_start3A_218 : memref<1x128xi32, #tpu.memory_space<vmem>> -> memref<128xi32, #tpu.memory_space<vmem>>
      %dma_start3A_220 = arith.constant 0 : i32
      %dma_start3A_221 = arith.constant 0 : i32
      %dma_start3A_222 = tpu.memref_slice %arg6[%dma_start3A_220, %dma_start3A_221] : memref<10112x8xf32, #tpu.memory_space<vmem_shared>> -> memref<10112x8xf32, #tpu.memory_space<vmem_shared>>
      tpu.enqueue_indirect_dma source(%dma_start3A_216 : memref<128x8xf32, #tpu.memory_space<vmem>>) target(%dma_start3A_222 : memref<10112x8xf32, #tpu.memory_space<vmem_shared>>) offsets(%dma_start3A_219 : memref<128xi32, #tpu.memory_space<vmem>>) semaphore(%arg9 : memref<!tpu.dma_semaphore, #tpu.memory_space<semaphore_mem>>) {add = true}
    }
    %while3A_182 = arith.constant 1 : i32
    scf.for %while3A_199 = %while3A_180 to %while3A_176 step %while3A_182  : i32 {
      %sub3A_200 = arith.constant 14 : i32
      %sub3A_201 = arith.subi %while3A_199, %sub3A_200 : i32
      %dma_wait3A = arith.constant 0 : i32
      %dma_wait3A_202 = arith.constant 0 : i32
      %dma_wait3A_203 = arith.constant 0 : i32
      %dma_wait3A_204 = tpu.memref_slice %arg8[%dma_wait3A, %dma_wait3A_202, %dma_wait3A_203] : memref<16x128x8xf32, #tpu.memory_space<vmem>> -> memref<1x128x8xf32, #tpu.memory_space<vmem>>
      %dma_wait3A_205 = tpu.memref_squeeze %dma_wait3A_204 : memref<1x128x8xf32, #tpu.memory_space<vmem>> -> memref<128x8xf32, #tpu.memory_space<vmem>>
      %dma_wait3A_206 = arith.constant 0 : i32
      %dma_wait3A_207 = tpu.memref_slice %arg7[%sub3A_201, %dma_wait3A_206] : memref<79x128xi32, #tpu.memory_space<vmem>> -> memref<1x128xi32, #tpu.memory_space<vmem>>
      %dma_wait3A_208 = tpu.memref_squeeze %dma_wait3A_207 : memref<1x128xi32, #tpu.memory_space<vmem>> -> memref<128xi32, #tpu.memory_space<vmem>>
      %dma_wait3A_209 = arith.constant 0 : i32
      %dma_wait3A_210 = arith.constant 0 : i32
      %dma_wait3A_211 = tpu.memref_slice %arg6[%dma_wait3A_209, %dma_wait3A_210] : memref<10112x8xf32, #tpu.memory_space<vmem_shared>> -> memref<10112x8xf32, #tpu.memory_space<vmem_shared>>
      tpu.wait_indirect_dma semaphore(%arg9 : memref<!tpu.dma_semaphore, #tpu.memory_space<semaphore_mem>>) src(%dma_wait3A_205 : memref<128x8xf32, #tpu.memory_space<vmem>>) dst(%dma_wait3A_211 : memref<10112x8xf32, #tpu.memory_space<vmem_shared>>)
      %dma_start3A_212 = arith.constant 0 : i32
      %dma_start3A_213 = arith.constant 0 : i32
      %dma_start3A_214 = arith.constant 0 : i32
      %dma_start3A_215 = tpu.memref_slice %arg8[%dma_start3A_212, %dma_start3A_213, %dma_start3A_214] : memref<16x128x8xf32, #tpu.memory_space<vmem>> -> memref<1x128x8xf32, #tpu.memory_space<vmem>>
      %dma_start3A_216 = tpu.memref_squeeze %dma_start3A_215 : memref<1x128x8xf32, #tpu.memory_space<vmem>> -> memref<128x8xf32, #tpu.memory_space<vmem>>
      %dma_start3A_217 = arith.constant 0 : i32
      %dma_start3A_218 = tpu.memref_slice %arg7[%while3A_199, %dma_start3A_217] : memref<79x128xi32, #tpu.memory_space<vmem>> -> memref<1x128xi32, #tpu.memory_space<vmem>>
      %dma_start3A_219 = tpu.memref_squeeze %dma_start3A_218 : memref<1x128xi32, #tpu.memory_space<vmem>> -> memref<128xi32, #tpu.memory_space<vmem>>
      %dma_start3A_220 = arith.constant 0 : i32
      %dma_start3A_221 = arith.constant 0 : i32
      %dma_start3A_222 = tpu.memref_slice %arg6[%dma_start3A_220, %dma_start3A_221] : memref<10112x8xf32, #tpu.memory_space<vmem_shared>> -> memref<10112x8xf32, #tpu.memory_space<vmem_shared>>
      tpu.enqueue_indirect_dma source(%dma_start3A_216 : memref<128x8xf32, #tpu.memory_space<vmem>>) target(%dma_start3A_222 : memref<10112x8xf32, #tpu.memory_space<vmem_shared>>) offsets(%dma_start3A_219 : memref<128xi32, #tpu.memory_space<vmem>>) semaphore(%arg9 : memref<!tpu.dma_semaphore, #tpu.memory_space<semaphore_mem>>) {add = true}
    }
    %sub3A_183 = arith.constant 14 : i32
    %sub3A_184 = arith.subi %sub3A_1, %sub3A_183 : i32
    %while3A_185 = arith.constant 0 : i32
    %while3A_186 = arith.subi %sub3A_1, %sub3A_184 : i32
    %while3A_187 = arith.addi %sub3A_184, %while3A_186 : i32
    %while3A_188 = arith.constant 1 : i32
    %while3A_189 = arith.divsi %while3A_186, %while3A_188 : i32
    %while3A_190 = arith.muli %while3A_189, %while3A_188 : i32
    %while3A_191 = arith.addi %sub3A_184, %while3A_190 : i32
    %while3A_192 = arith.constant 1 : i32
    scf.for %while3A_199 = %sub3A_184 to %while3A_191 step %while3A_192  : i32 {
      %dma_wait3A = arith.constant 0 : i32
      %dma_wait3A_200 = arith.constant 0 : i32
      %dma_wait3A_201 = arith.constant 0 : i32
      %dma_wait3A_202 = tpu.memref_slice %arg8[%dma_wait3A, %dma_wait3A_200, %dma_wait3A_201] : memref<16x128x8xf32, #tpu.memory_space<vmem>> -> memref<1x128x8xf32, #tpu.memory_space<vmem>>
      %dma_wait3A_203 = tpu.memref_squeeze %dma_wait3A_202 : memref<1x128x8xf32, #tpu.memory_space<vmem>> -> memref<128x8xf32, #tpu.memory_space<vmem>>
      %dma_wait3A_204 = arith.constant 0 : i32
      %dma_wait3A_205 = tpu.memref_slice %arg7[%while3A_199, %dma_wait3A_204] : memref<79x128xi32, #tpu.memory_space<vmem>> -> memref<1x128xi32, #tpu.memory_space<vmem>>
      %dma_wait3A_206 = tpu.memref_squeeze %dma_wait3A_205 : memref<1x128xi32, #tpu.memory_space<vmem>> -> memref<128xi32, #tpu.memory_space<vmem>>
      %dma_wait3A_207 = arith.constant 0 : i32
      %dma_wait3A_208 = arith.constant 0 : i32
      %dma_wait3A_209 = tpu.memref_slice %arg6[%dma_wait3A_207, %dma_wait3A_208] : memref<10112x8xf32, #tpu.memory_space<vmem_shared>> -> memref<10112x8xf32, #tpu.memory_space<vmem_shared>>
      tpu.wait_indirect_dma semaphore(%arg9 : memref<!tpu.dma_semaphore, #tpu.memory_space<semaphore_mem>>) src(%dma_wait3A_203 : memref<128x8xf32, #tpu.memory_space<vmem>>) dst(%dma_wait3A_209 : memref<10112x8xf32, #tpu.memory_space<vmem_shared>>)
    }
    %while3A_193 = arith.constant 1 : i32
    scf.for %while3A_199 = %while3A_191 to %while3A_187 step %while3A_193  : i32 {
      %dma_wait3A = arith.constant 0 : i32
      %dma_wait3A_200 = arith.constant 0 : i32
      %dma_wait3A_201 = arith.constant 0 : i32
      %dma_wait3A_202 = tpu.memref_slice %arg8[%dma_wait3A, %dma_wait3A_200, %dma_wait3A_201] : memref<16x128x8xf32, #tpu.memory_space<vmem>> -> memref<1x128x8xf32, #tpu.memory_space<vmem>>
      %dma_wait3A_203 = tpu.memref_squeeze %dma_wait3A_202 : memref<1x128x8xf32, #tpu.memory_space<vmem>> -> memref<128x8xf32, #tpu.memory_space<vmem>>
      %dma_wait3A_204 = arith.constant 0 : i32
      %dma_wait3A_205 = tpu.memref_slice %arg7[%while3A_199, %dma_wait3A_204] : memref<79x128xi32, #tpu.memory_space<vmem>> -> memref<1x128xi32, #tpu.memory_space<vmem>>
      %dma_wait3A_206 = tpu.memref_squeeze %dma_wait3A_205 : memref<1x128xi32, #tpu.memory_space<vmem>> -> memref<128xi32, #tpu.memory_space<vmem>>
      %dma_wait3A_207 = arith.constant 0 : i32
      %dma_wait3A_208 = arith.constant 0 : i32
      %dma_wait3A_209 = tpu.memref_slice %arg6[%dma_wait3A_207, %dma_wait3A_208] : memref<10112x8xf32, #tpu.memory_space<vmem_shared>> -> memref<10112x8xf32, #tpu.memory_space<vmem_shared>>
      tpu.wait_indirect_dma semaphore(%arg9 : memref<!tpu.dma_semaphore, #tpu.memory_space<semaphore_mem>>) src(%dma_wait3A_203 : memref<128x8xf32, #tpu.memory_space<vmem>>) dst(%dma_wait3A_209 : memref<10112x8xf32, #tpu.memory_space<vmem_shared>>)
    }
    %barrier3A_194 = arith.constant 0 : index
    tpu.barrier barrier_id(%barrier3A_194)
    %mul3A_195 = arith.constant 632 : i32
    %mul3A_196 = arith.muli %arg1, %mul3A_195 : i32
    %mul3A_197 = arith.constant 632 : i32
    %mul3A_198 = arith.muli %arg1, %mul3A_197 : i32
    "tpu.region"() ({
      %run_scoped3A_199 = tpu.sem_alloc : memref<!tpu.dma_semaphore, #tpu.memory_space<semaphore_mem>>
      %dma_start3A_200 = arith.constant 0 : i32
      %dma_start3A_201 = tpu.memref_slice %arg5[%arg0, %mul3A_198, %dma_start3A_200] : memref<2x10112x8xf32, #tpu.memory_space<hbm>> -> memref<1x632x8xf32, #tpu.memory_space<hbm>>
      %dma_start3A_202 = tpu.memref_squeeze %dma_start3A_201 : memref<1x632x8xf32, #tpu.memory_space<hbm>> -> memref<632x8xf32, #tpu.memory_space<hbm>>
      %dma_start3A_203 = arith.constant 0 : i32
      %dma_start3A_204 = tpu.memref_slice %arg6[%mul3A_196, %dma_start3A_203] : memref<10112x8xf32, #tpu.memory_space<vmem_shared>> -> memref<632x8xf32, #tpu.memory_space<vmem_shared>>
      tpu.enqueue_dma source(%dma_start3A_204 : memref<632x8xf32, #tpu.memory_space<vmem_shared>>) target(%dma_start3A_202 : memref<632x8xf32, #tpu.memory_space<hbm>>) target_semaphore(%run_scoped3A_199 : memref<!tpu.dma_semaphore, #tpu.memory_space<semaphore_mem>>)
      %dma_wait3A = arith.constant 0 : i32
      %dma_wait3A_205 = tpu.memref_slice %arg5[%arg0, %mul3A_198, %dma_wait3A] : memref<2x10112x8xf32, #tpu.memory_space<hbm>> -> memref<1x632x8xf32, #tpu.memory_space<hbm>>
      %dma_wait3A_206 = tpu.memref_squeeze %dma_wait3A_205 : memref<1x632x8xf32, #tpu.memory_space<hbm>> -> memref<632x8xf32, #tpu.memory_space<hbm>>
      %dma_wait3A_207 = arith.constant 0 : i32
      %dma_wait3A_208 = tpu.memref_slice %arg6[%mul3A_196, %dma_wait3A_207] : memref<10112x8xf32, #tpu.memory_space<vmem_shared>> -> memref<632x8xf32, #tpu.memory_space<vmem_shared>>
      tpu.wait_dma2 semaphore(%run_scoped3A_199 : memref<!tpu.dma_semaphore, #tpu.memory_space<semaphore_mem>>) src(%dma_wait3A_208 : memref<632x8xf32, #tpu.memory_space<vmem_shared>>) dst(%dma_wait3A_206 : memref<632x8xf32, #tpu.memory_space<hbm>>)
      tpu.yield
    }) : () -> ()
    return
  }
}

#map = affine_map<(d0, d1) -> (0, 0)>
#map1 = affine_map<(d0, d1) -> (0, 0, 0)>
module attributes {stable_mosaic.version = 14 : i64} {
  func.func @k(%arg0: i32, %arg1: i32, %arg2: memref<10000x32xf32, #tpu.memory_space<hbm>>, %arg3: memref<2563x128xi32, #tpu.memory_space<hbm>>, %arg4: memref<2563x128xi32, #tpu.memory_space<hbm>>, %arg5: memref<632x32xf32, #tpu.memory_space<hbm>>, %arg6: memref<2x10112x32xf32, #tpu.memory_space<hbm>>, %arg7: memref<10112x32xf32, #tpu.memory_space<vmem_shared>>, %arg8: memref<114x128xi32, #tpu.memory_space<vmem>>, %arg9: memref<16x128x32xf32, #tpu.memory_space<vmem>>, %arg10: memref<!tpu.dma_semaphore, #tpu.memory_space<semaphore_mem>>, %arg11: memref<114x128xi32, #tpu.memory_space<vmem>>, %arg12: memref<!tpu.dma_semaphore, #tpu.memory_space<semaphore_mem>>) attributes {dimension_semantics = [#tpu.dimension_semantics<core_parallel>, #tpu.dimension_semantics<subcore_parallel>], iteration_bounds = array<i64: 2, 16>, scalar_prefetch = 0 : i64, scratch_operands = 6 : i64, tpu.core_type = #tpu.core_type<sc_vector_subcore>, window_params = [{transform_indices = #map}, {transform_indices = #map}, {transform_indices = #map}, {transform_indices = #map}, {transform_indices = #map1}]} {
    %mul3A = arith.constant 70 : i32
    %mul3A_0 = arith.muli %arg0, %mul3A : i32
    %sub3A = arith.constant 114 : i32
    %sub3A_1 = arith.subi %sub3A, %mul3A_0 : i32
    %mul3A_2 = arith.constant 1824 : i32
    %mul3A_3 = arith.muli %arg0, %mul3A_2 : i32
    %mul3A_4 = arith.muli %arg1, %sub3A_1 : i32
    %add3A = arith.addi %mul3A_3, %mul3A_4 : i32
    "tpu.region"() ({
      %run_scoped3A = tpu.sem_alloc : memref<!tpu.dma_semaphore, #tpu.memory_space<semaphore_mem>>
      %dma_start3A_309 = arith.constant 0 : i32
      %dma_start3A_310 = tpu.memref_slice %arg4[%add3A, %dma_start3A_309] : memref<2563x128xi32, #tpu.memory_space<hbm>> -> memref<114x128xi32, #tpu.memory_space<hbm>>
      %dma_start3A_311 = arith.constant 0 : i32
      %dma_start3A_312 = tpu.memref_slice %arg4[%add3A, %dma_start3A_311] : memref<2563x128xi32, #tpu.memory_space<hbm>> -> memref<114x128xi32, #tpu.memory_space<hbm>>
      tpu.enqueue_dma source(%dma_start3A_312 : memref<114x128xi32, #tpu.memory_space<hbm>>) target(%arg8 : memref<114x128xi32, #tpu.memory_space<vmem>>) target_semaphore(%run_scoped3A : memref<!tpu.dma_semaphore, #tpu.memory_space<semaphore_mem>>)
      %dma_wait3A_313 = arith.constant 0 : i32
      %dma_wait3A_314 = tpu.memref_slice %arg4[%add3A, %dma_wait3A_313] : memref<2563x128xi32, #tpu.memory_space<hbm>> -> memref<114x128xi32, #tpu.memory_space<hbm>>
      %dma_wait3A_315 = arith.constant 0 : i32
      %dma_wait3A_316 = tpu.memref_slice %arg4[%add3A, %dma_wait3A_315] : memref<2563x128xi32, #tpu.memory_space<hbm>> -> memref<114x128xi32, #tpu.memory_space<hbm>>
      tpu.wait_dma2 semaphore(%run_scoped3A : memref<!tpu.dma_semaphore, #tpu.memory_space<semaphore_mem>>) src(%dma_wait3A_316 : memref<114x128xi32, #tpu.memory_space<hbm>>) dst(%arg8 : memref<114x128xi32, #tpu.memory_space<vmem>>)
      tpu.yield
    }) : () -> ()
    "tpu.region"() ({
      %run_scoped3A = tpu.sem_alloc : memref<!tpu.dma_semaphore, #tpu.memory_space<semaphore_mem>>
      %dma_start3A_309 = arith.constant 0 : i32
      %dma_start3A_310 = tpu.memref_slice %arg3[%add3A, %dma_start3A_309] : memref<2563x128xi32, #tpu.memory_space<hbm>> -> memref<114x128xi32, #tpu.memory_space<hbm>>
      %dma_start3A_311 = arith.constant 0 : i32
      %dma_start3A_312 = tpu.memref_slice %arg3[%add3A, %dma_start3A_311] : memref<2563x128xi32, #tpu.memory_space<hbm>> -> memref<114x128xi32, #tpu.memory_space<hbm>>
      tpu.enqueue_dma source(%dma_start3A_312 : memref<114x128xi32, #tpu.memory_space<hbm>>) target(%arg11 : memref<114x128xi32, #tpu.memory_space<vmem>>) target_semaphore(%run_scoped3A : memref<!tpu.dma_semaphore, #tpu.memory_space<semaphore_mem>>)
      %dma_wait3A_313 = arith.constant 0 : i32
      %dma_wait3A_314 = tpu.memref_slice %arg3[%add3A, %dma_wait3A_313] : memref<2563x128xi32, #tpu.memory_space<hbm>> -> memref<114x128xi32, #tpu.memory_space<hbm>>
      %dma_wait3A_315 = arith.constant 0 : i32
      %dma_wait3A_316 = tpu.memref_slice %arg3[%add3A, %dma_wait3A_315] : memref<2563x128xi32, #tpu.memory_space<hbm>> -> memref<114x128xi32, #tpu.memory_space<hbm>>
      tpu.wait_dma2 semaphore(%run_scoped3A : memref<!tpu.dma_semaphore, #tpu.memory_space<semaphore_mem>>) src(%dma_wait3A_316 : memref<114x128xi32, #tpu.memory_space<hbm>>) dst(%arg11 : memref<114x128xi32, #tpu.memory_space<vmem>>)
      tpu.yield
    }) : () -> ()
    %dma_start3A = arith.constant 0 : i32
    %dma_start3A_5 = arith.constant 0 : i32
    %dma_start3A_6 = arith.constant 0 : i32
    %dma_start3A_7 = arith.constant 0 : i32
    %dma_start3A_8 = tpu.memref_slice %arg9[%dma_start3A_5, %dma_start3A_6, %dma_start3A_7] : memref<16x128x32xf32, #tpu.memory_space<vmem>> -> memref<1x128x32xf32, #tpu.memory_space<vmem>>
    %dma_start3A_9 = tpu.memref_squeeze %dma_start3A_8 : memref<1x128x32xf32, #tpu.memory_space<vmem>> -> memref<128x32xf32, #tpu.memory_space<vmem>>
    %dma_start3A_10 = arith.constant 0 : i32
    %dma_start3A_11 = tpu.memref_slice %arg11[%dma_start3A, %dma_start3A_10] : memref<114x128xi32, #tpu.memory_space<vmem>> -> memref<1x128xi32, #tpu.memory_space<vmem>>
    %dma_start3A_12 = tpu.memref_squeeze %dma_start3A_11 : memref<1x128xi32, #tpu.memory_space<vmem>> -> memref<128xi32, #tpu.memory_space<vmem>>
    %dma_start3A_13 = arith.constant 0 : i32
    %dma_start3A_14 = arith.constant 0 : i32
    %dma_start3A_15 = tpu.memref_slice %arg2[%dma_start3A_13, %dma_start3A_14] : memref<10000x32xf32, #tpu.memory_space<hbm>> -> memref<10000x32xf32, #tpu.memory_space<hbm>>
    tpu.enqueue_indirect_dma source(%dma_start3A_15 : memref<10000x32xf32, #tpu.memory_space<hbm>>) target(%dma_start3A_9 : memref<128x32xf32, #tpu.memory_space<vmem>>) offsets(%dma_start3A_12 : memref<128xi32, #tpu.memory_space<vmem>>) semaphore(%arg12 : memref<!tpu.dma_semaphore, #tpu.memory_space<semaphore_mem>>)
    %dma_start3A_16 = arith.constant 1 : i32
    %dma_start3A_17 = arith.constant 1 : i32
    %dma_start3A_18 = arith.constant 0 : i32
    %dma_start3A_19 = arith.constant 0 : i32
    %dma_start3A_20 = tpu.memref_slice %arg9[%dma_start3A_17, %dma_start3A_18, %dma_start3A_19] : memref<16x128x32xf32, #tpu.memory_space<vmem>> -> memref<1x128x32xf32, #tpu.memory_space<vmem>>
    %dma_start3A_21 = tpu.memref_squeeze %dma_start3A_20 : memref<1x128x32xf32, #tpu.memory_space<vmem>> -> memref<128x32xf32, #tpu.memory_space<vmem>>
    %dma_start3A_22 = arith.constant 0 : i32
    %dma_start3A_23 = tpu.memref_slice %arg11[%dma_start3A_16, %dma_start3A_22] : memref<114x128xi32, #tpu.memory_space<vmem>> -> memref<1x128xi32, #tpu.memory_space<vmem>>
    %dma_start3A_24 = tpu.memref_squeeze %dma_start3A_23 : memref<1x128xi32, #tpu.memory_space<vmem>> -> memref<128xi32, #tpu.memory_space<vmem>>
    %dma_start3A_25 = arith.constant 0 : i32
    %dma_start3A_26 = arith.constant 0 : i32
    %dma_start3A_27 = tpu.memref_slice %arg2[%dma_start3A_25, %dma_start3A_26] : memref<10000x32xf32, #tpu.memory_space<hbm>> -> memref<10000x32xf32, #tpu.memory_space<hbm>>
    tpu.enqueue_indirect_dma source(%dma_start3A_27 : memref<10000x32xf32, #tpu.memory_space<hbm>>) target(%dma_start3A_21 : memref<128x32xf32, #tpu.memory_space<vmem>>) offsets(%dma_start3A_24 : memref<128xi32, #tpu.memory_space<vmem>>) semaphore(%arg12 : memref<!tpu.dma_semaphore, #tpu.memory_space<semaphore_mem>>)
    %dma_start3A_28 = arith.constant 2 : i32
    %dma_start3A_29 = arith.constant 2 : i32
    %dma_start3A_30 = arith.constant 0 : i32
    %dma_start3A_31 = arith.constant 0 : i32
    %dma_start3A_32 = tpu.memref_slice %arg9[%dma_start3A_29, %dma_start3A_30, %dma_start3A_31] : memref<16x128x32xf32, #tpu.memory_space<vmem>> -> memref<1x128x32xf32, #tpu.memory_space<vmem>>
    %dma_start3A_33 = tpu.memref_squeeze %dma_start3A_32 : memref<1x128x32xf32, #tpu.memory_space<vmem>> -> memref<128x32xf32, #tpu.memory_space<vmem>>
    %dma_start3A_34 = arith.constant 0 : i32
    %dma_start3A_35 = tpu.memref_slice %arg11[%dma_start3A_28, %dma_start3A_34] : memref<114x128xi32, #tpu.memory_space<vmem>> -> memref<1x128xi32, #tpu.memory_space<vmem>>
    %dma_start3A_36 = tpu.memref_squeeze %dma_start3A_35 : memref<1x128xi32, #tpu.memory_space<vmem>> -> memref<128xi32, #tpu.memory_space<vmem>>
    %dma_start3A_37 = arith.constant 0 : i32
    %dma_start3A_38 = arith.constant 0 : i32
    %dma_start3A_39 = tpu.memref_slice %arg2[%dma_start3A_37, %dma_start3A_38] : memref<10000x32xf32, #tpu.memory_space<hbm>> -> memref<10000x32xf32, #tpu.memory_space<hbm>>
    tpu.enqueue_indirect_dma source(%dma_start3A_39 : memref<10000x32xf32, #tpu.memory_space<hbm>>) target(%dma_start3A_33 : memref<128x32xf32, #tpu.memory_space<vmem>>) offsets(%dma_start3A_36 : memref<128xi32, #tpu.memory_space<vmem>>) semaphore(%arg12 : memref<!tpu.dma_semaphore, #tpu.memory_space<semaphore_mem>>)
    %dma_start3A_40 = arith.constant 3 : i32
    %dma_start3A_41 = arith.constant 3 : i32
    %dma_start3A_42 = arith.constant 0 : i32
    %dma_start3A_43 = arith.constant 0 : i32
    %dma_start3A_44 = tpu.memref_slice %arg9[%dma_start3A_41, %dma_start3A_42, %dma_start3A_43] : memref<16x128x32xf32, #tpu.memory_space<vmem>> -> memref<1x128x32xf32, #tpu.memory_space<vmem>>
    %dma_start3A_45 = tpu.memref_squeeze %dma_start3A_44 : memref<1x128x32xf32, #tpu.memory_space<vmem>> -> memref<128x32xf32, #tpu.memory_space<vmem>>
    %dma_start3A_46 = arith.constant 0 : i32
    %dma_start3A_47 = tpu.memref_slice %arg11[%dma_start3A_40, %dma_start3A_46] : memref<114x128xi32, #tpu.memory_space<vmem>> -> memref<1x128xi32, #tpu.memory_space<vmem>>
    %dma_start3A_48 = tpu.memref_squeeze %dma_start3A_47 : memref<1x128xi32, #tpu.memory_space<vmem>> -> memref<128xi32, #tpu.memory_space<vmem>>
    %dma_start3A_49 = arith.constant 0 : i32
    %dma_start3A_50 = arith.constant 0 : i32
    %dma_start3A_51 = tpu.memref_slice %arg2[%dma_start3A_49, %dma_start3A_50] : memref<10000x32xf32, #tpu.memory_space<hbm>> -> memref<10000x32xf32, #tpu.memory_space<hbm>>
    tpu.enqueue_indirect_dma source(%dma_start3A_51 : memref<10000x32xf32, #tpu.memory_space<hbm>>) target(%dma_start3A_45 : memref<128x32xf32, #tpu.memory_space<vmem>>) offsets(%dma_start3A_48 : memref<128xi32, #tpu.memory_space<vmem>>) semaphore(%arg12 : memref<!tpu.dma_semaphore, #tpu.memory_space<semaphore_mem>>)
    %dma_start3A_52 = arith.constant 4 : i32
    %dma_start3A_53 = arith.constant 4 : i32
    %dma_start3A_54 = arith.constant 0 : i32
    %dma_start3A_55 = arith.constant 0 : i32
    %dma_start3A_56 = tpu.memref_slice %arg9[%dma_start3A_53, %dma_start3A_54, %dma_start3A_55] : memref<16x128x32xf32, #tpu.memory_space<vmem>> -> memref<1x128x32xf32, #tpu.memory_space<vmem>>
    %dma_start3A_57 = tpu.memref_squeeze %dma_start3A_56 : memref<1x128x32xf32, #tpu.memory_space<vmem>> -> memref<128x32xf32, #tpu.memory_space<vmem>>
    %dma_start3A_58 = arith.constant 0 : i32
    %dma_start3A_59 = tpu.memref_slice %arg11[%dma_start3A_52, %dma_start3A_58] : memref<114x128xi32, #tpu.memory_space<vmem>> -> memref<1x128xi32, #tpu.memory_space<vmem>>
    %dma_start3A_60 = tpu.memref_squeeze %dma_start3A_59 : memref<1x128xi32, #tpu.memory_space<vmem>> -> memref<128xi32, #tpu.memory_space<vmem>>
    %dma_start3A_61 = arith.constant 0 : i32
    %dma_start3A_62 = arith.constant 0 : i32
    %dma_start3A_63 = tpu.memref_slice %arg2[%dma_start3A_61, %dma_start3A_62] : memref<10000x32xf32, #tpu.memory_space<hbm>> -> memref<10000x32xf32, #tpu.memory_space<hbm>>
    tpu.enqueue_indirect_dma source(%dma_start3A_63 : memref<10000x32xf32, #tpu.memory_space<hbm>>) target(%dma_start3A_57 : memref<128x32xf32, #tpu.memory_space<vmem>>) offsets(%dma_start3A_60 : memref<128xi32, #tpu.memory_space<vmem>>) semaphore(%arg12 : memref<!tpu.dma_semaphore, #tpu.memory_space<semaphore_mem>>)
    %dma_start3A_64 = arith.constant 5 : i32
    %dma_start3A_65 = arith.constant 5 : i32
    %dma_start3A_66 = arith.constant 0 : i32
    %dma_start3A_67 = arith.constant 0 : i32
    %dma_start3A_68 = tpu.memref_slice %arg9[%dma_start3A_65, %dma_start3A_66, %dma_start3A_67] : memref<16x128x32xf32, #tpu.memory_space<vmem>> -> memref<1x128x32xf32, #tpu.memory_space<vmem>>
    %dma_start3A_69 = tpu.memref_squeeze %dma_start3A_68 : memref<1x128x32xf32, #tpu.memory_space<vmem>> -> memref<128x32xf32, #tpu.memory_space<vmem>>
    %dma_start3A_70 = arith.constant 0 : i32
    %dma_start3A_71 = tpu.memref_slice %arg11[%dma_start3A_64, %dma_start3A_70] : memref<114x128xi32, #tpu.memory_space<vmem>> -> memref<1x128xi32, #tpu.memory_space<vmem>>
    %dma_start3A_72 = tpu.memref_squeeze %dma_start3A_71 : memref<1x128xi32, #tpu.memory_space<vmem>> -> memref<128xi32, #tpu.memory_space<vmem>>
    %dma_start3A_73 = arith.constant 0 : i32
    %dma_start3A_74 = arith.constant 0 : i32
    %dma_start3A_75 = tpu.memref_slice %arg2[%dma_start3A_73, %dma_start3A_74] : memref<10000x32xf32, #tpu.memory_space<hbm>> -> memref<10000x32xf32, #tpu.memory_space<hbm>>
    tpu.enqueue_indirect_dma source(%dma_start3A_75 : memref<10000x32xf32, #tpu.memory_space<hbm>>) target(%dma_start3A_69 : memref<128x32xf32, #tpu.memory_space<vmem>>) offsets(%dma_start3A_72 : memref<128xi32, #tpu.memory_space<vmem>>) semaphore(%arg12 : memref<!tpu.dma_semaphore, #tpu.memory_space<semaphore_mem>>)
    %dma_start3A_76 = arith.constant 6 : i32
    %dma_start3A_77 = arith.constant 6 : i32
    %dma_start3A_78 = arith.constant 0 : i32
    %dma_start3A_79 = arith.constant 0 : i32
    %dma_start3A_80 = tpu.memref_slice %arg9[%dma_start3A_77, %dma_start3A_78, %dma_start3A_79] : memref<16x128x32xf32, #tpu.memory_space<vmem>> -> memref<1x128x32xf32, #tpu.memory_space<vmem>>
    %dma_start3A_81 = tpu.memref_squeeze %dma_start3A_80 : memref<1x128x32xf32, #tpu.memory_space<vmem>> -> memref<128x32xf32, #tpu.memory_space<vmem>>
    %dma_start3A_82 = arith.constant 0 : i32
    %dma_start3A_83 = tpu.memref_slice %arg11[%dma_start3A_76, %dma_start3A_82] : memref<114x128xi32, #tpu.memory_space<vmem>> -> memref<1x128xi32, #tpu.memory_space<vmem>>
    %dma_start3A_84 = tpu.memref_squeeze %dma_start3A_83 : memref<1x128xi32, #tpu.memory_space<vmem>> -> memref<128xi32, #tpu.memory_space<vmem>>
    %dma_start3A_85 = arith.constant 0 : i32
    %dma_start3A_86 = arith.constant 0 : i32
    %dma_start3A_87 = tpu.memref_slice %arg2[%dma_start3A_85, %dma_start3A_86] : memref<10000x32xf32, #tpu.memory_space<hbm>> -> memref<10000x32xf32, #tpu.memory_space<hbm>>
    tpu.enqueue_indirect_dma source(%dma_start3A_87 : memref<10000x32xf32, #tpu.memory_space<hbm>>) target(%dma_start3A_81 : memref<128x32xf32, #tpu.memory_space<vmem>>) offsets(%dma_start3A_84 : memref<128xi32, #tpu.memory_space<vmem>>) semaphore(%arg12 : memref<!tpu.dma_semaphore, #tpu.memory_space<semaphore_mem>>)
    %dma_start3A_88 = arith.constant 7 : i32
    %dma_start3A_89 = arith.constant 7 : i32
    %dma_start3A_90 = arith.constant 0 : i32
    %dma_start3A_91 = arith.constant 0 : i32
    %dma_start3A_92 = tpu.memref_slice %arg9[%dma_start3A_89, %dma_start3A_90, %dma_start3A_91] : memref<16x128x32xf32, #tpu.memory_space<vmem>> -> memref<1x128x32xf32, #tpu.memory_space<vmem>>
    %dma_start3A_93 = tpu.memref_squeeze %dma_start3A_92 : memref<1x128x32xf32, #tpu.memory_space<vmem>> -> memref<128x32xf32, #tpu.memory_space<vmem>>
    %dma_start3A_94 = arith.constant 0 : i32
    %dma_start3A_95 = tpu.memref_slice %arg11[%dma_start3A_88, %dma_start3A_94] : memref<114x128xi32, #tpu.memory_space<vmem>> -> memref<1x128xi32, #tpu.memory_space<vmem>>
    %dma_start3A_96 = tpu.memref_squeeze %dma_start3A_95 : memref<1x128xi32, #tpu.memory_space<vmem>> -> memref<128xi32, #tpu.memory_space<vmem>>
    %dma_start3A_97 = arith.constant 0 : i32
    %dma_start3A_98 = arith.constant 0 : i32
    %dma_start3A_99 = tpu.memref_slice %arg2[%dma_start3A_97, %dma_start3A_98] : memref<10000x32xf32, #tpu.memory_space<hbm>> -> memref<10000x32xf32, #tpu.memory_space<hbm>>
    tpu.enqueue_indirect_dma source(%dma_start3A_99 : memref<10000x32xf32, #tpu.memory_space<hbm>>) target(%dma_start3A_93 : memref<128x32xf32, #tpu.memory_space<vmem>>) offsets(%dma_start3A_96 : memref<128xi32, #tpu.memory_space<vmem>>) semaphore(%arg12 : memref<!tpu.dma_semaphore, #tpu.memory_space<semaphore_mem>>)
    %dma_start3A_100 = arith.constant 8 : i32
    %dma_start3A_101 = arith.constant 8 : i32
    %dma_start3A_102 = arith.constant 0 : i32
    %dma_start3A_103 = arith.constant 0 : i32
    %dma_start3A_104 = tpu.memref_slice %arg9[%dma_start3A_101, %dma_start3A_102, %dma_start3A_103] : memref<16x128x32xf32, #tpu.memory_space<vmem>> -> memref<1x128x32xf32, #tpu.memory_space<vmem>>
    %dma_start3A_105 = tpu.memref_squeeze %dma_start3A_104 : memref<1x128x32xf32, #tpu.memory_space<vmem>> -> memref<128x32xf32, #tpu.memory_space<vmem>>
    %dma_start3A_106 = arith.constant 0 : i32
    %dma_start3A_107 = tpu.memref_slice %arg11[%dma_start3A_100, %dma_start3A_106] : memref<114x128xi32, #tpu.memory_space<vmem>> -> memref<1x128xi32, #tpu.memory_space<vmem>>
    %dma_start3A_108 = tpu.memref_squeeze %dma_start3A_107 : memref<1x128xi32, #tpu.memory_space<vmem>> -> memref<128xi32, #tpu.memory_space<vmem>>
    %dma_start3A_109 = arith.constant 0 : i32
    %dma_start3A_110 = arith.constant 0 : i32
    %dma_start3A_111 = tpu.memref_slice %arg2[%dma_start3A_109, %dma_start3A_110] : memref<10000x32xf32, #tpu.memory_space<hbm>> -> memref<10000x32xf32, #tpu.memory_space<hbm>>
    tpu.enqueue_indirect_dma source(%dma_start3A_111 : memref<10000x32xf32, #tpu.memory_space<hbm>>) target(%dma_start3A_105 : memref<128x32xf32, #tpu.memory_space<vmem>>) offsets(%dma_start3A_108 : memref<128xi32, #tpu.memory_space<vmem>>) semaphore(%arg12 : memref<!tpu.dma_semaphore, #tpu.memory_space<semaphore_mem>>)
    %dma_start3A_112 = arith.constant 9 : i32
    %dma_start3A_113 = arith.constant 9 : i32
    %dma_start3A_114 = arith.constant 0 : i32
    %dma_start3A_115 = arith.constant 0 : i32
    %dma_start3A_116 = tpu.memref_slice %arg9[%dma_start3A_113, %dma_start3A_114, %dma_start3A_115] : memref<16x128x32xf32, #tpu.memory_space<vmem>> -> memref<1x128x32xf32, #tpu.memory_space<vmem>>
    %dma_start3A_117 = tpu.memref_squeeze %dma_start3A_116 : memref<1x128x32xf32, #tpu.memory_space<vmem>> -> memref<128x32xf32, #tpu.memory_space<vmem>>
    %dma_start3A_118 = arith.constant 0 : i32
    %dma_start3A_119 = tpu.memref_slice %arg11[%dma_start3A_112, %dma_start3A_118] : memref<114x128xi32, #tpu.memory_space<vmem>> -> memref<1x128xi32, #tpu.memory_space<vmem>>
    %dma_start3A_120 = tpu.memref_squeeze %dma_start3A_119 : memref<1x128xi32, #tpu.memory_space<vmem>> -> memref<128xi32, #tpu.memory_space<vmem>>
    %dma_start3A_121 = arith.constant 0 : i32
    %dma_start3A_122 = arith.constant 0 : i32
    %dma_start3A_123 = tpu.memref_slice %arg2[%dma_start3A_121, %dma_start3A_122] : memref<10000x32xf32, #tpu.memory_space<hbm>> -> memref<10000x32xf32, #tpu.memory_space<hbm>>
    tpu.enqueue_indirect_dma source(%dma_start3A_123 : memref<10000x32xf32, #tpu.memory_space<hbm>>) target(%dma_start3A_117 : memref<128x32xf32, #tpu.memory_space<vmem>>) offsets(%dma_start3A_120 : memref<128xi32, #tpu.memory_space<vmem>>) semaphore(%arg12 : memref<!tpu.dma_semaphore, #tpu.memory_space<semaphore_mem>>)
    %dma_start3A_124 = arith.constant 10 : i32
    %dma_start3A_125 = arith.constant 10 : i32
    %dma_start3A_126 = arith.constant 0 : i32
    %dma_start3A_127 = arith.constant 0 : i32
    %dma_start3A_128 = tpu.memref_slice %arg9[%dma_start3A_125, %dma_start3A_126, %dma_start3A_127] : memref<16x128x32xf32, #tpu.memory_space<vmem>> -> memref<1x128x32xf32, #tpu.memory_space<vmem>>
    %dma_start3A_129 = tpu.memref_squeeze %dma_start3A_128 : memref<1x128x32xf32, #tpu.memory_space<vmem>> -> memref<128x32xf32, #tpu.memory_space<vmem>>
    %dma_start3A_130 = arith.constant 0 : i32
    %dma_start3A_131 = tpu.memref_slice %arg11[%dma_start3A_124, %dma_start3A_130] : memref<114x128xi32, #tpu.memory_space<vmem>> -> memref<1x128xi32, #tpu.memory_space<vmem>>
    %dma_start3A_132 = tpu.memref_squeeze %dma_start3A_131 : memref<1x128xi32, #tpu.memory_space<vmem>> -> memref<128xi32, #tpu.memory_space<vmem>>
    %dma_start3A_133 = arith.constant 0 : i32
    %dma_start3A_134 = arith.constant 0 : i32
    %dma_start3A_135 = tpu.memref_slice %arg2[%dma_start3A_133, %dma_start3A_134] : memref<10000x32xf32, #tpu.memory_space<hbm>> -> memref<10000x32xf32, #tpu.memory_space<hbm>>
    tpu.enqueue_indirect_dma source(%dma_start3A_135 : memref<10000x32xf32, #tpu.memory_space<hbm>>) target(%dma_start3A_129 : memref<128x32xf32, #tpu.memory_space<vmem>>) offsets(%dma_start3A_132 : memref<128xi32, #tpu.memory_space<vmem>>) semaphore(%arg12 : memref<!tpu.dma_semaphore, #tpu.memory_space<semaphore_mem>>)
    %dma_start3A_136 = arith.constant 11 : i32
    %dma_start3A_137 = arith.constant 11 : i32
    %dma_start3A_138 = arith.constant 0 : i32
    %dma_start3A_139 = arith.constant 0 : i32
    %dma_start3A_140 = tpu.memref_slice %arg9[%dma_start3A_137, %dma_start3A_138, %dma_start3A_139] : memref<16x128x32xf32, #tpu.memory_space<vmem>> -> memref<1x128x32xf32, #tpu.memory_space<vmem>>
    %dma_start3A_141 = tpu.memref_squeeze %dma_start3A_140 : memref<1x128x32xf32, #tpu.memory_space<vmem>> -> memref<128x32xf32, #tpu.memory_space<vmem>>
    %dma_start3A_142 = arith.constant 0 : i32
    %dma_start3A_143 = tpu.memref_slice %arg11[%dma_start3A_136, %dma_start3A_142] : memref<114x128xi32, #tpu.memory_space<vmem>> -> memref<1x128xi32, #tpu.memory_space<vmem>>
    %dma_start3A_144 = tpu.memref_squeeze %dma_start3A_143 : memref<1x128xi32, #tpu.memory_space<vmem>> -> memref<128xi32, #tpu.memory_space<vmem>>
    %dma_start3A_145 = arith.constant 0 : i32
    %dma_start3A_146 = arith.constant 0 : i32
    %dma_start3A_147 = tpu.memref_slice %arg2[%dma_start3A_145, %dma_start3A_146] : memref<10000x32xf32, #tpu.memory_space<hbm>> -> memref<10000x32xf32, #tpu.memory_space<hbm>>
    tpu.enqueue_indirect_dma source(%dma_start3A_147 : memref<10000x32xf32, #tpu.memory_space<hbm>>) target(%dma_start3A_141 : memref<128x32xf32, #tpu.memory_space<vmem>>) offsets(%dma_start3A_144 : memref<128xi32, #tpu.memory_space<vmem>>) semaphore(%arg12 : memref<!tpu.dma_semaphore, #tpu.memory_space<semaphore_mem>>)
    %dma_start3A_148 = arith.constant 12 : i32
    %dma_start3A_149 = arith.constant 12 : i32
    %dma_start3A_150 = arith.constant 0 : i32
    %dma_start3A_151 = arith.constant 0 : i32
    %dma_start3A_152 = tpu.memref_slice %arg9[%dma_start3A_149, %dma_start3A_150, %dma_start3A_151] : memref<16x128x32xf32, #tpu.memory_space<vmem>> -> memref<1x128x32xf32, #tpu.memory_space<vmem>>
    %dma_start3A_153 = tpu.memref_squeeze %dma_start3A_152 : memref<1x128x32xf32, #tpu.memory_space<vmem>> -> memref<128x32xf32, #tpu.memory_space<vmem>>
    %dma_start3A_154 = arith.constant 0 : i32
    %dma_start3A_155 = tpu.memref_slice %arg11[%dma_start3A_148, %dma_start3A_154] : memref<114x128xi32, #tpu.memory_space<vmem>> -> memref<1x128xi32, #tpu.memory_space<vmem>>
    %dma_start3A_156 = tpu.memref_squeeze %dma_start3A_155 : memref<1x128xi32, #tpu.memory_space<vmem>> -> memref<128xi32, #tpu.memory_space<vmem>>
    %dma_start3A_157 = arith.constant 0 : i32
    %dma_start3A_158 = arith.constant 0 : i32
    %dma_start3A_159 = tpu.memref_slice %arg2[%dma_start3A_157, %dma_start3A_158] : memref<10000x32xf32, #tpu.memory_space<hbm>> -> memref<10000x32xf32, #tpu.memory_space<hbm>>
    tpu.enqueue_indirect_dma source(%dma_start3A_159 : memref<10000x32xf32, #tpu.memory_space<hbm>>) target(%dma_start3A_153 : memref<128x32xf32, #tpu.memory_space<vmem>>) offsets(%dma_start3A_156 : memref<128xi32, #tpu.memory_space<vmem>>) semaphore(%arg12 : memref<!tpu.dma_semaphore, #tpu.memory_space<semaphore_mem>>)
    %mul3A_160 = arith.constant 632 : i32
    %mul3A_161 = arith.muli %arg1, %mul3A_160 : i32
    "tpu.region"() ({
      %run_scoped3A = tpu.sem_alloc : memref<!tpu.dma_semaphore, #tpu.memory_space<semaphore_mem>>
      %dma_start3A_309 = arith.constant 0 : i32
      %dma_start3A_310 = tpu.memref_slice %arg7[%mul3A_161, %dma_start3A_309] : memref<10112x32xf32, #tpu.memory_space<vmem_shared>> -> memref<632x32xf32, #tpu.memory_space<vmem_shared>>
      tpu.enqueue_dma source(%arg5 : memref<632x32xf32, #tpu.memory_space<hbm>>) target(%dma_start3A_310 : memref<632x32xf32, #tpu.memory_space<vmem_shared>>) target_semaphore(%run_scoped3A : memref<!tpu.dma_semaphore, #tpu.memory_space<semaphore_mem>>)
      %dma_wait3A_311 = arith.constant 0 : i32
      %dma_wait3A_312 = tpu.memref_slice %arg7[%mul3A_161, %dma_wait3A_311] : memref<10112x32xf32, #tpu.memory_space<vmem_shared>> -> memref<632x32xf32, #tpu.memory_space<vmem_shared>>
      tpu.wait_dma2 semaphore(%run_scoped3A : memref<!tpu.dma_semaphore, #tpu.memory_space<semaphore_mem>>) src(%arg5 : memref<632x32xf32, #tpu.memory_space<hbm>>) dst(%dma_wait3A_312 : memref<632x32xf32, #tpu.memory_space<vmem_shared>>)
      tpu.yield
    }) : () -> ()
    %barrier3A = arith.constant 0 : index
    tpu.barrier barrier_id(%barrier3A)
    %dma_wait3A = arith.constant 0 : i32
    %dma_wait3A_162 = arith.constant 0 : i32
    %dma_wait3A_163 = arith.constant 0 : i32
    %dma_wait3A_164 = arith.constant 0 : i32
    %dma_wait3A_165 = tpu.memref_slice %arg9[%dma_wait3A_162, %dma_wait3A_163, %dma_wait3A_164] : memref<16x128x32xf32, #tpu.memory_space<vmem>> -> memref<1x128x32xf32, #tpu.memory_space<vmem>>
    %dma_wait3A_166 = tpu.memref_squeeze %dma_wait3A_165 : memref<1x128x32xf32, #tpu.memory_space<vmem>> -> memref<128x32xf32, #tpu.memory_space<vmem>>
    %dma_wait3A_167 = arith.constant 0 : i32
    %dma_wait3A_168 = tpu.memref_slice %arg11[%dma_wait3A, %dma_wait3A_167] : memref<114x128xi32, #tpu.memory_space<vmem>> -> memref<1x128xi32, #tpu.memory_space<vmem>>
    %dma_wait3A_169 = tpu.memref_squeeze %dma_wait3A_168 : memref<1x128xi32, #tpu.memory_space<vmem>> -> memref<128xi32, #tpu.memory_space<vmem>>
    %dma_wait3A_170 = arith.constant 0 : i32
    %dma_wait3A_171 = arith.constant 0 : i32
    %dma_wait3A_172 = tpu.memref_slice %arg2[%dma_wait3A_170, %dma_wait3A_171] : memref<10000x32xf32, #tpu.memory_space<hbm>> -> memref<10000x32xf32, #tpu.memory_space<hbm>>
    tpu.wait_indirect_dma semaphore(%arg12 : memref<!tpu.dma_semaphore, #tpu.memory_space<semaphore_mem>>) src(%dma_wait3A_172 : memref<10000x32xf32, #tpu.memory_space<hbm>>) dst(%dma_wait3A_166 : memref<128x32xf32, #tpu.memory_space<vmem>>)
    %dma_start3A_173 = arith.constant 0 : i32
    %dma_start3A_174 = arith.constant 0 : i32
    %dma_start3A_175 = arith.constant 0 : i32
    %dma_start3A_176 = arith.constant 0 : i32
    %dma_start3A_177 = tpu.memref_slice %arg9[%dma_start3A_173, %dma_start3A_175, %dma_start3A_176] : memref<16x128x32xf32, #tpu.memory_space<vmem>> -> memref<1x128x32xf32, #tpu.memory_space<vmem>>
    %dma_start3A_178 = tpu.memref_squeeze %dma_start3A_177 : memref<1x128x32xf32, #tpu.memory_space<vmem>> -> memref<128x32xf32, #tpu.memory_space<vmem>>
    %dma_start3A_179 = arith.constant 0 : i32
    %dma_start3A_180 = tpu.memref_slice %arg8[%dma_start3A_174, %dma_start3A_179] : memref<114x128xi32, #tpu.memory_space<vmem>> -> memref<1x128xi32, #tpu.memory_space<vmem>>
    %dma_start3A_181 = tpu.memref_squeeze %dma_start3A_180 : memref<1x128xi32, #tpu.memory_space<vmem>> -> memref<128xi32, #tpu.memory_space<vmem>>
    %dma_start3A_182 = arith.constant 0 : i32
    %dma_start3A_183 = arith.constant 0 : i32
    %dma_start3A_184 = tpu.memref_slice %arg7[%dma_start3A_182, %dma_start3A_183] : memref<10112x32xf32, #tpu.memory_space<vmem_shared>> -> memref<10112x32xf32, #tpu.memory_space<vmem_shared>>
    tpu.enqueue_indirect_dma source(%dma_start3A_178 : memref<128x32xf32, #tpu.memory_space<vmem>>) target(%dma_start3A_184 : memref<10112x32xf32, #tpu.memory_space<vmem_shared>>) offsets(%dma_start3A_181 : memref<128xi32, #tpu.memory_space<vmem>>) semaphore(%arg10 : memref<!tpu.dma_semaphore, #tpu.memory_space<semaphore_mem>>) {add = true}
    %dma_start3A_185 = arith.constant 13 : i32
    %dma_start3A_186 = arith.constant 13 : i32
    %dma_start3A_187 = arith.constant 0 : i32
    %dma_start3A_188 = arith.constant 0 : i32
    %dma_start3A_189 = tpu.memref_slice %arg9[%dma_start3A_186, %dma_start3A_187, %dma_start3A_188] : memref<16x128x32xf32, #tpu.memory_space<vmem>> -> memref<1x128x32xf32, #tpu.memory_space<vmem>>
    %dma_start3A_190 = tpu.memref_squeeze %dma_start3A_189 : memref<1x128x32xf32, #tpu.memory_space<vmem>> -> memref<128x32xf32, #tpu.memory_space<vmem>>
    %dma_start3A_191 = arith.constant 0 : i32
    %dma_start3A_192 = tpu.memref_slice %arg11[%dma_start3A_185, %dma_start3A_191] : memref<114x128xi32, #tpu.memory_space<vmem>> -> memref<1x128xi32, #tpu.memory_space<vmem>>
    %dma_start3A_193 = tpu.memref_squeeze %dma_start3A_192 : memref<1x128xi32, #tpu.memory_space<vmem>> -> memref<128xi32, #tpu.memory_space<vmem>>
    %dma_start3A_194 = arith.constant 0 : i32
    %dma_start3A_195 = arith.constant 0 : i32
    %dma_start3A_196 = tpu.memref_slice %arg2[%dma_start3A_194, %dma_start3A_195] : memref<10000x32xf32, #tpu.memory_space<hbm>> -> memref<10000x32xf32, #tpu.memory_space<hbm>>
    tpu.enqueue_indirect_dma source(%dma_start3A_196 : memref<10000x32xf32, #tpu.memory_space<hbm>>) target(%dma_start3A_190 : memref<128x32xf32, #tpu.memory_space<vmem>>) offsets(%dma_start3A_193 : memref<128xi32, #tpu.memory_space<vmem>>) semaphore(%arg12 : memref<!tpu.dma_semaphore, #tpu.memory_space<semaphore_mem>>)
    %dma_wait3A_197 = arith.constant 1 : i32
    %dma_wait3A_198 = arith.constant 1 : i32
    %dma_wait3A_199 = arith.constant 0 : i32
    %dma_wait3A_200 = arith.constant 0 : i32
    %dma_wait3A_201 = tpu.memref_slice %arg9[%dma_wait3A_198, %dma_wait3A_199, %dma_wait3A_200] : memref<16x128x32xf32, #tpu.memory_space<vmem>> -> memref<1x128x32xf32, #tpu.memory_space<vmem>>
    %dma_wait3A_202 = tpu.memref_squeeze %dma_wait3A_201 : memref<1x128x32xf32, #tpu.memory_space<vmem>> -> memref<128x32xf32, #tpu.memory_space<vmem>>
    %dma_wait3A_203 = arith.constant 0 : i32
    %dma_wait3A_204 = tpu.memref_slice %arg11[%dma_wait3A_197, %dma_wait3A_203] : memref<114x128xi32, #tpu.memory_space<vmem>> -> memref<1x128xi32, #tpu.memory_space<vmem>>
    %dma_wait3A_205 = tpu.memref_squeeze %dma_wait3A_204 : memref<1x128xi32, #tpu.memory_space<vmem>> -> memref<128xi32, #tpu.memory_space<vmem>>
    %dma_wait3A_206 = arith.constant 0 : i32
    %dma_wait3A_207 = arith.constant 0 : i32
    %dma_wait3A_208 = tpu.memref_slice %arg2[%dma_wait3A_206, %dma_wait3A_207] : memref<10000x32xf32, #tpu.memory_space<hbm>> -> memref<10000x32xf32, #tpu.memory_space<hbm>>
    tpu.wait_indirect_dma semaphore(%arg12 : memref<!tpu.dma_semaphore, #tpu.memory_space<semaphore_mem>>) src(%dma_wait3A_208 : memref<10000x32xf32, #tpu.memory_space<hbm>>) dst(%dma_wait3A_202 : memref<128x32xf32, #tpu.memory_space<vmem>>)
    %dma_start3A_209 = arith.constant 1 : i32
    %dma_start3A_210 = arith.constant 1 : i32
    %dma_start3A_211 = arith.constant 0 : i32
    %dma_start3A_212 = arith.constant 0 : i32
    %dma_start3A_213 = tpu.memref_slice %arg9[%dma_start3A_209, %dma_start3A_211, %dma_start3A_212] : memref<16x128x32xf32, #tpu.memory_space<vmem>> -> memref<1x128x32xf32, #tpu.memory_space<vmem>>
    %dma_start3A_214 = tpu.memref_squeeze %dma_start3A_213 : memref<1x128x32xf32, #tpu.memory_space<vmem>> -> memref<128x32xf32, #tpu.memory_space<vmem>>
    %dma_start3A_215 = arith.constant 0 : i32
    %dma_start3A_216 = tpu.memref_slice %arg8[%dma_start3A_210, %dma_start3A_215] : memref<114x128xi32, #tpu.memory_space<vmem>> -> memref<1x128xi32, #tpu.memory_space<vmem>>
    %dma_start3A_217 = tpu.memref_squeeze %dma_start3A_216 : memref<1x128xi32, #tpu.memory_space<vmem>> -> memref<128xi32, #tpu.memory_space<vmem>>
    %dma_start3A_218 = arith.constant 0 : i32
    %dma_start3A_219 = arith.constant 0 : i32
    %dma_start3A_220 = tpu.memref_slice %arg7[%dma_start3A_218, %dma_start3A_219] : memref<10112x32xf32, #tpu.memory_space<vmem_shared>> -> memref<10112x32xf32, #tpu.memory_space<vmem_shared>>
    tpu.enqueue_indirect_dma source(%dma_start3A_214 : memref<128x32xf32, #tpu.memory_space<vmem>>) target(%dma_start3A_220 : memref<10112x32xf32, #tpu.memory_space<vmem_shared>>) offsets(%dma_start3A_217 : memref<128xi32, #tpu.memory_space<vmem>>) semaphore(%arg10 : memref<!tpu.dma_semaphore, #tpu.memory_space<semaphore_mem>>) {add = true}
    %dma_start3A_221 = arith.constant 14 : i32
    %dma_start3A_222 = arith.constant 14 : i32
    %dma_start3A_223 = arith.constant 0 : i32
    %dma_start3A_224 = arith.constant 0 : i32
    %dma_start3A_225 = tpu.memref_slice %arg9[%dma_start3A_222, %dma_start3A_223, %dma_start3A_224] : memref<16x128x32xf32, #tpu.memory_space<vmem>> -> memref<1x128x32xf32, #tpu.memory_space<vmem>>
    %dma_start3A_226 = tpu.memref_squeeze %dma_start3A_225 : memref<1x128x32xf32, #tpu.memory_space<vmem>> -> memref<128x32xf32, #tpu.memory_space<vmem>>
    %dma_start3A_227 = arith.constant 0 : i32
    %dma_start3A_228 = tpu.memref_slice %arg11[%dma_start3A_221, %dma_start3A_227] : memref<114x128xi32, #tpu.memory_space<vmem>> -> memref<1x128xi32, #tpu.memory_space<vmem>>
    %dma_start3A_229 = tpu.memref_squeeze %dma_start3A_228 : memref<1x128xi32, #tpu.memory_space<vmem>> -> memref<128xi32, #tpu.memory_space<vmem>>
    %dma_start3A_230 = arith.constant 0 : i32
    %dma_start3A_231 = arith.constant 0 : i32
    %dma_start3A_232 = tpu.memref_slice %arg2[%dma_start3A_230, %dma_start3A_231] : memref<10000x32xf32, #tpu.memory_space<hbm>> -> memref<10000x32xf32, #tpu.memory_space<hbm>>
    tpu.enqueue_indirect_dma source(%dma_start3A_232 : memref<10000x32xf32, #tpu.memory_space<hbm>>) target(%dma_start3A_226 : memref<128x32xf32, #tpu.memory_space<vmem>>) offsets(%dma_start3A_229 : memref<128xi32, #tpu.memory_space<vmem>>) semaphore(%arg12 : memref<!tpu.dma_semaphore, #tpu.memory_space<semaphore_mem>>)
    %dma_wait3A_233 = arith.constant 2 : i32
    %dma_wait3A_234 = arith.constant 2 : i32
    %dma_wait3A_235 = arith.constant 0 : i32
    %dma_wait3A_236 = arith.constant 0 : i32
    %dma_wait3A_237 = tpu.memref_slice %arg9[%dma_wait3A_234, %dma_wait3A_235, %dma_wait3A_236] : memref<16x128x32xf32, #tpu.memory_space<vmem>> -> memref<1x128x32xf32, #tpu.memory_space<vmem>>
    %dma_wait3A_238 = tpu.memref_squeeze %dma_wait3A_237 : memref<1x128x32xf32, #tpu.memory_space<vmem>> -> memref<128x32xf32, #tpu.memory_space<vmem>>
    %dma_wait3A_239 = arith.constant 0 : i32
    %dma_wait3A_240 = tpu.memref_slice %arg11[%dma_wait3A_233, %dma_wait3A_239] : memref<114x128xi32, #tpu.memory_space<vmem>> -> memref<1x128xi32, #tpu.memory_space<vmem>>
    %dma_wait3A_241 = tpu.memref_squeeze %dma_wait3A_240 : memref<1x128xi32, #tpu.memory_space<vmem>> -> memref<128xi32, #tpu.memory_space<vmem>>
    %dma_wait3A_242 = arith.constant 0 : i32
    %dma_wait3A_243 = arith.constant 0 : i32
    %dma_wait3A_244 = tpu.memref_slice %arg2[%dma_wait3A_242, %dma_wait3A_243] : memref<10000x32xf32, #tpu.memory_space<hbm>> -> memref<10000x32xf32, #tpu.memory_space<hbm>>
    tpu.wait_indirect_dma semaphore(%arg12 : memref<!tpu.dma_semaphore, #tpu.memory_space<semaphore_mem>>) src(%dma_wait3A_244 : memref<10000x32xf32, #tpu.memory_space<hbm>>) dst(%dma_wait3A_238 : memref<128x32xf32, #tpu.memory_space<vmem>>)
    %dma_start3A_245 = arith.constant 2 : i32
    %dma_start3A_246 = arith.constant 2 : i32
    %dma_start3A_247 = arith.constant 0 : i32
    %dma_start3A_248 = arith.constant 0 : i32
    %dma_start3A_249 = tpu.memref_slice %arg9[%dma_start3A_245, %dma_start3A_247, %dma_start3A_248] : memref<16x128x32xf32, #tpu.memory_space<vmem>> -> memref<1x128x32xf32, #tpu.memory_space<vmem>>
    %dma_start3A_250 = tpu.memref_squeeze %dma_start3A_249 : memref<1x128x32xf32, #tpu.memory_space<vmem>> -> memref<128x32xf32, #tpu.memory_space<vmem>>
    %dma_start3A_251 = arith.constant 0 : i32
    %dma_start3A_252 = tpu.memref_slice %arg8[%dma_start3A_246, %dma_start3A_251] : memref<114x128xi32, #tpu.memory_space<vmem>> -> memref<1x128xi32, #tpu.memory_space<vmem>>
    %dma_start3A_253 = tpu.memref_squeeze %dma_start3A_252 : memref<1x128xi32, #tpu.memory_space<vmem>> -> memref<128xi32, #tpu.memory_space<vmem>>
    %dma_start3A_254 = arith.constant 0 : i32
    %dma_start3A_255 = arith.constant 0 : i32
    %dma_start3A_256 = tpu.memref_slice %arg7[%dma_start3A_254, %dma_start3A_255] : memref<10112x32xf32, #tpu.memory_space<vmem_shared>> -> memref<10112x32xf32, #tpu.memory_space<vmem_shared>>
    tpu.enqueue_indirect_dma source(%dma_start3A_250 : memref<128x32xf32, #tpu.memory_space<vmem>>) target(%dma_start3A_256 : memref<10112x32xf32, #tpu.memory_space<vmem_shared>>) offsets(%dma_start3A_253 : memref<128xi32, #tpu.memory_space<vmem>>) semaphore(%arg10 : memref<!tpu.dma_semaphore, #tpu.memory_space<semaphore_mem>>) {add = true}
    %dma_start3A_257 = arith.constant 15 : i32
    %dma_start3A_258 = arith.constant 15 : i32
    %dma_start3A_259 = arith.constant 0 : i32
    %dma_start3A_260 = arith.constant 0 : i32
    %dma_start3A_261 = tpu.memref_slice %arg9[%dma_start3A_258, %dma_start3A_259, %dma_start3A_260] : memref<16x128x32xf32, #tpu.memory_space<vmem>> -> memref<1x128x32xf32, #tpu.memory_space<vmem>>
    %dma_start3A_262 = tpu.memref_squeeze %dma_start3A_261 : memref<1x128x32xf32, #tpu.memory_space<vmem>> -> memref<128x32xf32, #tpu.memory_space<vmem>>
    %dma_start3A_263 = arith.constant 0 : i32
    %dma_start3A_264 = tpu.memref_slice %arg11[%dma_start3A_257, %dma_start3A_263] : memref<114x128xi32, #tpu.memory_space<vmem>> -> memref<1x128xi32, #tpu.memory_space<vmem>>
    %dma_start3A_265 = tpu.memref_squeeze %dma_start3A_264 : memref<1x128xi32, #tpu.memory_space<vmem>> -> memref<128xi32, #tpu.memory_space<vmem>>
    %dma_start3A_266 = arith.constant 0 : i32
    %dma_start3A_267 = arith.constant 0 : i32
    %dma_start3A_268 = tpu.memref_slice %arg2[%dma_start3A_266, %dma_start3A_267] : memref<10000x32xf32, #tpu.memory_space<hbm>> -> memref<10000x32xf32, #tpu.memory_space<hbm>>
    tpu.enqueue_indirect_dma source(%dma_start3A_268 : memref<10000x32xf32, #tpu.memory_space<hbm>>) target(%dma_start3A_262 : memref<128x32xf32, #tpu.memory_space<vmem>>) offsets(%dma_start3A_265 : memref<128xi32, #tpu.memory_space<vmem>>) semaphore(%arg12 : memref<!tpu.dma_semaphore, #tpu.memory_space<semaphore_mem>>)
    %sub3A_269 = arith.constant 13 : i32
    %sub3A_270 = arith.subi %sub3A_1, %sub3A_269 : i32
    %while3A = arith.constant 0 : i32
    %while3A_271 = arith.constant 3 : i32
    %while3A_272 = arith.subi %sub3A_270, %while3A_271 : i32
    %while3A_273 = arith.addi %while3A_271, %while3A_272 : i32
    %while3A_274 = arith.constant 1 : i32
    %while3A_275 = arith.divsi %while3A_272, %while3A_274 : i32
    %while3A_276 = arith.muli %while3A_275, %while3A_274 : i32
    %while3A_277 = arith.addi %while3A_271, %while3A_276 : i32
    %while3A_278 = arith.constant 1 : i32
    scf.for %while3A_309 = %while3A_271 to %while3A_277 step %while3A_278  : i32 {
      %rem3A = arith.constant 16 : i32
      %rem3A_310 = arith.remsi %while3A_309, %rem3A : i32
      %dma_wait3A_311 = arith.constant 0 : i32
      %dma_wait3A_312 = arith.constant 0 : i32
      %dma_wait3A_313 = tpu.memref_slice %arg9[%rem3A_310, %dma_wait3A_311, %dma_wait3A_312] : memref<16x128x32xf32, #tpu.memory_space<vmem>> -> memref<1x128x32xf32, #tpu.memory_space<vmem>>
      %dma_wait3A_314 = tpu.memref_squeeze %dma_wait3A_313 : memref<1x128x32xf32, #tpu.memory_space<vmem>> -> memref<128x32xf32, #tpu.memory_space<vmem>>
      %dma_wait3A_315 = arith.constant 0 : i32
      %dma_wait3A_316 = tpu.memref_slice %arg11[%while3A_309, %dma_wait3A_315] : memref<114x128xi32, #tpu.memory_space<vmem>> -> memref<1x128xi32, #tpu.memory_space<vmem>>
      %dma_wait3A_317 = tpu.memref_squeeze %dma_wait3A_316 : memref<1x128xi32, #tpu.memory_space<vmem>> -> memref<128xi32, #tpu.memory_space<vmem>>
      %dma_wait3A_318 = arith.constant 0 : i32
      %dma_wait3A_319 = arith.constant 0 : i32
      %dma_wait3A_320 = tpu.memref_slice %arg2[%dma_wait3A_318, %dma_wait3A_319] : memref<10000x32xf32, #tpu.memory_space<hbm>> -> memref<10000x32xf32, #tpu.memory_space<hbm>>
      tpu.wait_indirect_dma semaphore(%arg12 : memref<!tpu.dma_semaphore, #tpu.memory_space<semaphore_mem>>) src(%dma_wait3A_320 : memref<10000x32xf32, #tpu.memory_space<hbm>>) dst(%dma_wait3A_314 : memref<128x32xf32, #tpu.memory_space<vmem>>)
      %dma_start3A_321 = arith.constant 0 : i32
      %dma_start3A_322 = arith.constant 0 : i32
      %dma_start3A_323 = tpu.memref_slice %arg9[%rem3A_310, %dma_start3A_321, %dma_start3A_322] : memref<16x128x32xf32, #tpu.memory_space<vmem>> -> memref<1x128x32xf32, #tpu.memory_space<vmem>>
      %dma_start3A_324 = tpu.memref_squeeze %dma_start3A_323 : memref<1x128x32xf32, #tpu.memory_space<vmem>> -> memref<128x32xf32, #tpu.memory_space<vmem>>
      %dma_start3A_325 = arith.constant 0 : i32
      %dma_start3A_326 = tpu.memref_slice %arg8[%while3A_309, %dma_start3A_325] : memref<114x128xi32, #tpu.memory_space<vmem>> -> memref<1x128xi32, #tpu.memory_space<vmem>>
      %dma_start3A_327 = tpu.memref_squeeze %dma_start3A_326 : memref<1x128xi32, #tpu.memory_space<vmem>> -> memref<128xi32, #tpu.memory_space<vmem>>
      %dma_start3A_328 = arith.constant 0 : i32
      %dma_start3A_329 = arith.constant 0 : i32
      %dma_start3A_330 = tpu.memref_slice %arg7[%dma_start3A_328, %dma_start3A_329] : memref<10112x32xf32, #tpu.memory_space<vmem_shared>> -> memref<10112x32xf32, #tpu.memory_space<vmem_shared>>
      tpu.enqueue_indirect_dma source(%dma_start3A_324 : memref<128x32xf32, #tpu.memory_space<vmem>>) target(%dma_start3A_330 : memref<10112x32xf32, #tpu.memory_space<vmem_shared>>) offsets(%dma_start3A_327 : memref<128xi32, #tpu.memory_space<vmem>>) semaphore(%arg10 : memref<!tpu.dma_semaphore, #tpu.memory_space<semaphore_mem>>) {add = true}
      %sub3A_331 = arith.constant 3 : i32
      %sub3A_332 = arith.subi %while3A_309, %sub3A_331 : i32
      %sub3A_333 = arith.constant 3 : i32
      %sub3A_334 = arith.subi %while3A_309, %sub3A_333 : i32
      %rem3A_335 = arith.constant 16 : i32
      %rem3A_336 = arith.remsi %sub3A_334, %rem3A_335 : i32
      %dma_wait3A_337 = arith.constant 0 : i32
      %dma_wait3A_338 = arith.constant 0 : i32
      %dma_wait3A_339 = tpu.memref_slice %arg9[%rem3A_336, %dma_wait3A_337, %dma_wait3A_338] : memref<16x128x32xf32, #tpu.memory_space<vmem>> -> memref<1x128x32xf32, #tpu.memory_space<vmem>>
      %dma_wait3A_340 = tpu.memref_squeeze %dma_wait3A_339 : memref<1x128x32xf32, #tpu.memory_space<vmem>> -> memref<128x32xf32, #tpu.memory_space<vmem>>
      %dma_wait3A_341 = arith.constant 0 : i32
      %dma_wait3A_342 = tpu.memref_slice %arg8[%sub3A_332, %dma_wait3A_341] : memref<114x128xi32, #tpu.memory_space<vmem>> -> memref<1x128xi32, #tpu.memory_space<vmem>>
      %dma_wait3A_343 = tpu.memref_squeeze %dma_wait3A_342 : memref<1x128xi32, #tpu.memory_space<vmem>> -> memref<128xi32, #tpu.memory_space<vmem>>
      %dma_wait3A_344 = arith.constant 0 : i32
      %dma_wait3A_345 = arith.constant 0 : i32
      %dma_wait3A_346 = tpu.memref_slice %arg7[%dma_wait3A_344, %dma_wait3A_345] : memref<10112x32xf32, #tpu.memory_space<vmem_shared>> -> memref<10112x32xf32, #tpu.memory_space<vmem_shared>>
      tpu.wait_indirect_dma semaphore(%arg10 : memref<!tpu.dma_semaphore, #tpu.memory_space<semaphore_mem>>) src(%dma_wait3A_340 : memref<128x32xf32, #tpu.memory_space<vmem>>) dst(%dma_wait3A_346 : memref<10112x32xf32, #tpu.memory_space<vmem_shared>>)
      %add3A_347 = arith.constant 13 : i32
      %add3A_348 = arith.addi %while3A_309, %add3A_347 : i32
      %add3A_349 = arith.constant 13 : i32
      %add3A_350 = arith.addi %while3A_309, %add3A_349 : i32
      %rem3A_351 = arith.constant 16 : i32
      %rem3A_352 = arith.remsi %add3A_350, %rem3A_351 : i32
      %dma_start3A_353 = arith.constant 0 : i32
      %dma_start3A_354 = arith.constant 0 : i32
      %dma_start3A_355 = tpu.memref_slice %arg9[%rem3A_352, %dma_start3A_353, %dma_start3A_354] : memref<16x128x32xf32, #tpu.memory_space<vmem>> -> memref<1x128x32xf32, #tpu.memory_space<vmem>>
      %dma_start3A_356 = tpu.memref_squeeze %dma_start3A_355 : memref<1x128x32xf32, #tpu.memory_space<vmem>> -> memref<128x32xf32, #tpu.memory_space<vmem>>
      %dma_start3A_357 = arith.constant 0 : i32
      %dma_start3A_358 = tpu.memref_slice %arg11[%add3A_348, %dma_start3A_357] : memref<114x128xi32, #tpu.memory_space<vmem>> -> memref<1x128xi32, #tpu.memory_space<vmem>>
      %dma_start3A_359 = tpu.memref_squeeze %dma_start3A_358 : memref<1x128xi32, #tpu.memory_space<vmem>> -> memref<128xi32, #tpu.memory_space<vmem>>
      %dma_start3A_360 = arith.constant 0 : i32
      %dma_start3A_361 = arith.constant 0 : i32
      %dma_start3A_362 = tpu.memref_slice %arg2[%dma_start3A_360, %dma_start3A_361] : memref<10000x32xf32, #tpu.memory_space<hbm>> -> memref<10000x32xf32, #tpu.memory_space<hbm>>
      tpu.enqueue_indirect_dma source(%dma_start3A_362 : memref<10000x32xf32, #tpu.memory_space<hbm>>) target(%dma_start3A_356 : memref<128x32xf32, #tpu.memory_space<vmem>>) offsets(%dma_start3A_359 : memref<128xi32, #tpu.memory_space<vmem>>) semaphore(%arg12 : memref<!tpu.dma_semaphore, #tpu.memory_space<semaphore_mem>>)
    }
    %while3A_279 = arith.constant 1 : i32
    scf.for %while3A_309 = %while3A_277 to %while3A_273 step %while3A_279  : i32 {
      %rem3A = arith.constant 16 : i32
      %rem3A_310 = arith.remsi %while3A_309, %rem3A : i32
      %dma_wait3A_311 = arith.constant 0 : i32
      %dma_wait3A_312 = arith.constant 0 : i32
      %dma_wait3A_313 = tpu.memref_slice %arg9[%rem3A_310, %dma_wait3A_311, %dma_wait3A_312] : memref<16x128x32xf32, #tpu.memory_space<vmem>> -> memref<1x128x32xf32, #tpu.memory_space<vmem>>
      %dma_wait3A_314 = tpu.memref_squeeze %dma_wait3A_313 : memref<1x128x32xf32, #tpu.memory_space<vmem>> -> memref<128x32xf32, #tpu.memory_space<vmem>>
      %dma_wait3A_315 = arith.constant 0 : i32
      %dma_wait3A_316 = tpu.memref_slice %arg11[%while3A_309, %dma_wait3A_315] : memref<114x128xi32, #tpu.memory_space<vmem>> -> memref<1x128xi32, #tpu.memory_space<vmem>>
      %dma_wait3A_317 = tpu.memref_squeeze %dma_wait3A_316 : memref<1x128xi32, #tpu.memory_space<vmem>> -> memref<128xi32, #tpu.memory_space<vmem>>
      %dma_wait3A_318 = arith.constant 0 : i32
      %dma_wait3A_319 = arith.constant 0 : i32
      %dma_wait3A_320 = tpu.memref_slice %arg2[%dma_wait3A_318, %dma_wait3A_319] : memref<10000x32xf32, #tpu.memory_space<hbm>> -> memref<10000x32xf32, #tpu.memory_space<hbm>>
      tpu.wait_indirect_dma semaphore(%arg12 : memref<!tpu.dma_semaphore, #tpu.memory_space<semaphore_mem>>) src(%dma_wait3A_320 : memref<10000x32xf32, #tpu.memory_space<hbm>>) dst(%dma_wait3A_314 : memref<128x32xf32, #tpu.memory_space<vmem>>)
      %dma_start3A_321 = arith.constant 0 : i32
      %dma_start3A_322 = arith.constant 0 : i32
      %dma_start3A_323 = tpu.memref_slice %arg9[%rem3A_310, %dma_start3A_321, %dma_start3A_322] : memref<16x128x32xf32, #tpu.memory_space<vmem>> -> memref<1x128x32xf32, #tpu.memory_space<vmem>>
      %dma_start3A_324 = tpu.memref_squeeze %dma_start3A_323 : memref<1x128x32xf32, #tpu.memory_space<vmem>> -> memref<128x32xf32, #tpu.memory_space<vmem>>
      %dma_start3A_325 = arith.constant 0 : i32
      %dma_start3A_326 = tpu.memref_slice %arg8[%while3A_309, %dma_start3A_325] : memref<114x128xi32, #tpu.memory_space<vmem>> -> memref<1x128xi32, #tpu.memory_space<vmem>>
      %dma_start3A_327 = tpu.memref_squeeze %dma_start3A_326 : memref<1x128xi32, #tpu.memory_space<vmem>> -> memref<128xi32, #tpu.memory_space<vmem>>
      %dma_start3A_328 = arith.constant 0 : i32
      %dma_start3A_329 = arith.constant 0 : i32
      %dma_start3A_330 = tpu.memref_slice %arg7[%dma_start3A_328, %dma_start3A_329] : memref<10112x32xf32, #tpu.memory_space<vmem_shared>> -> memref<10112x32xf32, #tpu.memory_space<vmem_shared>>
      tpu.enqueue_indirect_dma source(%dma_start3A_324 : memref<128x32xf32, #tpu.memory_space<vmem>>) target(%dma_start3A_330 : memref<10112x32xf32, #tpu.memory_space<vmem_shared>>) offsets(%dma_start3A_327 : memref<128xi32, #tpu.memory_space<vmem>>) semaphore(%arg10 : memref<!tpu.dma_semaphore, #tpu.memory_space<semaphore_mem>>) {add = true}
      %sub3A_331 = arith.constant 3 : i32
      %sub3A_332 = arith.subi %while3A_309, %sub3A_331 : i32
      %sub3A_333 = arith.constant 3 : i32
      %sub3A_334 = arith.subi %while3A_309, %sub3A_333 : i32
      %rem3A_335 = arith.constant 16 : i32
      %rem3A_336 = arith.remsi %sub3A_334, %rem3A_335 : i32
      %dma_wait3A_337 = arith.constant 0 : i32
      %dma_wait3A_338 = arith.constant 0 : i32
      %dma_wait3A_339 = tpu.memref_slice %arg9[%rem3A_336, %dma_wait3A_337, %dma_wait3A_338] : memref<16x128x32xf32, #tpu.memory_space<vmem>> -> memref<1x128x32xf32, #tpu.memory_space<vmem>>
      %dma_wait3A_340 = tpu.memref_squeeze %dma_wait3A_339 : memref<1x128x32xf32, #tpu.memory_space<vmem>> -> memref<128x32xf32, #tpu.memory_space<vmem>>
      %dma_wait3A_341 = arith.constant 0 : i32
      %dma_wait3A_342 = tpu.memref_slice %arg8[%sub3A_332, %dma_wait3A_341] : memref<114x128xi32, #tpu.memory_space<vmem>> -> memref<1x128xi32, #tpu.memory_space<vmem>>
      %dma_wait3A_343 = tpu.memref_squeeze %dma_wait3A_342 : memref<1x128xi32, #tpu.memory_space<vmem>> -> memref<128xi32, #tpu.memory_space<vmem>>
      %dma_wait3A_344 = arith.constant 0 : i32
      %dma_wait3A_345 = arith.constant 0 : i32
      %dma_wait3A_346 = tpu.memref_slice %arg7[%dma_wait3A_344, %dma_wait3A_345] : memref<10112x32xf32, #tpu.memory_space<vmem_shared>> -> memref<10112x32xf32, #tpu.memory_space<vmem_shared>>
      tpu.wait_indirect_dma semaphore(%arg10 : memref<!tpu.dma_semaphore, #tpu.memory_space<semaphore_mem>>) src(%dma_wait3A_340 : memref<128x32xf32, #tpu.memory_space<vmem>>) dst(%dma_wait3A_346 : memref<10112x32xf32, #tpu.memory_space<vmem_shared>>)
      %add3A_347 = arith.constant 13 : i32
      %add3A_348 = arith.addi %while3A_309, %add3A_347 : i32
      %add3A_349 = arith.constant 13 : i32
      %add3A_350 = arith.addi %while3A_309, %add3A_349 : i32
      %rem3A_351 = arith.constant 16 : i32
      %rem3A_352 = arith.remsi %add3A_350, %rem3A_351 : i32
      %dma_start3A_353 = arith.constant 0 : i32
      %dma_start3A_354 = arith.constant 0 : i32
      %dma_start3A_355 = tpu.memref_slice %arg9[%rem3A_352, %dma_start3A_353, %dma_start3A_354] : memref<16x128x32xf32, #tpu.memory_space<vmem>> -> memref<1x128x32xf32, #tpu.memory_space<vmem>>
      %dma_start3A_356 = tpu.memref_squeeze %dma_start3A_355 : memref<1x128x32xf32, #tpu.memory_space<vmem>> -> memref<128x32xf32, #tpu.memory_space<vmem>>
      %dma_start3A_357 = arith.constant 0 : i32
      %dma_start3A_358 = tpu.memref_slice %arg11[%add3A_348, %dma_start3A_357] : memref<114x128xi32, #tpu.memory_space<vmem>> -> memref<1x128xi32, #tpu.memory_space<vmem>>
      %dma_start3A_359 = tpu.memref_squeeze %dma_start3A_358 : memref<1x128xi32, #tpu.memory_space<vmem>> -> memref<128xi32, #tpu.memory_space<vmem>>
      %dma_start3A_360 = arith.constant 0 : i32
      %dma_start3A_361 = arith.constant 0 : i32
      %dma_start3A_362 = tpu.memref_slice %arg2[%dma_start3A_360, %dma_start3A_361] : memref<10000x32xf32, #tpu.memory_space<hbm>> -> memref<10000x32xf32, #tpu.memory_space<hbm>>
      tpu.enqueue_indirect_dma source(%dma_start3A_362 : memref<10000x32xf32, #tpu.memory_space<hbm>>) target(%dma_start3A_356 : memref<128x32xf32, #tpu.memory_space<vmem>>) offsets(%dma_start3A_359 : memref<128xi32, #tpu.memory_space<vmem>>) semaphore(%arg12 : memref<!tpu.dma_semaphore, #tpu.memory_space<semaphore_mem>>)
    }
    %sub3A_280 = arith.constant 13 : i32
    %sub3A_281 = arith.subi %sub3A_1, %sub3A_280 : i32
    %while3A_282 = arith.constant 0 : i32
    %while3A_283 = arith.subi %sub3A_1, %sub3A_281 : i32
    %while3A_284 = arith.addi %sub3A_281, %while3A_283 : i32
    %while3A_285 = arith.constant 1 : i32
    %while3A_286 = arith.divsi %while3A_283, %while3A_285 : i32
    %while3A_287 = arith.muli %while3A_286, %while3A_285 : i32
    %while3A_288 = arith.addi %sub3A_281, %while3A_287 : i32
    %while3A_289 = arith.constant 1 : i32
    scf.for %while3A_309 = %sub3A_281 to %while3A_288 step %while3A_289  : i32 {
      %rem3A = arith.constant 16 : i32
      %rem3A_310 = arith.remsi %while3A_309, %rem3A : i32
      %dma_wait3A_311 = arith.constant 0 : i32
      %dma_wait3A_312 = arith.constant 0 : i32
      %dma_wait3A_313 = tpu.memref_slice %arg9[%rem3A_310, %dma_wait3A_311, %dma_wait3A_312] : memref<16x128x32xf32, #tpu.memory_space<vmem>> -> memref<1x128x32xf32, #tpu.memory_space<vmem>>
      %dma_wait3A_314 = tpu.memref_squeeze %dma_wait3A_313 : memref<1x128x32xf32, #tpu.memory_space<vmem>> -> memref<128x32xf32, #tpu.memory_space<vmem>>
      %dma_wait3A_315 = arith.constant 0 : i32
      %dma_wait3A_316 = tpu.memref_slice %arg11[%while3A_309, %dma_wait3A_315] : memref<114x128xi32, #tpu.memory_space<vmem>> -> memref<1x128xi32, #tpu.memory_space<vmem>>
      %dma_wait3A_317 = tpu.memref_squeeze %dma_wait3A_316 : memref<1x128xi32, #tpu.memory_space<vmem>> -> memref<128xi32, #tpu.memory_space<vmem>>
      %dma_wait3A_318 = arith.constant 0 : i32
      %dma_wait3A_319 = arith.constant 0 : i32
      %dma_wait3A_320 = tpu.memref_slice %arg2[%dma_wait3A_318, %dma_wait3A_319] : memref<10000x32xf32, #tpu.memory_space<hbm>> -> memref<10000x32xf32, #tpu.memory_space<hbm>>
      tpu.wait_indirect_dma semaphore(%arg12 : memref<!tpu.dma_semaphore, #tpu.memory_space<semaphore_mem>>) src(%dma_wait3A_320 : memref<10000x32xf32, #tpu.memory_space<hbm>>) dst(%dma_wait3A_314 : memref<128x32xf32, #tpu.memory_space<vmem>>)
      %dma_start3A_321 = arith.constant 0 : i32
      %dma_start3A_322 = arith.constant 0 : i32
      %dma_start3A_323 = tpu.memref_slice %arg9[%rem3A_310, %dma_start3A_321, %dma_start3A_322] : memref<16x128x32xf32, #tpu.memory_space<vmem>> -> memref<1x128x32xf32, #tpu.memory_space<vmem>>
      %dma_start3A_324 = tpu.memref_squeeze %dma_start3A_323 : memref<1x128x32xf32, #tpu.memory_space<vmem>> -> memref<128x32xf32, #tpu.memory_space<vmem>>
      %dma_start3A_325 = arith.constant 0 : i32
      %dma_start3A_326 = tpu.memref_slice %arg8[%while3A_309, %dma_start3A_325] : memref<114x128xi32, #tpu.memory_space<vmem>> -> memref<1x128xi32, #tpu.memory_space<vmem>>
      %dma_start3A_327 = tpu.memref_squeeze %dma_start3A_326 : memref<1x128xi32, #tpu.memory_space<vmem>> -> memref<128xi32, #tpu.memory_space<vmem>>
      %dma_start3A_328 = arith.constant 0 : i32
      %dma_start3A_329 = arith.constant 0 : i32
      %dma_start3A_330 = tpu.memref_slice %arg7[%dma_start3A_328, %dma_start3A_329] : memref<10112x32xf32, #tpu.memory_space<vmem_shared>> -> memref<10112x32xf32, #tpu.memory_space<vmem_shared>>
      tpu.enqueue_indirect_dma source(%dma_start3A_324 : memref<128x32xf32, #tpu.memory_space<vmem>>) target(%dma_start3A_330 : memref<10112x32xf32, #tpu.memory_space<vmem_shared>>) offsets(%dma_start3A_327 : memref<128xi32, #tpu.memory_space<vmem>>) semaphore(%arg10 : memref<!tpu.dma_semaphore, #tpu.memory_space<semaphore_mem>>) {add = true}
    }
    %while3A_290 = arith.constant 1 : i32
    scf.for %while3A_309 = %while3A_288 to %while3A_284 step %while3A_290  : i32 {
      %rem3A = arith.constant 16 : i32
      %rem3A_310 = arith.remsi %while3A_309, %rem3A : i32
      %dma_wait3A_311 = arith.constant 0 : i32
      %dma_wait3A_312 = arith.constant 0 : i32
      %dma_wait3A_313 = tpu.memref_slice %arg9[%rem3A_310, %dma_wait3A_311, %dma_wait3A_312] : memref<16x128x32xf32, #tpu.memory_space<vmem>> -> memref<1x128x32xf32, #tpu.memory_space<vmem>>
      %dma_wait3A_314 = tpu.memref_squeeze %dma_wait3A_313 : memref<1x128x32xf32, #tpu.memory_space<vmem>> -> memref<128x32xf32, #tpu.memory_space<vmem>>
      %dma_wait3A_315 = arith.constant 0 : i32
      %dma_wait3A_316 = tpu.memref_slice %arg11[%while3A_309, %dma_wait3A_315] : memref<114x128xi32, #tpu.memory_space<vmem>> -> memref<1x128xi32, #tpu.memory_space<vmem>>
      %dma_wait3A_317 = tpu.memref_squeeze %dma_wait3A_316 : memref<1x128xi32, #tpu.memory_space<vmem>> -> memref<128xi32, #tpu.memory_space<vmem>>
      %dma_wait3A_318 = arith.constant 0 : i32
      %dma_wait3A_319 = arith.constant 0 : i32
      %dma_wait3A_320 = tpu.memref_slice %arg2[%dma_wait3A_318, %dma_wait3A_319] : memref<10000x32xf32, #tpu.memory_space<hbm>> -> memref<10000x32xf32, #tpu.memory_space<hbm>>
      tpu.wait_indirect_dma semaphore(%arg12 : memref<!tpu.dma_semaphore, #tpu.memory_space<semaphore_mem>>) src(%dma_wait3A_320 : memref<10000x32xf32, #tpu.memory_space<hbm>>) dst(%dma_wait3A_314 : memref<128x32xf32, #tpu.memory_space<vmem>>)
      %dma_start3A_321 = arith.constant 0 : i32
      %dma_start3A_322 = arith.constant 0 : i32
      %dma_start3A_323 = tpu.memref_slice %arg9[%rem3A_310, %dma_start3A_321, %dma_start3A_322] : memref<16x128x32xf32, #tpu.memory_space<vmem>> -> memref<1x128x32xf32, #tpu.memory_space<vmem>>
      %dma_start3A_324 = tpu.memref_squeeze %dma_start3A_323 : memref<1x128x32xf32, #tpu.memory_space<vmem>> -> memref<128x32xf32, #tpu.memory_space<vmem>>
      %dma_start3A_325 = arith.constant 0 : i32
      %dma_start3A_326 = tpu.memref_slice %arg8[%while3A_309, %dma_start3A_325] : memref<114x128xi32, #tpu.memory_space<vmem>> -> memref<1x128xi32, #tpu.memory_space<vmem>>
      %dma_start3A_327 = tpu.memref_squeeze %dma_start3A_326 : memref<1x128xi32, #tpu.memory_space<vmem>> -> memref<128xi32, #tpu.memory_space<vmem>>
      %dma_start3A_328 = arith.constant 0 : i32
      %dma_start3A_329 = arith.constant 0 : i32
      %dma_start3A_330 = tpu.memref_slice %arg7[%dma_start3A_328, %dma_start3A_329] : memref<10112x32xf32, #tpu.memory_space<vmem_shared>> -> memref<10112x32xf32, #tpu.memory_space<vmem_shared>>
      tpu.enqueue_indirect_dma source(%dma_start3A_324 : memref<128x32xf32, #tpu.memory_space<vmem>>) target(%dma_start3A_330 : memref<10112x32xf32, #tpu.memory_space<vmem_shared>>) offsets(%dma_start3A_327 : memref<128xi32, #tpu.memory_space<vmem>>) semaphore(%arg10 : memref<!tpu.dma_semaphore, #tpu.memory_space<semaphore_mem>>) {add = true}
    }
    %sub3A_291 = arith.constant 13 : i32
    %sub3A_292 = arith.subi %sub3A_1, %sub3A_291 : i32
    %sub3A_293 = arith.constant 3 : i32
    %sub3A_294 = arith.subi %sub3A_292, %sub3A_293 : i32
    %while3A_295 = arith.constant 0 : i32
    %while3A_296 = arith.subi %sub3A_1, %sub3A_294 : i32
    %while3A_297 = arith.addi %sub3A_294, %while3A_296 : i32
    %while3A_298 = arith.constant 1 : i32
    %while3A_299 = arith.divsi %while3A_296, %while3A_298 : i32
    %while3A_300 = arith.muli %while3A_299, %while3A_298 : i32
    %while3A_301 = arith.addi %sub3A_294, %while3A_300 : i32
    %while3A_302 = arith.constant 1 : i32
    scf.for %while3A_309 = %sub3A_294 to %while3A_301 step %while3A_302  : i32 {
      %rem3A = arith.constant 16 : i32
      %rem3A_310 = arith.remsi %while3A_309, %rem3A : i32
      %dma_wait3A_311 = arith.constant 0 : i32
      %dma_wait3A_312 = arith.constant 0 : i32
      %dma_wait3A_313 = tpu.memref_slice %arg9[%rem3A_310, %dma_wait3A_311, %dma_wait3A_312] : memref<16x128x32xf32, #tpu.memory_space<vmem>> -> memref<1x128x32xf32, #tpu.memory_space<vmem>>
      %dma_wait3A_314 = tpu.memref_squeeze %dma_wait3A_313 : memref<1x128x32xf32, #tpu.memory_space<vmem>> -> memref<128x32xf32, #tpu.memory_space<vmem>>
      %dma_wait3A_315 = arith.constant 0 : i32
      %dma_wait3A_316 = tpu.memref_slice %arg8[%while3A_309, %dma_wait3A_315] : memref<114x128xi32, #tpu.memory_space<vmem>> -> memref<1x128xi32, #tpu.memory_space<vmem>>
      %dma_wait3A_317 = tpu.memref_squeeze %dma_wait3A_316 : memref<1x128xi32, #tpu.memory_space<vmem>> -> memref<128xi32, #tpu.memory_space<vmem>>
      %dma_wait3A_318 = arith.constant 0 : i32
      %dma_wait3A_319 = arith.constant 0 : i32
      %dma_wait3A_320 = tpu.memref_slice %arg7[%dma_wait3A_318, %dma_wait3A_319] : memref<10112x32xf32, #tpu.memory_space<vmem_shared>> -> memref<10112x32xf32, #tpu.memory_space<vmem_shared>>
      tpu.wait_indirect_dma semaphore(%arg10 : memref<!tpu.dma_semaphore, #tpu.memory_space<semaphore_mem>>) src(%dma_wait3A_314 : memref<128x32xf32, #tpu.memory_space<vmem>>) dst(%dma_wait3A_320 : memref<10112x32xf32, #tpu.memory_space<vmem_shared>>)
    }
    %while3A_303 = arith.constant 1 : i32
    scf.for %while3A_309 = %while3A_301 to %while3A_297 step %while3A_303  : i32 {
      %rem3A = arith.constant 16 : i32
      %rem3A_310 = arith.remsi %while3A_309, %rem3A : i32
      %dma_wait3A_311 = arith.constant 0 : i32
      %dma_wait3A_312 = arith.constant 0 : i32
      %dma_wait3A_313 = tpu.memref_slice %arg9[%rem3A_310, %dma_wait3A_311, %dma_wait3A_312] : memref<16x128x32xf32, #tpu.memory_space<vmem>> -> memref<1x128x32xf32, #tpu.memory_space<vmem>>
      %dma_wait3A_314 = tpu.memref_squeeze %dma_wait3A_313 : memref<1x128x32xf32, #tpu.memory_space<vmem>> -> memref<128x32xf32, #tpu.memory_space<vmem>>
      %dma_wait3A_315 = arith.constant 0 : i32
      %dma_wait3A_316 = tpu.memref_slice %arg8[%while3A_309, %dma_wait3A_315] : memref<114x128xi32, #tpu.memory_space<vmem>> -> memref<1x128xi32, #tpu.memory_space<vmem>>
      %dma_wait3A_317 = tpu.memref_squeeze %dma_wait3A_316 : memref<1x128xi32, #tpu.memory_space<vmem>> -> memref<128xi32, #tpu.memory_space<vmem>>
      %dma_wait3A_318 = arith.constant 0 : i32
      %dma_wait3A_319 = arith.constant 0 : i32
      %dma_wait3A_320 = tpu.memref_slice %arg7[%dma_wait3A_318, %dma_wait3A_319] : memref<10112x32xf32, #tpu.memory_space<vmem_shared>> -> memref<10112x32xf32, #tpu.memory_space<vmem_shared>>
      tpu.wait_indirect_dma semaphore(%arg10 : memref<!tpu.dma_semaphore, #tpu.memory_space<semaphore_mem>>) src(%dma_wait3A_314 : memref<128x32xf32, #tpu.memory_space<vmem>>) dst(%dma_wait3A_320 : memref<10112x32xf32, #tpu.memory_space<vmem_shared>>)
    }
    %barrier3A_304 = arith.constant 0 : index
    tpu.barrier barrier_id(%barrier3A_304)
    %mul3A_305 = arith.constant 632 : i32
    %mul3A_306 = arith.muli %arg1, %mul3A_305 : i32
    %mul3A_307 = arith.constant 632 : i32
    %mul3A_308 = arith.muli %arg1, %mul3A_307 : i32
    "tpu.region"() ({
      %run_scoped3A = tpu.sem_alloc : memref<!tpu.dma_semaphore, #tpu.memory_space<semaphore_mem>>
      %dma_start3A_309 = arith.constant 0 : i32
      %dma_start3A_310 = tpu.memref_slice %arg6[%arg0, %mul3A_308, %dma_start3A_309] : memref<2x10112x32xf32, #tpu.memory_space<hbm>> -> memref<1x632x32xf32, #tpu.memory_space<hbm>>
      %dma_start3A_311 = tpu.memref_squeeze %dma_start3A_310 : memref<1x632x32xf32, #tpu.memory_space<hbm>> -> memref<632x32xf32, #tpu.memory_space<hbm>>
      %dma_start3A_312 = arith.constant 0 : i32
      %dma_start3A_313 = tpu.memref_slice %arg7[%mul3A_306, %dma_start3A_312] : memref<10112x32xf32, #tpu.memory_space<vmem_shared>> -> memref<632x32xf32, #tpu.memory_space<vmem_shared>>
      tpu.enqueue_dma source(%dma_start3A_313 : memref<632x32xf32, #tpu.memory_space<vmem_shared>>) target(%dma_start3A_311 : memref<632x32xf32, #tpu.memory_space<hbm>>) target_semaphore(%run_scoped3A : memref<!tpu.dma_semaphore, #tpu.memory_space<semaphore_mem>>)
      %dma_wait3A_314 = arith.constant 0 : i32
      %dma_wait3A_315 = tpu.memref_slice %arg6[%arg0, %mul3A_308, %dma_wait3A_314] : memref<2x10112x32xf32, #tpu.memory_space<hbm>> -> memref<1x632x32xf32, #tpu.memory_space<hbm>>
      %dma_wait3A_316 = tpu.memref_squeeze %dma_wait3A_315 : memref<1x632x32xf32, #tpu.memory_space<hbm>> -> memref<632x32xf32, #tpu.memory_space<hbm>>
      %dma_wait3A_317 = arith.constant 0 : i32
      %dma_wait3A_318 = tpu.memref_slice %arg7[%mul3A_306, %dma_wait3A_317] : memref<10112x32xf32, #tpu.memory_space<vmem_shared>> -> memref<632x32xf32, #tpu.memory_space<vmem_shared>>
      tpu.wait_dma2 semaphore(%run_scoped3A : memref<!tpu.dma_semaphore, #tpu.memory_space<semaphore_mem>>) src(%dma_wait3A_318 : memref<632x32xf32, #tpu.memory_space<vmem_shared>>) dst(%dma_wait3A_316 : memref<632x32xf32, #tpu.memory_space<hbm>>)
      tpu.yield
    }) : () -> ()
    return
  }
}

module attributes {stable_mosaic.version = 14 : i64} {
  func.func @body(%arg0: i32, %arg1: memref<1000x128xf32, #tpu.memory_space<vmem>>, %arg2: memref<128x32xf32, #tpu.memory_space<vmem>>, %arg3: memref<1000x32xf32, #tpu.memory_space<vmem>>) attributes {dimension_semantics = [#tpu.dimension_semantics<arbitrary>], iteration_bounds = array<i64: 10>, scalar_prefetch = 0 : i64, scratch_operands = 0 : i64, tpu.core_type = #tpu.core_type<tc>, window_params = [{transform_indices = @transform_0, window_bounds = array<i64: 1000, 128>}, {pipeline_mode = #tpu.pipeline_mode<synchronous>, transform_indices = @transform_1, window_bounds = array<i64: 128, 32>}, {transform_indices = @transform_2, window_bounds = array<i64: 1000, 32>}]} {
    %get3A = arith.constant 0 : index
    %get3A_0 = arith.constant 0 : index
    %get3A_1 = vector.load %arg1[%get3A, %get3A_0] : memref<1000x128xf32, #tpu.memory_space<vmem>>, vector<1000x128xf32>
    %get3A_2 = arith.constant 0 : index
    %get3A_3 = arith.constant 0 : index
    %get3A_4 = vector.load %arg2[%get3A_2, %get3A_3] : memref<128x32xf32, #tpu.memory_space<vmem>>, vector<128x32xf32>
    %dot_general3A = arith.constant dense<0.000000e+00> : vector<1000x32xf32>
    %dot_general3A_5 = tpu.matmul %get3A_1, %get3A_4, %dot_general3A {dimension_numbers = #tpu.dot_dimension_numbers<[1], [0], [0], [1], [0, 0, 1, 1], [], []>, transpose_lhs_hint = false} : vector<1000x128xf32>, vector<128x32xf32>, vector<1000x32xf32> -> vector<1000x32xf32>
    %swap3A = arith.constant 0 : index
    %swap3A_6 = arith.constant 0 : index
    %swap3A_7 = vector.load %arg3[%swap3A, %swap3A_6] : memref<1000x32xf32, #tpu.memory_space<vmem>>, vector<1000x32xf32>
    tpu.vector_store %arg3[%swap3A, %swap3A_6], %dot_general3A_5 {strides = array<i32>} : memref<1000x32xf32, #tpu.memory_space<vmem>>, vector<1000x32xf32>,
    return
  }
  func.func @transform_0(%arg0: i32) -> (i32, i32) {
    %c0_i32 = arith.constant 0 : i32
    %c0_i32_0 = arith.constant 0 : i32
    return %arg0, %c0_i32 : i32, i32
  }
  func.func @transform_1(%arg0: i32) -> (i32, i32) {
    %c0_i32 = arith.constant 0 : i32
    %c0_i32_0 = arith.constant 0 : i32
    %c0_i32_1 = arith.constant 0 : i32
    return %c0_i32, %c0_i32_0 : i32, i32
  }
  func.func @transform_2(%arg0: i32) -> (i32, i32) {
    %c0_i32 = arith.constant 0 : i32
    %c0_i32_0 = arith.constant 0 : i32
    return %arg0, %c0_i32 : i32, i32
  }
}

module attributes {stable_mosaic.version = 14 : i64} {
  func.func @body(%arg0: i32, %arg1: memref<2x1000x8xf32, #tpu.memory_space<vmem>>, %arg2: memref<1000x32xf32, #tpu.memory_space<vmem>>, %arg3: memref<1000x32xf32, #tpu.memory_space<vmem>>, %arg4: memref<1000x8xf32, #tpu.memory_space<vmem>>) attributes {dimension_semantics = [#tpu.dimension_semantics<arbitrary>], iteration_bounds = array<i64: 10>, scalar_prefetch = 0 : i64, scratch_operands = 0 : i64, tpu.core_type = #tpu.core_type<tc>, window_params = [{transform_indices = @transform_0, window_bounds = array<i64: 2, 1000, 8>}, {transform_indices = @transform_1, window_bounds = array<i64: 1000, 32>}, {transform_indices = @transform_2, window_bounds = array<i64: 1000, 32>}, {transform_indices = @transform_3, window_bounds = array<i64: 1000, 8>}]} {
    %get3A = arith.constant 0 : index
    %get3A_0 = arith.constant 0 : index
    %get3A_1 = arith.constant 0 : index
    %get3A_2 = vector.load %arg1[%get3A, %get3A_0, %get3A_1] : memref<2x1000x8xf32, #tpu.memory_space<vmem>>, vector<1x1000x8xf32>
    %get3A_3 = vector.shape_cast %get3A_2 : vector<1x1000x8xf32> to vector<1000x8xf32>
    %get3A_4 = arith.constant 1 : index
    %get3A_5 = arith.constant 0 : index
    %get3A_6 = arith.constant 0 : index
    %get3A_7 = vector.load %arg1[%get3A_4, %get3A_5, %get3A_6] : memref<2x1000x8xf32, #tpu.memory_space<vmem>>, vector<1x1000x8xf32>
    %get3A_8 = vector.shape_cast %get3A_7 : vector<1x1000x8xf32> to vector<1000x8xf32>
    %add3A = arith.addf %get3A_3, %get3A_8 : vector<1000x8xf32>
    %add3A_9 = arith.constant 1.000000e+00 : f32
    %add3A_10 = vector.broadcast %add3A_9 : f32 to vector<1000x8xf32>
    %add3A_11 = arith.addf %add3A, %add3A_10 : vector<1000x8xf32>
    %rsqrt3A = math.rsqrt %add3A_11 : vector<1000x8xf32>
    %swap3A = arith.constant 0 : index
    %swap3A_12 = arith.constant 0 : index
    %swap3A_13 = vector.load %arg4[%swap3A, %swap3A_12] : memref<1000x8xf32, #tpu.memory_space<vmem>>, vector<1000x8xf32>
    tpu.vector_store %arg4[%swap3A, %swap3A_12], %rsqrt3A {strides = array<i32>} : memref<1000x8xf32, #tpu.memory_space<vmem>>, vector<1000x8xf32>,
    %get3A_14 = arith.constant 0 : index
    %get3A_15 = arith.constant 0 : index
    %get3A_16 = vector.load %arg2[%get3A_14, %get3A_15] : memref<1000x32xf32, #tpu.memory_space<vmem>>, vector<1000x32xf32>
    %slice3A = vector.extract_strided_slice %rsqrt3A {offsets = [0, 0], sizes = [1000, 1], strides = [1, 1]} : vector<1000x8xf32> to vector<1000x1xf32>
    %mul3A = vector.broadcast %slice3A : vector<1000x1xf32> to vector<1000x32xf32>
    %mul3A_17 = arith.mulf %get3A_16, %mul3A : vector<1000x32xf32>
    %swap3A_18 = arith.constant 0 : index
    %swap3A_19 = arith.constant 0 : index
    %swap3A_20 = vector.load %arg3[%swap3A_18, %swap3A_19] : memref<1000x32xf32, #tpu.memory_space<vmem>>, vector<1000x32xf32>
    tpu.vector_store %arg3[%swap3A_18, %swap3A_19], %mul3A_17 {strides = array<i32>} : memref<1000x32xf32, #tpu.memory_space<vmem>>, vector<1000x32xf32>,
    return
  }
  func.func @transform_0(%arg0: i32) -> (i32, i32, i32) {
    %c0_i32 = arith.constant 0 : i32
    %c0_i32_0 = arith.constant 0 : i32
    %c0_i32_1 = arith.constant 0 : i32
    return %c0_i32, %arg0, %c0_i32_0 : i32, i32, i32
  }
  func.func @transform_1(%arg0: i32) -> (i32, i32) {
    %c0_i32 = arith.constant 0 : i32
    %c0_i32_0 = arith.constant 0 : i32
    return %arg0, %c0_i32 : i32, i32
  }
  func.func @transform_2(%arg0: i32) -> (i32, i32) {
    %c0_i32 = arith.constant 0 : i32
    %c0_i32_0 = arith.constant 0 : i32
    return %arg0, %c0_i32 : i32, i32
  }
  func.func @transform_3(%arg0: i32) -> (i32, i32) {
    %c0_i32 = arith.constant 0 : i32
    %c0_i32_0 = arith.constant 0 : i32
    return %arg0, %c0_i32 : i32, i32
  }
}

module attributes {stable_mosaic.version = 14 : i64} {
  func.func @body(%arg0: i32, %arg1: memref<2x1000x32xf32, #tpu.memory_space<vmem>>, %arg2: memref<1000x32xf32, #tpu.memory_space<vmem>>, %arg3: memref<1000x8xf32, #tpu.memory_space<vmem>>, %arg4: memref<1x32xf32, #tpu.memory_space<vmem>>, %arg5: memref<32x16xf32, #tpu.memory_space<vmem>>, %arg6: memref<1000x16xf32, #tpu.memory_space<vmem>>) attributes {dimension_semantics = [#tpu.dimension_semantics<arbitrary>], iteration_bounds = array<i64: 10>, scalar_prefetch = 0 : i64, scratch_operands = 0 : i64, tpu.core_type = #tpu.core_type<tc>, window_params = [{transform_indices = @transform_0, window_bounds = array<i64: 2, 1000, 32>}, {transform_indices = @transform_1, window_bounds = array<i64: 1000, 32>}, {transform_indices = @transform_2, window_bounds = array<i64: 1000, 8>}, {pipeline_mode = #tpu.pipeline_mode<synchronous>, transform_indices = @transform_3, window_bounds = array<i64: 1, 32>}, {pipeline_mode = #tpu.pipeline_mode<synchronous>, transform_indices = @transform_4, window_bounds = array<i64: 32, 16>}, {transform_indices = @transform_5, window_bounds = array<i64: 1000, 16>}]} {
    %get3A = arith.constant 0 : index
    %get3A_0 = arith.constant 0 : index
    %get3A_1 = vector.load %arg3[%get3A, %get3A_0] : memref<1000x8xf32, #tpu.memory_space<vmem>>, vector<1000x1xf32>
    %get3A_2 = arith.constant 0 : index
    %get3A_3 = arith.constant 0 : index
    %get3A_4 = arith.constant 0 : index
    %get3A_5 = vector.load %arg1[%get3A_2, %get3A_3, %get3A_4] : memref<2x1000x32xf32, #tpu.memory_space<vmem>>, vector<1x1000x32xf32>
    %get3A_6 = vector.shape_cast %get3A_5 : vector<1x1000x32xf32> to vector<1000x32xf32>
    %get3A_7 = arith.constant 1 : index
    %get3A_8 = arith.constant 0 : index
    %get3A_9 = arith.constant 0 : index
    %get3A_10 = vector.load %arg1[%get3A_7, %get3A_8, %get3A_9] : memref<2x1000x32xf32, #tpu.memory_space<vmem>>, vector<1x1000x32xf32>
    %get3A_11 = vector.shape_cast %get3A_10 : vector<1x1000x32xf32> to vector<1000x32xf32>
    %add3A = arith.addf %get3A_6, %get3A_11 : vector<1000x32xf32>
    %get3A_12 = arith.constant 0 : index
    %get3A_13 = arith.constant 0 : index
    %get3A_14 = vector.load %arg2[%get3A_12, %get3A_13] : memref<1000x32xf32, #tpu.memory_space<vmem>>, vector<1000x32xf32>
    %add3A_15 = arith.addf %add3A, %get3A_14 : vector<1000x32xf32>
    %mul3A = vector.broadcast %get3A_1 : vector<1000x1xf32> to vector<1000x32xf32>
    %mul3A_16 = arith.mulf %add3A_15, %mul3A : vector<1000x32xf32>
    %get3A_17 = arith.constant 0 : index
    %get3A_18 = arith.constant 0 : index
    %get3A_19 = vector.load %arg4[%get3A_17, %get3A_18] : memref<1x32xf32, #tpu.memory_space<vmem>>, vector<1x32xf32>
    %add3A_20 = vector.broadcast %get3A_19 : vector<1x32xf32> to vector<1000x32xf32>
    %add3A_21 = arith.addf %mul3A_16, %add3A_20 : vector<1000x32xf32>
    %max3A = arith.constant 0.000000e+00 : f32
    %max3A_22 = vector.broadcast %max3A : f32 to vector<1000x32xf32>
    %max3A_23 = arith.maximumf %add3A_21, %max3A_22 : vector<1000x32xf32>
    %get3A_24 = arith.constant 0 : index
    %get3A_25 = arith.constant 0 : index
    %get3A_26 = vector.load %arg5[%get3A_24, %get3A_25] : memref<32x16xf32, #tpu.memory_space<vmem>>, vector<32x16xf32>
    %dot_general3A = arith.constant dense<0.000000e+00> : vector<1000x16xf32>
    %dot_general3A_27 = tpu.matmul %max3A_23, %get3A_26, %dot_general3A {dimension_numbers = #tpu.dot_dimension_numbers<[1], [0], [0], [1], [0, 0, 1, 1], [], []>, transpose_lhs_hint = false} : vector<1000x32xf32>, vector<32x16xf32>, vector<1000x16xf32> -> vector<1000x16xf32>
    %mul3A_28 = vector.broadcast %get3A_1 : vector<1000x1xf32> to vector<1000x16xf32>
    %mul3A_29 = arith.mulf %dot_general3A_27, %mul3A_28 : vector<1000x16xf32>
    %swap3A = arith.constant 0 : index
    %swap3A_30 = arith.constant 0 : index
    %swap3A_31 = vector.load %arg6[%swap3A, %swap3A_30] : memref<1000x16xf32, #tpu.memory_space<vmem>>, vector<1000x16xf32>
    tpu.vector_store %arg6[%swap3A, %swap3A_30], %mul3A_29 {strides = array<i32>} : memref<1000x16xf32, #tpu.memory_space<vmem>>, vector<1000x16xf32>,
    return
  }
  func.func @transform_0(%arg0: i32) -> (i32, i32, i32) {
    %c0_i32 = arith.constant 0 : i32
    %c0_i32_0 = arith.constant 0 : i32
    %c0_i32_1 = arith.constant 0 : i32
    return %c0_i32, %arg0, %c0_i32_0 : i32, i32, i32
  }
  func.func @transform_1(%arg0: i32) -> (i32, i32) {
    %c0_i32 = arith.constant 0 : i32
    %c0_i32_0 = arith.constant 0 : i32
    return %arg0, %c0_i32 : i32, i32
  }
  func.func @transform_2(%arg0: i32) -> (i32, i32) {
    %c0_i32 = arith.constant 0 : i32
    %c0_i32_0 = arith.constant 0 : i32
    return %arg0, %c0_i32 : i32, i32
  }
  func.func @transform_3(%arg0: i32) -> (i32, i32) {
    %c0_i32 = arith.constant 0 : i32
    %c0_i32_0 = arith.constant 0 : i32
    %c0_i32_1 = arith.constant 0 : i32
    return %c0_i32, %c0_i32_0 : i32, i32
  }
  func.func @transform_4(%arg0: i32) -> (i32, i32) {
    %c0_i32 = arith.constant 0 : i32
    %c0_i32_0 = arith.constant 0 : i32
    %c0_i32_1 = arith.constant 0 : i32
    return %c0_i32, %c0_i32_0 : i32, i32
  }
  func.func @transform_5(%arg0: i32) -> (i32, i32) {
    %c0_i32 = arith.constant 0 : i32
    %c0_i32_0 = arith.constant 0 : i32
    return %arg0, %c0_i32 : i32, i32
  }
}

module attributes {stable_mosaic.version = 14 : i64} {
  func.func @body(%arg0: i32, %arg1: memref<2x1000x16xf32, #tpu.memory_space<vmem>>, %arg2: memref<1000x16xf32, #tpu.memory_space<vmem>>, %arg3: memref<1000x8xf32, #tpu.memory_space<vmem>>, %arg4: memref<1x16xf32, #tpu.memory_space<vmem>>, %arg5: memref<1000x10xf32, #tpu.memory_space<vmem>>) attributes {dimension_semantics = [#tpu.dimension_semantics<arbitrary>], iteration_bounds = array<i64: 10>, scalar_prefetch = 0 : i64, scratch_operands = 0 : i64, tpu.core_type = #tpu.core_type<tc>, window_params = [{transform_indices = @transform_0, window_bounds = array<i64: 2, 1000, 16>}, {transform_indices = @transform_1, window_bounds = array<i64: 1000, 16>}, {transform_indices = @transform_2, window_bounds = array<i64: 1000, 8>}, {pipeline_mode = #tpu.pipeline_mode<synchronous>, transform_indices = @transform_3, window_bounds = array<i64: 1, 16>}, {transform_indices = @transform_4, window_bounds = array<i64: 1000, 10>}]} {
    %get3A = arith.constant 0 : index
    %get3A_0 = arith.constant 0 : index
    %get3A_1 = vector.load %arg3[%get3A, %get3A_0] : memref<1000x8xf32, #tpu.memory_space<vmem>>, vector<1000x1xf32>
    %get3A_2 = arith.constant 0 : index
    %get3A_3 = arith.constant 0 : index
    %get3A_4 = arith.constant 0 : index
    %get3A_5 = vector.load %arg1[%get3A_2, %get3A_3, %get3A_4] : memref<2x1000x16xf32, #tpu.memory_space<vmem>>, vector<1x1000x16xf32>
    %get3A_6 = vector.shape_cast %get3A_5 : vector<1x1000x16xf32> to vector<1000x16xf32>
    %get3A_7 = arith.constant 1 : index
    %get3A_8 = arith.constant 0 : index
    %get3A_9 = arith.constant 0 : index
    %get3A_10 = vector.load %arg1[%get3A_7, %get3A_8, %get3A_9] : memref<2x1000x16xf32, #tpu.memory_space<vmem>>, vector<1x1000x16xf32>
    %get3A_11 = vector.shape_cast %get3A_10 : vector<1x1000x16xf32> to vector<1000x16xf32>
    %add3A = arith.addf %get3A_6, %get3A_11 : vector<1000x16xf32>
    %get3A_12 = arith.constant 0 : index
    %get3A_13 = arith.constant 0 : index
    %get3A_14 = vector.load %arg2[%get3A_12, %get3A_13] : memref<1000x16xf32, #tpu.memory_space<vmem>>, vector<1000x16xf32>
    %add3A_15 = arith.addf %add3A, %get3A_14 : vector<1000x16xf32>
    %mul3A = vector.broadcast %get3A_1 : vector<1000x1xf32> to vector<1000x16xf32>
    %mul3A_16 = arith.mulf %add3A_15, %mul3A : vector<1000x16xf32>
    %get3A_17 = arith.constant 0 : index
    %get3A_18 = arith.constant 0 : index
    %get3A_19 = vector.load %arg4[%get3A_17, %get3A_18] : memref<1x16xf32, #tpu.memory_space<vmem>>, vector<1x16xf32>
    %add3A_20 = vector.broadcast %get3A_19 : vector<1x16xf32> to vector<1000x16xf32>
    %add3A_21 = arith.addf %mul3A_16, %add3A_20 : vector<1000x16xf32>
    %slice3A = vector.extract_strided_slice %add3A_21 {offsets = [0, 0], sizes = [1000, 10], strides = [1, 1]} : vector<1000x16xf32> to vector<1000x10xf32>
    %swap3A = arith.constant 0 : index
    %swap3A_22 = arith.constant 0 : index
    %swap3A_23 = vector.load %arg5[%swap3A, %swap3A_22] : memref<1000x10xf32, #tpu.memory_space<vmem>>, vector<1000x10xf32>
    tpu.vector_store %arg5[%swap3A, %swap3A_22], %slice3A {strides = array<i32>} : memref<1000x10xf32, #tpu.memory_space<vmem>>, vector<1000x10xf32>,
    return
  }
  func.func @transform_0(%arg0: i32) -> (i32, i32, i32) {
    %c0_i32 = arith.constant 0 : i32
    %c0_i32_0 = arith.constant 0 : i32
    %c0_i32_1 = arith.constant 0 : i32
    return %c0_i32, %arg0, %c0_i32_0 : i32, i32, i32
  }
  func.func @transform_1(%arg0: i32) -> (i32, i32) {
    %c0_i32 = arith.constant 0 : i32
    %c0_i32_0 = arith.constant 0 : i32
    return %arg0, %c0_i32 : i32, i32
  }
  func.func @transform_2(%arg0: i32) -> (i32, i32) {
    %c0_i32 = arith.constant 0 : i32
    %c0_i32_0 = arith.constant 0 : i32
    return %arg0, %c0_i32 : i32, i32
  }
  func.func @transform_3(%arg0: i32) -> (i32, i32) {
    %c0_i32 = arith.constant 0 : i32
    %c0_i32_0 = arith.constant 0 : i32
    %c0_i32_1 = arith.constant 0 : i32
    return %c0_i32, %c0_i32_0 : i32, i32
  }
  func.func @transform_4(%arg0: i32) -> (i32, i32) {
    %c0_i32 = arith.constant 0 : i32
    %c0_i32_0 = arith.constant 0 : i32
    return %arg0, %c0_i32 : i32, i32
  }
}

</mosaic_0001>

<sc_bundles>
// kernel: kernel.12.cloned.1.call-start
scs
__scs_entry_jumppad:
0x0: {  	(pc) =	sbr.rel $0x88, $3  }
0x1: {  	(tag) =	ssettag $0x0;
	lr =	simm.s32 $0x1  }
0x2: {  	[smem:$0x3F9B] =	sst lr;
	_ =	strace $0xD0000000  }
0x3: {  	_ = 	snop  }
0x4: {  	_ = 	snop  }
0x5: {  	_ = 	snop  }
0x6: {  	_ = 	snop  }
0x7: {  	_ = 	snop  }
__scs_overlays_trampoline_lowered:
0x8: {  	[smem:$0x3FAA] =	sst s0  }
0x9: {  	[smem:$0x3FAB] =	sst s1  }
0xa: {  	[smem:$0x3FAC] =	sst s2  }
0xb: {  	[smem:$0x3FAD] =	sst s3  }
0xc: {  	[smem:$0x3FAE] =	sst s4  }
0xd: {  	[smem:$0x3FAF] =	sst s5  }
0xe: {  	[smem:$0x3FB0] =	sst s6  }
0xf: {  	[smem:$0x3FB1] =	sst s7  }
0x10: {  	[smem:$0x3FB2] =	sst s8  }
0x11: {  	[smem:$0x3FB3] =	sst s9;
	s0 =	simm.s32 @!p0 $0x0  }
0x12: {  	s1 =	sld [smem:$0x3F99];
	s0 =	simm.s32 @p0 $0x1  }
0x13: {  	[smem:$0x3FB4] =	sst s0;
	s0 =	simm.s32 @!p1 $0x0  }
0x14: {  	s2 =	sld [smem:$0x3F98];
	s0 =	simm.s32 @p1 $0x1  }
0x15: {  	[smem:$0x3FB5] =	sst s0;
	s0 =	simm.s32 @!p2 $0x0  }
0x16: {  	s3 =	sld [smem:$0x3FDB];
	s0 =	simm.s32 @p2 $0x1  }
0x17: {  	s4 =	simm.s32 $0x1BF5;
	[smem:$0x3FB7] =	sst s0  }
0x18: {  	s0 =	sld [smem:$0x3F9A];
	_ =	swait.ge [sflag:s4], $0x0  }
0x19: {  	s7 =	sld [smem:$0x3F9B]  }
0x1a: {  	s8 =	sadd.s32 $0xFFFFE003, lr  }
0x1b: {  	s9 =	sadd.s32 $0xFFFFFEF7, lr;
	s5 =	simm.s32 $0xFFFFFFFF;
	p2 =	slt.u32 s8, $0xFFFFF086  }
0x1c: {  	p1 =	slt.u32 s9, $0xF7A;
	s5 =	simm.s32 @!p2 $0x0  }
0x1d: {  	s5 =	simm.s32 @p1 $0x1;
	p0 =	seq.s32 s7, s2  }
0x1e: {  	s7 =	smul.u32 @!p0 $0xF7A, s2;
	p2 =	seq.s32 @!p0 s5, $0x0  }
0x1f: {  	s9 =	smul.u32 $0xF7A, s1;
	s8 =	simm.s32 @!p0 $0x1BF5;
	p2 =	por !p2, p0  }
0x20: {  	[sflag:s8] =	ssyncset.s32 @!p0 $0xFFFFF086;
	s6 =	sadd.s32 @!p0 s3, s7;
	s7 =	simm.s32 @!p0 $0x108  }
0x21: {  	s3 =	sadd.s32 s3, s9;
	s6 =	sadd.s32 @!p0 $0x88, s6;
	s7 =	simm.s32 @p2 $0x1082  }
0x22: {  	[simem:s7], [sflag:s8] =	dma.local @!p0 [hbm:s6], $0xF7A  }
0x23: {  	s9 =	sor.u32 $0xD0000000, s2;
	s6 =	simm.s32 $0x108;
	_ =	swait.ge @!p0 [sflag:s8], $0x0  }
0x24: {  	s3 =	sadd.s32 $0x88, s3;
	s6 =	simm.s32 @!p1 $0x1082;
	[sflag:s4] =	ssyncset.s32 $0xFFFFF086  }
0x25: {  	[simem:s6], [sflag:s4] =	dma.local [hbm:s3], $0xF7A  }
0x26: {  	[smem:$0x3F9B] =	sst s1;
	(tag) =	ssettag s2;
	_ =	strace s9  }
0x27: {  	s1 =	sld [smem:$0x3FAB]  }
0x28: {  	s2 =	sld [smem:$0x3FAC]  }
0x29: {  	s4 =	sld [smem:$0x3FAE]  }
0x2a: {  	p0 =	seq.s32 s5, $0x0;
	s5 =	sld [smem:$0x3FAF]  }
0x2b: {  	s6 =	sld [smem:$0x3FB0]  }
0x2c: {  	s7 =	sld [smem:$0x3FB1]  }
0x2d: {  	s3 =	simm.s32 $0x108;
	s8 =	sld [smem:$0x3FB2]  }
0x2e: {  	s3 =	simm.s32 @!p0 $0x1082;
	s9 =	sld [smem:$0x3FB3]  }
0x2f: {  	lr =	sadd.s32 s0, s3;
	s0 =	sld [smem:$0x3FAA]  }
0x30: {  	s3 =	sld [smem:$0x3FAD]  }
0x31: {  	[smem:$0x3FB6] =	sst s10  }
0x32: {  	s10 =	sld [smem:$0x3FB4];
	_ =	sdelay $0x3  }
0x33: {  	p0 =	seq.s32 s10, $0x1;
	s10 =	sld [smem:$0x3FB6];
	_ =	sdelay $0x3  }
0x34: {  	[smem:$0x3FB6] =	sst s10  }
0x35: {  	s10 =	sld [smem:$0x3FB5];
	_ =	sdelay $0x3  }
0x36: {  	p1 =	seq.s32 s10, $0x1;
	s10 =	sld [smem:$0x3FB6];
	_ =	sdelay $0x3  }
0x37: {  	[smem:$0x3FB6] =	sst s10  }
0x38: {  	s10 =	sld [smem:$0x3FB7]  }
0x39: {  	_ = 	snop;
	(pc) =	sbr.ind lr, $3  }
0x3a: {  	_ = 	snop  }
0x3b: {  	_ = 	snop  }
0x3c: {  	p2 =	seq.s32 s10, $0x1;
	s10 =	sld [smem:$0x3FB6]  }
0x3d: {  	_ =	shalt  }
0x3e: {  	_ =	shalt  }
0x3f: {  	_ =	shalt  }
0x40: {  	_ =	shalt  }
0x41: {  	_ =	shalt  }
0x42: {  	_ =	shalt  }
0x43: {  	_ =	shalt  }
0x44: {  	_ =	shalt  }
0x45: {  	_ =	shalt  }
0x46: {  	_ =	shalt  }
0x47: {  	_ =	shalt  }
0x48: {  	_ =	shalt  }
0x49: {  	_ =	shalt  }
0x4a: {  	_ =	shalt  }
0x4b: {  	_ =	shalt  }
0x4c: {  	_ =	shalt  }
0x4d: {  	_ =	shalt  }
0x4e: {  	_ =	shalt  }
0x4f: {  	_ =	shalt  }
0x50: {  	_ =	shalt  }
0x51: {  	_ =	shalt  }
0x52: {  	_ =	shalt  }
0x53: {  	_ =	shalt  }
0x54: {  	_ =	shalt  }
0x55: {  	_ =	shalt  }
0x56: {  	_ =	shalt  }
0x57: {  	_ =	shalt  }
0x58: {  	_ =	shalt  }
0x59: {  	_ =	shalt  }
0x5a: {  	_ =	shalt  }
0x5b: {  	_ =	shalt  }
0x5c: {  	_ =	shalt  }
0x5d: {  	_ =	shalt  }
0x5e: {  	_ =	shalt  }
0x5f: {  	_ =	shalt  }
0x60: {  	_ =	shalt  }
0x61: {  	_ =	shalt  }
0x62: {  	_ =	shalt  }
0x63: {  	_ =	shalt  }
0x64: {  	_ =	shalt  }
0x65: {  	_ =	shalt  }
0x66: {  	_ =	shalt  }
0x67: {  	_ =	shalt  }
0x68: {  	_ =	shalt  }
0x69: {  	_ =	shalt  }
0x6a: {  	_ =	shalt  }
0x6b: {  	_ =	shalt  }
0x6c: {  	_ =	shalt  }
0x6d: {  	_ =	shalt  }
0x6e: {  	_ =	shalt  }
0x6f: {  	_ =	shalt  }
0x70: {  	_ =	shalt  }
0x71: {  	_ =	shalt  }
0x72: {  	_ =	shalt  }
0x73: {  	_ =	shalt  }
0x74: {  	_ =	shalt  }
0x75: {  	_ =	shalt  }
0x76: {  	_ =	shalt  }
0x77: {  	_ =	shalt  }
0x78: {  	_ =	shalt  }
0x79: {  	_ =	shalt  }
0x7a: {  	_ =	shalt  }
0x7b: {  	_ =	shalt  }
0x7c: {  	_ =	shalt  }
0x7d: {  	_ =	shalt  }
0x7e: {  	_ =	shalt  }
0x7f: {  	_ =	shalt  }
0x80: {  	_ =	shalt  }
0x81: {  	_ =	shalt  }
0x82: {  	_ =	shalt  }
0x83: {  	_ =	shalt  }
0x84: {  	_ =	shalt  }
0x85: {  	_ =	shalt  }
0x86: {  	_ =	shalt  }
0x87: {  	_ =	shalt  }
.Lfunc_end0:
.L_simem_size_0:
called_computation.1_lowered:
.L_overlay_start_0:
0x88: {  	s2 =	sld [smem:$0x3FD9]  }
0x89: {  	s3 =	sld [smem:$0x3FFE];
	_ =	sdelay $0x1  }
0x8a: {  	s1 =	srdreg.scid  }
0x8b: {  	s0 =	sand.u32 $0x1, s1  }
0x8c: {  	s17 =	sshll.u32 s0, $0xA;
	s2 =	sadd.s32 s3, s2  }
0x8d: {  	s2 =	sadd.s32 s2, s17  }
0x8e: {  	[smem:$0x3FC2] =	sst s2  }
0x8f: {  	_ = 	snop  }
0x90: {  	s2 =	sld [smem:$0x3FD0];
	(tm) =	ssettm $0x1  }
0x91: {  	s18 =	sld [smem:$0x3FFB];
	_ =	sdelay $0x3  }
0x92: {  	_ =	strace s18  }
0x93: {  	s3 =	sld [smem:$0x3FFC];
	_ =	sdelay $0x3  }
0x94: {  	_ =	strace s3  }
0x95: {  	s3 =	sld [smem:$0x3FFD];
	_ =	sdelay $0x3  }
0x96: {  	_ =	strace s3  }
0x97: {  	_ =	strace $0x8FFFFFFF  }
0x98: {  	s19 =	sld [smem:$0x3FDB];
	_ =	sdelay $0x1  }
0x99: {  	s4 =	simm.s32 $_scs_section_size  }
0x9a: {  	s5 =	simm.s32 $_size__tile_overlayer_lowered;
	s6 =	simm.s32 $_tile_overlayer_lowered  }
0x9b: {  	s22 =	simm.s32 $0x1BFF;
	s21 =	sshll.u32 s6, $0x1;
	s3 =	sadd.s32 s4, s19  }
0x9c: {  	s7 =	simm.s32 $0x0;
	s20 =	sshll.u32 s5, $0x1;
	s5 =	sadd.s32 s21, s3  }
0x9d: {  	[timem:s7], [sflag:s22] =	dma.local [hbm:s5], s20  }
0x9e: {  	_ =	swait.ge [sflag:s22], s20  }
0x9f: {  	s4 =	ssub.s32 $0x0, s20;
	[sflag:s22] =	ssyncset.done $0x0  }
0xa0: {  	[sflag:s22] =	ssyncadd.s32 s4;
	_ =	sdelay $0x1  }
0xa1: {  	s23 =	simm.s32 $0x1B8B  }
0xa2: {  	_ =	swait.ge [sflag:s23], $0x1  }
0xa3: {  	[sflag:s23] =	ssyncset.done $0x0  }
0xa4: {  	s25 =	simm.s32 $0x1B8E;
	s24 =	sld [smem:$0x3FFE];
	[sflag:s23] =	ssyncadd.s32 $0xFFFFFFFF  }
0xa5: {  	s26 =	simm.s32 $execute0_lowered;
	[smem:$0x3FD2] =	sst s25  }
0xa6: {  	s5 =	sshll.u32 s26, $0x1;
	_ =	strace $0x80000049;
	[dreg:$0x1] =	wrdreg $0xFFFFFFFF  }
0xa7: {  	s28 =	simm.s32 $_size_execute0_lowered;
	s3 =	sadd.s32 s3, s5;
	[dreg:$0x0] =	wrdreg $0x0  }
0xa8: {  	s5 =	sshll.u32 s28, $0x1;
	[dreg:$0x2] =	wrdreg s3  }
0xa9: {  	[dreg:$0x3] =	wrdreg s5  }
0xaa: {  	[dreg:$0x4] =	wrdreg $0xC0  }
0xab: {  	_ =	task [dreg:s7], $0x5FFFF  }
0xac: {  	[dreg:$0x1] =	wrdreg $0xFFFFFFFF  }
0xad: {  	[dreg:$0x0] =	wrdreg $0x60  }
0xae: {  	[dreg:$0x2] =	wrdreg s24  }
0xaf: {  	[dreg:$0x3] =	wrdreg s2  }
0xb0: {  	[dreg:$0x4] =	wrdreg $0x0  }
0xb1: {  	[dreg:$0x5] =	wrdreg $0x9  }
0xb2: {  	_ =	task.clear_ibuf [dreg:s7], $0x6FFFF;
	_ =	strace $0x90000049  }
0xb3: {  	s29 =	simm.s32 $0x9;
	_ =	strace $0x8000004B  }
0xb4: {  	_ =	swait.ge [sflag:s29], $0x1  }
0xb5: {  	[sflag:s29] =	ssyncadd.s32 $0xFFFFFFFF  }
0xb6: {  	_ =	strace $0x9000004B  }
0xb7: {  	_ =	sfence  }
0xb8: {  	s30 =	sld [smem:$0x0];
	_ =	sdelay $0x2  }
0xb9: {  	s31 =	sshll.u32 s1, $0xD;
	s1 =	sshrl.u32 s1, $0x2  }
0xba: {  	s3 =	sand.u32 $0x4000, s31;
	s1 =	sadd.s32 s1, s30  }
0xbb: {  	s0 =	sor.u32 s3, s0;
	s1 =	sshll.u32 s1, $0x11  }
0xbc: {  	s0 =	sor.u32 s1, s0  }
0xbd: {  	s0 =	sadd.s32 $0x8F2B, s0  }
0xbe: {  	[sflag:s0] =	ssyncadd.remote.s32 $0x1  }
0xbf: {  	_ =	sfence.sel $0xFFFF  }
0xc0: {  	[dreg:$0x0] =	wrdreg $0xFFFFFFFF;
	(pc) =	sbr.abs _section_cstart, $3  }
0xc1: {  	[dreg:$0x1] =	wrdreg $0xFFFFFFFF  }
0xc2: {  	_ =	task.clear_ibuf [dreg:s7], $0x2FFFF;
	_ =	strace $0x9FFFFFFF  }
0xc3: {  	(tm) =	ssettm $0x7FFFFFFF  }
tec
execute0_lowered:
.L_overlay_start_1:
0x0: {  	(tag) =	ssettag $0x1  }
0x1: {  	s0 =	srdreg.scid;
	s1 =	rddreg [dreg:$0x0]  }
0x2: {  	s6 =	stileid.u32;
	s4 =	rddreg [dreg:$0x2];
	s5 =	simm.s32 $0x0  }
0x3: {  	s16 =	simm.s32 $0x4F00;
	s0 =	sand.u32 $0x1, s0;
	s9 =	smul.u32 $0x4F00, s6  }
0x4: {  	s17 =	simm.s32 $0x3;
	s18 =	simm.s32 $0x18800;
	s2 =	smul.u32 $0x46, s0  }
0x5: {  	s19 =	simm.s32 $0x80;
	s20 =	simm.s32 $0x8800;
	s7 =	smul.u32 $0x720, s0  }
0x6: {  	s22 =	simm.s32 $0x9800;
	s24 =	simm.s32 $0xA800;
	s10 =	smul.u32 $0x4F000, s0  }
0x7: {  	s21 =	simm.s32 $0x2;
	[smem:$0x7FF] =	sst s5;
	s12 =	smul.u32 $0x8C00, s0  }
0x8: {  	_ =	strace $0x8000004A;
	s28 =	ssub.s32 $0x2, s0;
	s0 =	smul.u32 $0x118000, s0  }
0x9: {  	s29 =	sshrl.u32 s28, $0x1;
	s3 =	ssub.s32 $0x72, s2;
	s26 =	sadd.s32 s9, s10  }
0xa: {  	s13 =	ssub.s32 s28, s29;
	s9 =	sadd.s32 s9, s4;
	s8 =	smul.u32 s6, s3  }
0xb: {  	s10 =	ssub.s32 $0x65, s2;
	s30 =	ssub.s32 $0xCA00, s12;
	s15 =	ssub.s32 $0x194000, s0  }
0xc: {  	s0 =	simm.s32 $0x0;
	s6 =	sadd.s32 $0x15600, s1;
	s7 =	sadd.s32 s7, s8  }
0xd: {  	s13 =	smax.u32 s13, $0x1;
	s31 =	sshra.s32 s30, $0x2;
	s7 =	sshll.u32 s7, $0x4  }
0xe: {  	s14 =	sadd.s32 $0x4F00, s31;
	s8 =	sshrl.u32 s26, $0x3;
	s11 =	sadd.s32 s7, s1  }
0xf: {  	s1 =	sadd.s32 s8, s1;
	s7 =	sadd.s32 $0xA00, s11;
	s8 =	sadd.s32 $0xB400, s11  }
0x10: {  	s11 =	ssub.s32 $0x62, s2;
	s12 =	sadd.s32 $0x1F400, s1;
	s2 =	simm.s32 $0x1  }
.LBB2_1:
0x11: {  	[tilespmem:s16], [sflag:$0x3] =	stream.linear.gather [hbm4b:s7+s5], $0x3900, $0x38;
	[tilespmem:$0x1C100] =	vst v63  }
0x12: {  	_ =	swait.ge [sflag:s17], $0x3900  }
0x13: {  	[sflag:s17] =	ssyncset.done $0x0  }
0x14: {  	[sflag:s17] =	ssyncadd.s32 $0xFFFFC700  }
0x15: {  	[tilespmem:s18], [sflag:$0x3] =	stream.linear.gather [hbm4b:s8+s5], $0x3900, $0x38;
	[tilespmem:$0x1C100] =	vst v63  }
0x16: {  	_ =	swait.ge [sflag:s17], $0x3900  }
0x17: {  	[sflag:s17] =	ssyncset.done $0x0  }
0x18: {  	[sflag:s17] =	ssyncadd.s32 $0xFFFFC700  }
0x19: {  	[tilespmem:s20], [sflag:$0x2] =	stream.indirect.gather [hbm4b:s6+s19], $0x20, s18, s19, $0xb8;
	[tilespmem:$0x1C100] =	vst v63  }
0x1a: {  	s1 =	simm.s32 $0x18880  }
0x1b: {  	[tilespmem:s22], [sflag:$0x2] =	stream.indirect.gather [hbm4b:s6+s19], $0x20, s1, s19, $0xb8;
	[tilespmem:$0x1C100] =	vst v63  }
0x1c: {  	s25 =	simm.s32 $0x18900  }
0x1d: {  	[tilespmem:s24], [sflag:$0x2] =	stream.indirect.gather [hbm4b:s6+s19], $0x20, s25, s19, $0xb8;
	[tilespmem:$0x1C100] =	vst v63  }
0x1e: {  	s26 =	simm.s32 $0x18980;
	s23 =	simm.s32 $0xB800  }
0x1f: {  	[tilespmem:s23], [sflag:$0x2] =	stream.indirect.gather [hbm4b:s6+s19], $0x20, s26, s19, $0xb8;
	[tilespmem:$0x1C100] =	vst v63  }
0x20: {  	s25 =	simm.s32 $0x18A00;
	s26 =	simm.s32 $0xC800  }
0x21: {  	[tilespmem:s26], [sflag:$0x2] =	stream.indirect.gather [hbm4b:s6+s19], $0x20, s25, s19, $0xb8;
	[tilespmem:$0x1C100] =	vst v63  }
0x22: {  	s25 =	simm.s32 $0x18A80;
	s26 =	simm.s32 $0xD800  }
0x23: {  	[tilespmem:s26], [sflag:$0x2] =	stream.indirect.gather [hbm4b:s6+s19], $0x20, s25, s19, $0xb8;
	[tilespmem:$0x1C100] =	vst v63  }
0x24: {  	s25 =	simm.s32 $0x18B00;
	s26 =	simm.s32 $0xE800  }
0x25: {  	[tilespmem:s26], [sflag:$0x2] =	stream.indirect.gather [hbm4b:s6+s19], $0x20, s25, s19, $0xb8;
	[tilespmem:$0x1C100] =	vst v63  }
0x26: {  	s25 =	simm.s32 $0x18B80;
	s26 =	simm.s32 $0xF800  }
0x27: {  	[tilespmem:s26], [sflag:$0x2] =	stream.indirect.gather [hbm4b:s6+s19], $0x20, s25, s19, $0xb8;
	[tilespmem:$0x1C100] =	vst v63  }
0x28: {  	s25 =	simm.s32 $0x18C00;
	s26 =	simm.s32 $0x10800  }
0x29: {  	[tilespmem:s26], [sflag:$0x2] =	stream.indirect.gather [hbm4b:s6+s19], $0x20, s25, s19, $0xb8;
	[tilespmem:$0x1C100] =	vst v63  }
0x2a: {  	s25 =	simm.s32 $0x18C80;
	s26 =	simm.s32 $0x11800  }
0x2b: {  	[tilespmem:s26], [sflag:$0x2] =	stream.indirect.gather [hbm4b:s6+s19], $0x20, s25, s19, $0xb8;
	[tilespmem:$0x1C100] =	vst v63  }
0x2c: {  	s25 =	simm.s32 $0x18D00;
	s26 =	simm.s32 $0x12800  }
0x2d: {  	[tilespmem:s26], [sflag:$0x2] =	stream.indirect.gather [hbm4b:s6+s19], $0x20, s25, s19, $0xb8;
	[tilespmem:$0x1C100] =	vst v63  }
0x2e: {  	s25 =	simm.s32 $0x18D80;
	s26 =	simm.s32 $0x13800  }
0x2f: {  	[tilespmem:s26], [sflag:$0x2] =	stream.indirect.gather [hbm4b:s6+s19], $0x20, s25, s19, $0xb8;
	[tilespmem:$0x1C100] =	vst v63  }
0x30: {  	s25 =	simm.s32 $0x18E00;
	s26 =	simm.s32 $0x14800  }
0x31: {  	[tilespmem:s26], [sflag:$0x2] =	stream.indirect.gather [hbm4b:s6+s19], $0x20, s25, s19, $0xb8;
	[tilespmem:$0x1C100] =	vst v63  }
0x32: {  	s25 =	stileid.u32  }
0x33: {  	s1 =	sshll.u32 s25, $0x6  }
0x34: {  	s26 =	rddreg [dreg:$0x1];
	s25 =	sshrl.u32 s9, $0x3;
	s23 =	sor.u32 $0x1C03, s1  }
0x35: {  	[spmem:s25], [sflag:s23] =	dma.local [hbm:s26], $0x9E0  }
0x36: {  	_ =	swait.ge [sflag:s17], $0x9E0  }
0x37: {  	[sflag:s17] =	ssyncset.done $0x0  }
0x38: {  	[sflag:s17] =	ssyncadd.s32 $0xFFFFF620  }
0x39: {  	[bflag:$0x0] =	sbarrier.arrive $0xFFFF  }
0x3a: {  	_ =	swait.ge [sflag:s21], $0x1000  }
0x3b: {  	[sflag:s21] =	ssyncset.done $0x0  }
0x3c: {  	[sflag:s21] =	ssyncadd.s32 $0xFFFFF000  }
0x3d: {  	[spmem:s4] =	stream.indirect.scatter.add.f32 [tilespmem:s20], [sflag:$0x1], $0x20, s16, s19, $0xb8;
	[tilespmem:$0x1C100] =	vst v63  }
0x3e: {  	s1 =	simm.s32 $0x18E80;
	s26 =	simm.s32 $0x15800  }
0x3f: {  	[tilespmem:s26], [sflag:$0x2] =	stream.indirect.gather [hbm4b:s6+s19], $0x20, s1, s19, $0xb8;
	[tilespmem:$0x1C100] =	vst v63  }
0x40: {  	_ =	swait.ge [sflag:s21], $0x1000  }
0x41: {  	[sflag:s21] =	ssyncset.done $0x0  }
0x42: {  	s26 =	simm.s32 $0x4F80;
	[sflag:s21] =	ssyncadd.s32 $0xFFFFF000  }
0x43: {  	[spmem:s4] =	stream.indirect.scatter.add.f32 [tilespmem:s22], [sflag:$0x1], $0x20, s26, s19, $0xb8;
	[tilespmem:$0x1C100] =	vst v63  }
0x44: {  	s1 =	simm.s32 $0x18F00;
	s26 =	simm.s32 $0x16800  }
0x45: {  	[tilespmem:s26], [sflag:$0x2] =	stream.indirect.gather [hbm4b:s6+s19], $0x20, s1, s19, $0xb8;
	[tilespmem:$0x1C100] =	vst v63  }
0x46: {  	_ =	swait.ge [sflag:s21], $0x1000  }
0x47: {  	s28 =	simm.s32 $0xC000;
	s29 =	simm.s32 $0x5080;
	[sflag:s21] =	ssyncset.done $0x0  }
0x48: {  	p0 =	sne.s32 s11, $0x1;
	s26 =	simm.s32 $0x5000;
	[sflag:s21] =	ssyncadd.s32 $0xFFFFF000  }
0x49: {  	[spmem:s4] =	stream.indirect.scatter.add.f32 [tilespmem:s24], [sflag:$0x1], $0x20, s26, s19, $0xb8;
	[tilespmem:$0x1C100] =	vst v63  }
0x4a: {  	s28 =	sand.u32 $0x3C000, s28;
	s1 =	simm.s32 $0x18F80;
	s26 =	simm.s32 $0x17800  }
0x4b: {  	[tilespmem:s26], [sflag:$0x2] =	stream.indirect.gather [hbm4b:s6+s19], $0x20, s1, s19, $0xb8;
	[tilespmem:$0x1C100] =	vst v63  }
0x4c: {  	s31 =	simm.s32 $0x44000;
	s30 =	sshrl.u32 s28, $0x2;
	_ =	swait.ge [sflag:s21], $0x1000  }
0x4d: {  	s30 =	sadd.s32 $0x8800, s30;
	s1 =	simm.s32 $0x40000;
	[sflag:s21] =	ssyncset.done $0x0  }
.Ltmp0:
0x4e: {  	s1 =	sand.u32 $0x3C000, s1;
	[sflag:s21] =	ssyncadd.s32 $0xFFFFF000;
	(pc) =	sbr.rel @!p0 .LBB2_3-.Ltmp0, $4  }
0x4f: {  	[spmem:s4] =	stream.indirect.scatter.add.f32 [tilespmem:s30], [sflag:$0x1], $0x20, s29, s19, $0xb8;
	[tilespmem:$0x1C100] =	vst v63  }
0x50: {  	s28 =	sadd.s32 $0xFFFFFFFF, s11;
	s1 =	sshrl.u32 s1, $0x2;
	_ =	swait.ge [sflag:s2], $0x1000  }
0x51: {  	s26 =	simm.s32 $0x19000;
	s1 =	sadd.s32 $0x8800, s1;
	[sflag:s2] =	ssyncset.done $0x0  }
0x52: {  	s29 =	simm.s32 $0x5100;
	s30 =	simm.s32 $0x19080;
	[sflag:s2] =	ssyncadd.s32 $0xFFFFF000  }
.LBB2_2:
0x53: {  	[tilespmem:s1], [sflag:$0x2] =	stream.indirect.gather [hbm4b:s6+s19], $0x20, s26, s19, $0xb8;
	[tilespmem:$0x1C100] =	vst v63  }
0x54: {  	s1 =	sadd.s32 $0xFFFCC000, s31;
	p0 =	sne.s32 s28, $0x1;
	s28 =	sadd.s32 $0xFFFFFFFF, s28  }
0x55: {  	s26 =	smov.u32 s30;
	s1 =	sand.u32 $0x3C000, s1;
	_ =	swait.ge [sflag:s21], $0x1000  }
0x56: {  	s1 =	sshrl.u32 s1, $0x2;
	[sflag:s21] =	ssyncset.done $0x0  }
.Ltmp1:
0x57: {  	s1 =	sadd.s32 $0x8800, s1;
	[sflag:s21] =	ssyncadd.s32 $0xFFFFF000;
	(pc) =	sbr.rel @p0 .LBB2_2-.Ltmp1, $4  }
0x58: {  	[spmem:s4] =	stream.indirect.scatter.add.f32 [tilespmem:s1], [sflag:$0x1], $0x20, s29, s19, $0xb8;
	[tilespmem:$0x1C100] =	vst v63  }
0x59: {  	s1 =	sand.u32 $0x3C000, s31;
	s29 =	sadd.s32 $0x80, s29;
	_ =	swait.ge [sflag:s2], $0x1000  }
0x5a: {  	s30 =	sadd.s32 $0x80, s30;
	s1 =	sshrl.u32 s1, $0x2;
	[sflag:s2] =	ssyncset.done $0x0  }
0x5b: {  	s31 =	sadd.s32 $0x4000, s31;
	s1 =	sadd.s32 $0x8800, s1;
	[sflag:s2] =	ssyncadd.s32 $0xFFFFF000  }
.LBB2_3:
0x5c: {  	[tilespmem:s1], [sflag:$0x2] =	stream.indirect.gather [hbm4b:s6+s19], $0x20, s26, s19, $0xb8;
	[tilespmem:$0x1C100] =	vst v63  }
0x5d: {  	s26 =	sadd.s32 $0x1, s10  }
0x5e: {  	p0 =	slt.u32 s26, s3  }
.Ltmp2:
0x5f: {  	_ = 	snop;
	(pc) =	sbr.rel @!p0 .LBB2_5-.Ltmp2, $4  }
0x60: {  	_ = 	snop  }
0x61: {  	s1 =	sand.u32 $0x3C000, s15;
	s28 =	sadd.s32 $0x4000, s15;
	_ =	swait.ge [sflag:s21], $0x1000  }
0x62: {  	s29 =	sadd.s32 $0x80, s14;
	s1 =	sshrl.u32 s1, $0x2;
	[sflag:s21] =	ssyncset.done $0x0  }
0x63: {  	s30 =	smov.u32 s14;
	s31 =	sadd.s32 $0x8800, s1;
	[sflag:s21] =	ssyncadd.s32 $0xFFFFF000  }
.LBB2_4:
0x64: {  	[spmem:s4] =	stream.indirect.scatter.add.f32 [tilespmem:s31], [sflag:$0x1], $0x20, s30, s19, $0xb8;
	[tilespmem:$0x1C100] =	vst v63  }
0x65: {  	s26 =	sadd.s32 $0x1, s26  }
0x66: {  	p0 =	slt.u32 s26, s3  }
.Ltmp3:
0x67: {  	s30 =	smov.u32 s29;
	(pc) =	sbr.rel @p0 .LBB2_4-.Ltmp3, $4  }
0x68: {  	_ = 	snop  }
0x69: {  	s1 =	sand.u32 $0x3C000, s28;
	_ =	swait.ge [sflag:s21], $0x1000  }
0x6a: {  	s28 =	sadd.s32 $0x4000, s28;
	s1 =	sshrl.u32 s1, $0x2;
	[sflag:s21] =	ssyncset.done $0x0  }
0x6b: {  	s29 =	sadd.s32 $0x80, s29;
	s31 =	sadd.s32 $0x8800, s1;
	[sflag:s21] =	ssyncadd.s32 $0xFFFFF000  }
.LBB2_5:
0x6c: {  	s26 =	sadd.s32 $0x1, s11  }
0x6d: {  	p0 =	slt.u32 s26, s3  }
.Ltmp4:
0x6e: {  	_ = 	snop;
	(pc) =	sbr.rel @!p0 .LBB2_7-.Ltmp4, $4  }
0x6f: {  	_ = 	snop  }
0x70: {  	[spmem:s4] =	stream.indirect.scatter.add.f32 [tilespmem:s31], [sflag:$0x1], $0x20, s30, s19, $0xb8;
	[tilespmem:$0x1C100] =	vst v63  }
0x71: {  	_ =	swait.ge [sflag:s2], $0x1000  }
0x72: {  	[sflag:s2] =	ssyncset.done $0x0  }
.LBB2_6:
0x73: {  	s26 =	sadd.s32 $0x1, s26  }
0x74: {  	[sflag:s2] =	ssyncadd.s32 $0xFFFFF000;
	p0 =	slt.u32 s26, s3  }
.Ltmp5:
0x75: {  	(pc) =	sbr.rel @p0 .LBB2_6-.Ltmp5, $3  }
0x76: {  	_ =	sdelay $0x1  }
0x77: {  	_ =	swait.ge [sflag:s2], $0x1000  }
0x78: {  	[sflag:s2] =	ssyncset.done $0x0  }
.LBB2_7:
0x79: {  	s0 =	sadd.s32 $0x1, s0  }
0x7a: {  	[sflag:s2] =	ssyncadd.s32 $0xFFFFF000;
	p0 =	sne.s32 s0, s13  }
.Ltmp6:
0x7b: {  	[bflag:$0x0] =	sbarrier.arrive $0xFFFF;
	(pc) =	sbr.rel @p0 .LBB2_1-.Ltmp6, $4  }
0x7c: {  	[hbm:s12], [sflag:s23] =	dma.local [spmem:s25], $0x9E0  }
0x7d: {  	_ =	swait.ge [sflag:s17], $0x9E0  }
0x7e: {  	[sflag:s17] =	ssyncset.done $0x0  }
0x7f: {  	[sflag:s17] =	ssyncadd.s32 $0xFFFFF620  }
0x80: {  	_ =	sfence.sel $0x180000  }
0x81: {  	[bflag:$0x0] =	sbarrier.arrive $0xFFFF  }
0x82: {  	_ =	strace $0x9000004A  }
0x83: {  	s0 =	stileid.u32;
	[bflag:$0x2] =	sbarrier.arrive $0xFFFF  }
0x84: {  	p0 =	sne.s32 s0, $0x0;
	s0 =	rddreg [dreg:$0x3]  }
0x85: {  	s0 =	sadd.s32 @!p0 $0x100000, s0  }
0x86: {  	[sflag:s0] =	ssyncadd.tile.s32 @!p0 $0x1;
	_ =	shalt  }
.Lfunc_end2:
_tile_overlayer_lowered:
.L_overlay_start_2:
0x87: {  	(tag) =	ssettag $0x2  }
0x88: {  	s0 =	rddreg [dreg:$0x0];
	s2 =	stileid.u32  }
0x89: {  	s1 =	rddreg [dreg:$0x1];
	p0 =	sne.s32 s2, $0x0  }
0x8a: {  	s3 =	rddreg [dreg:$0x2];
	[bflag:$0x3] =	sbarrier.arrive $0xFFFF;
	s2 =	simm.s32 @!p0 $0x1C03  }
0x8b: {  	[timem:s3], [sflag:s2] =	dma.local @!p0 [hbm:s0], s1  }
0x8c: {  	s0 =	simm.s32 @!p0 $0x3  }
0x8d: {  	_ =	swait.ge @!p0 [sflag:s0], s1  }
0x8e: {  	s1 =	ssub.s32 @!p0 $0x0, s1;
	[sflag:s0] =	ssyncset.done @!p0 $0x0  }
0x8f: {  	[sflag:s0] =	ssyncadd.s32 @!p0 s1  }
0x90: {  	[bflag:$0x3] =	sbarrier.arrive $0xFFFF  }
0x91: {  	_ =	shalt  }

// kernel: kernel.15.cloned.1.call-start
scs
__scs_entry_jumppad:
0x0: {  	(pc) =	sbr.rel $0x88, $3  }
0x1: {  	(tag) =	ssettag $0x0;
	lr =	simm.s32 $0x1  }
0x2: {  	[smem:$0x3F9B] =	sst lr;
	_ =	strace $0xD0000000  }
0x3: {  	_ = 	snop  }
0x4: {  	_ = 	snop  }
0x5: {  	_ = 	snop  }
0x6: {  	_ = 	snop  }
0x7: {  	_ = 	snop  }
__scs_overlays_trampoline_lowered:
0x8: {  	[smem:$0x3FAA] =	sst s0  }
0x9: {  	[smem:$0x3FAB] =	sst s1  }
0xa: {  	[smem:$0x3FAC] =	sst s2  }
0xb: {  	[smem:$0x3FAD] =	sst s3  }
0xc: {  	[smem:$0x3FAE] =	sst s4  }
0xd: {  	[smem:$0x3FAF] =	sst s5  }
0xe: {  	[smem:$0x3FB0] =	sst s6  }
0xf: {  	[smem:$0x3FB1] =	sst s7  }
0x10: {  	[smem:$0x3FB2] =	sst s8  }
0x11: {  	[smem:$0x3FB3] =	sst s9;
	s0 =	simm.s32 @!p0 $0x0  }
0x12: {  	s1 =	sld [smem:$0x3F99];
	s0 =	simm.s32 @p0 $0x1  }
0x13: {  	[smem:$0x3FB4] =	sst s0;
	s0 =	simm.s32 @!p1 $0x0  }
0x14: {  	s2 =	sld [smem:$0x3F98];
	s0 =	simm.s32 @p1 $0x1  }
0x15: {  	[smem:$0x3FB5] =	sst s0;
	s0 =	simm.s32 @!p2 $0x0  }
0x16: {  	s3 =	sld [smem:$0x3FDB];
	s0 =	simm.s32 @p2 $0x1  }
0x17: {  	s4 =	simm.s32 $0x1BF5;
	[smem:$0x3FB7] =	sst s0  }
0x18: {  	s0 =	sld [smem:$0x3F9A];
	_ =	swait.ge [sflag:s4], $0x0  }
0x19: {  	s7 =	sld [smem:$0x3F9B]  }
0x1a: {  	s8 =	sadd.s32 $0xFFFFE003, lr  }
0x1b: {  	s9 =	sadd.s32 $0xFFFFFEF7, lr;
	s5 =	simm.s32 $0xFFFFFFFF;
	p2 =	slt.u32 s8, $0xFFFFF086  }
0x1c: {  	p1 =	slt.u32 s9, $0xF7A;
	s5 =	simm.s32 @!p2 $0x0  }
0x1d: {  	s5 =	simm.s32 @p1 $0x1;
	p0 =	seq.s32 s7, s2  }
0x1e: {  	s7 =	smul.u32 @!p0 $0xF7A, s2;
	p2 =	seq.s32 @!p0 s5, $0x0  }
0x1f: {  	s9 =	smul.u32 $0xF7A, s1;
	s8 =	simm.s32 @!p0 $0x1BF5;
	p2 =	por !p2, p0  }
0x20: {  	[sflag:s8] =	ssyncset.s32 @!p0 $0xFFFFF086;
	s6 =	sadd.s32 @!p0 s3, s7;
	s7 =	simm.s32 @!p0 $0x108  }
0x21: {  	s3 =	sadd.s32 s3, s9;
	s6 =	sadd.s32 @!p0 $0x88, s6;
	s7 =	simm.s32 @p2 $0x1082  }
0x22: {  	[simem:s7], [sflag:s8] =	dma.local @!p0 [hbm:s6], $0xF7A  }
0x23: {  	s9 =	sor.u32 $0xD0000000, s2;
	s6 =	simm.s32 $0x108;
	_ =	swait.ge @!p0 [sflag:s8], $0x0  }
0x24: {  	s3 =	sadd.s32 $0x88, s3;
	s6 =	simm.s32 @!p1 $0x1082;
	[sflag:s4] =	ssyncset.s32 $0xFFFFF086  }
0x25: {  	[simem:s6], [sflag:s4] =	dma.local [hbm:s3], $0xF7A  }
0x26: {  	[smem:$0x3F9B] =	sst s1;
	(tag) =	ssettag s2;
	_ =	strace s9  }
0x27: {  	s1 =	sld [smem:$0x3FAB]  }
0x28: {  	s2 =	sld [smem:$0x3FAC]  }
0x29: {  	s4 =	sld [smem:$0x3FAE]  }
0x2a: {  	p0 =	seq.s32 s5, $0x0;
	s5 =	sld [smem:$0x3FAF]  }
0x2b: {  	s6 =	sld [smem:$0x3FB0]  }
0x2c: {  	s7 =	sld [smem:$0x3FB1]  }
0x2d: {  	s3 =	simm.s32 $0x108;
	s8 =	sld [smem:$0x3FB2]  }
0x2e: {  	s3 =	simm.s32 @!p0 $0x1082;
	s9 =	sld [smem:$0x3FB3]  }
0x2f: {  	lr =	sadd.s32 s0, s3;
	s0 =	sld [smem:$0x3FAA]  }
0x30: {  	s3 =	sld [smem:$0x3FAD]  }
0x31: {  	[smem:$0x3FB6] =	sst s10  }
0x32: {  	s10 =	sld [smem:$0x3FB4];
	_ =	sdelay $0x3  }
0x33: {  	p0 =	seq.s32 s10, $0x1;
	s10 =	sld [smem:$0x3FB6];
	_ =	sdelay $0x3  }
0x34: {  	[smem:$0x3FB6] =	sst s10  }
0x35: {  	s10 =	sld [smem:$0x3FB5];
	_ =	sdelay $0x3  }
0x36: {  	p1 =	seq.s32 s10, $0x1;
	s10 =	sld [smem:$0x3FB6];
	_ =	sdelay $0x3  }
0x37: {  	[smem:$0x3FB6] =	sst s10  }
0x38: {  	s10 =	sld [smem:$0x3FB7]  }
0x39: {  	_ = 	snop;
	(pc) =	sbr.ind lr, $3  }
0x3a: {  	_ = 	snop  }
0x3b: {  	_ = 	snop  }
0x3c: {  	p2 =	seq.s32 s10, $0x1;
	s10 =	sld [smem:$0x3FB6]  }
0x3d: {  	_ =	shalt  }
0x3e: {  	_ =	shalt  }
0x3f: {  	_ =	shalt  }
0x40: {  	_ =	shalt  }
0x41: {  	_ =	shalt  }
0x42: {  	_ =	shalt  }
0x43: {  	_ =	shalt  }
0x44: {  	_ =	shalt  }
0x45: {  	_ =	shalt  }
0x46: {  	_ =	shalt  }
0x47: {  	_ =	shalt  }
0x48: {  	_ =	shalt  }
0x49: {  	_ =	shalt  }
0x4a: {  	_ =	shalt  }
0x4b: {  	_ =	shalt  }
0x4c: {  	_ =	shalt  }
0x4d: {  	_ =	shalt  }
0x4e: {  	_ =	shalt  }
0x4f: {  	_ =	shalt  }
0x50: {  	_ =	shalt  }
0x51: {  	_ =	shalt  }
0x52: {  	_ =	shalt  }
0x53: {  	_ =	shalt  }
0x54: {  	_ =	shalt  }
0x55: {  	_ =	shalt  }
0x56: {  	_ =	shalt  }
0x57: {  	_ =	shalt  }
0x58: {  	_ =	shalt  }
0x59: {  	_ =	shalt  }
0x5a: {  	_ =	shalt  }
0x5b: {  	_ =	shalt  }
0x5c: {  	_ =	shalt  }
0x5d: {  	_ =	shalt  }
0x5e: {  	_ =	shalt  }
0x5f: {  	_ =	shalt  }
0x60: {  	_ =	shalt  }
0x61: {  	_ =	shalt  }
0x62: {  	_ =	shalt  }
0x63: {  	_ =	shalt  }
0x64: {  	_ =	shalt  }
0x65: {  	_ =	shalt  }
0x66: {  	_ =	shalt  }
0x67: {  	_ =	shalt  }
0x68: {  	_ =	shalt  }
0x69: {  	_ =	shalt  }
0x6a: {  	_ =	shalt  }
0x6b: {  	_ =	shalt  }
0x6c: {  	_ =	shalt  }
0x6d: {  	_ =	shalt  }
0x6e: {  	_ =	shalt  }
0x6f: {  	_ =	shalt  }
0x70: {  	_ =	shalt  }
0x71: {  	_ =	shalt  }
0x72: {  	_ =	shalt  }
0x73: {  	_ =	shalt  }
0x74: {  	_ =	shalt  }
0x75: {  	_ =	shalt  }
0x76: {  	_ =	shalt  }
0x77: {  	_ =	shalt  }
0x78: {  	_ =	shalt  }
0x79: {  	_ =	shalt  }
0x7a: {  	_ =	shalt  }
0x7b: {  	_ =	shalt  }
0x7c: {  	_ =	shalt  }
0x7d: {  	_ =	shalt  }
0x7e: {  	_ =	shalt  }
0x7f: {  	_ =	shalt  }
0x80: {  	_ =	shalt  }
0x81: {  	_ =	shalt  }
0x82: {  	_ =	shalt  }
0x83: {  	_ =	shalt  }
0x84: {  	_ =	shalt  }
0x85: {  	_ =	shalt  }
0x86: {  	_ =	shalt  }
0x87: {  	_ =	shalt  }
.Lfunc_end0:
.L_simem_size_0:
called_computation.2_lowered:
.L_overlay_start_0:
0x88: {  	s2 =	sld [smem:$0x3FD9]  }
0x89: {  	s3 =	sld [smem:$0x3FFE];
	_ =	sdelay $0x1  }
0x8a: {  	s1 =	srdreg.scid  }
0x8b: {  	s0 =	sand.u32 $0x1, s1  }
0x8c: {  	s17 =	sshll.u32 s0, $0xA;
	s2 =	sadd.s32 s3, s2  }
0x8d: {  	s2 =	sadd.s32 s2, s17  }
0x8e: {  	[smem:$0x3FC2] =	sst s2  }
0x8f: {  	_ = 	snop  }
0x90: {  	s2 =	sld [smem:$0x3FD0];
	(tm) =	ssettm $0x1  }
0x91: {  	s18 =	sld [smem:$0x3FFB];
	_ =	sdelay $0x3  }
0x92: {  	_ =	strace s18  }
0x93: {  	s3 =	sld [smem:$0x3FFC];
	_ =	sdelay $0x3  }
0x94: {  	_ =	strace s3  }
0x95: {  	s3 =	sld [smem:$0x3FFD];
	_ =	sdelay $0x3  }
0x96: {  	_ =	strace s3  }
0x97: {  	_ =	strace $0x8FFFFFFF  }
0x98: {  	s19 =	sld [smem:$0x3FDB];
	_ =	sdelay $0x1  }
0x99: {  	s4 =	simm.s32 $_scs_section_size  }
0x9a: {  	s5 =	simm.s32 $_size__tile_overlayer_lowered;
	s6 =	simm.s32 $_tile_overlayer_lowered  }
0x9b: {  	s22 =	simm.s32 $0x1BFF;
	s21 =	sshll.u32 s6, $0x1;
	s3 =	sadd.s32 s4, s19  }
0x9c: {  	s7 =	simm.s32 $0x0;
	s20 =	sshll.u32 s5, $0x1;
	s5 =	sadd.s32 s21, s3  }
0x9d: {  	[timem:s7], [sflag:s22] =	dma.local [hbm:s5], s20  }
0x9e: {  	_ =	swait.ge [sflag:s22], s20  }
0x9f: {  	s4 =	ssub.s32 $0x0, s20;
	[sflag:s22] =	ssyncset.done $0x0  }
0xa0: {  	[sflag:s22] =	ssyncadd.s32 s4;
	_ =	sdelay $0x1  }
0xa1: {  	s23 =	simm.s32 $0x1B8B  }
0xa2: {  	_ =	swait.ge [sflag:s23], $0x1  }
0xa3: {  	[sflag:s23] =	ssyncset.done $0x0  }
0xa4: {  	s25 =	simm.s32 $0x1B8E;
	s24 =	sld [smem:$0x3FFE];
	[sflag:s23] =	ssyncadd.s32 $0xFFFFFFFF  }
0xa5: {  	s26 =	simm.s32 $execute0_lowered;
	[smem:$0x3FD2] =	sst s25  }
0xa6: {  	s5 =	sshll.u32 s26, $0x1;
	_ =	strace $0x8000004C;
	[dreg:$0x1] =	wrdreg $0xFFFFFFFF  }
0xa7: {  	s28 =	simm.s32 $_size_execute0_lowered;
	s3 =	sadd.s32 s3, s5;
	[dreg:$0x0] =	wrdreg $0x0  }
0xa8: {  	s5 =	sshll.u32 s28, $0x1;
	[dreg:$0x2] =	wrdreg s3  }
0xa9: {  	[dreg:$0x3] =	wrdreg s5  }
0xaa: {  	[dreg:$0x4] =	wrdreg $0xC0  }
0xab: {  	_ =	task [dreg:s7], $0x5FFFF  }
0xac: {  	[dreg:$0x1] =	wrdreg $0xFFFFFFFF  }
0xad: {  	[dreg:$0x0] =	wrdreg $0x60  }
0xae: {  	[dreg:$0x2] =	wrdreg s2  }
0xaf: {  	[dreg:$0x3] =	wrdreg s24  }
0xb0: {  	[dreg:$0x4] =	wrdreg $0x0  }
0xb1: {  	[dreg:$0x5] =	wrdreg $0x9  }
0xb2: {  	_ =	task.clear_ibuf [dreg:s7], $0x6FFFF;
	_ =	strace $0x9000004C  }
0xb3: {  	s29 =	simm.s32 $0x9;
	_ =	strace $0x8000004E  }
0xb4: {  	_ =	swait.ge [sflag:s29], $0x1  }
0xb5: {  	[sflag:s29] =	ssyncadd.s32 $0xFFFFFFFF  }
0xb6: {  	_ =	strace $0x9000004E  }
0xb7: {  	_ =	sfence  }
0xb8: {  	s30 =	sld [smem:$0x0];
	_ =	sdelay $0x2  }
0xb9: {  	s31 =	sshll.u32 s1, $0xD;
	s1 =	sshrl.u32 s1, $0x2  }
0xba: {  	s3 =	sand.u32 $0x4000, s31;
	s1 =	sadd.s32 s1, s30  }
0xbb: {  	s0 =	sor.u32 s3, s0;
	s1 =	sshll.u32 s1, $0x11  }
0xbc: {  	s0 =	sor.u32 s1, s0  }
0xbd: {  	s0 =	sadd.s32 $0x8F2B, s0  }
0xbe: {  	[sflag:s0] =	ssyncadd.remote.s32 $0x1  }
0xbf: {  	_ =	sfence.sel $0xFFFF  }
0xc0: {  	[dreg:$0x0] =	wrdreg $0xFFFFFFFF;
	(pc) =	sbr.abs _section_cstart, $3  }
0xc1: {  	[dreg:$0x1] =	wrdreg $0xFFFFFFFF  }
0xc2: {  	_ =	task.clear_ibuf [dreg:s7], $0x2FFFF;
	_ =	strace $0x9FFFFFFF  }
0xc3: {  	(tm) =	ssettm $0x7FFFFFFF  }
tec
execute0_lowered:
.L_overlay_start_1:
0x0: {  	(tag) =	ssettag $0x1  }
0x1: {  	s1 =	rddreg [dreg:$0x0]  }
0x2: {  	s0 =	srdreg.scid;
	s7 =	rddreg [dreg:$0x1]  }
0x3: {  	s8 =	stileid.u32;
	s4 =	rddreg [dreg:$0x2];
	s10 =	simm.s32 $0x0  }
0x4: {  	s16 =	simm.s32 $0x2780;
	s17 =	simm.s32 $0x3;
	s18 =	simm.s32 $0xD580  }
0x5: {  	s19 =	simm.s32 $0x80;
	s0 =	sand.u32 $0x1, s0;
	s9 =	smul.u32 $0x2780, s8  }
0x6: {  	s20 =	simm.s32 $0x5580;
	s22 =	simm.s32 $0x5D80;
	s2 =	smul.u32 $0x1A, s0  }
0x7: {  	s24 =	simm.s32 $0x6580;
	s25 =	simm.s32 $0x2;
	s5 =	smul.u32 $0x5C0, s0  }
0x8: {  	s23 =	simm.s32 $0x1;
	[smem:$0x7FF] =	sst s10;
	s26 =	smul.u32 $0x27800, s0  }
0x9: {  	_ =	strace $0x8000004D;
	s29 =	ssub.s32 $0x2, s0;
	s14 =	smul.u32 $0x3400, s0  }
0xa: {  	s0 =	smul.u32 $0x34000, s0;
	s30 =	sshrl.u32 s29, $0x1;
	s3 =	ssub.s32 $0x5C, s2  }
0xb: {  	s28 =	sadd.s32 s9, s26;
	s13 =	ssub.s32 s29, s30;
	s9 =	sadd.s32 s9, s4  }
0xc: {  	s10 =	ssub.s32 $0x4F, s2;
	s11 =	ssub.s32 $0x4C, s2;
	s6 =	smul.u32 s8, s3  }
0xd: {  	s31 =	ssub.s32 $0x9E00, s14;
	s15 =	ssub.s32 $0x9E000, s0;
	s26 =	simm.s32 $0x0  }
0xe: {  	s8 =	sshrl.u32 s28, $0x3;
	s13 =	smax.u32 s13, $0x1;
	s5 =	sadd.s32 s5, s6  }
0xf: {  	s2 =	sshrl.u32 s31, $0x2;
	s12 =	sadd.s32 s8, s7;
	s5 =	sshll.u32 s5, $0x4  }
0x10: {  	s14 =	sadd.s32 $0x2780, s2;
	s6 =	sadd.s32 $0xAC00, s7;
	s5 =	sadd.s32 s5, s7  }
0x11: {  	s12 =	sadd.s32 $0x15600, s12;
	s7 =	sadd.s32 $0xA00, s5;
	s8 =	sadd.s32 $0xB400, s5  }
.LBB2_1:
0x12: {  	s0 =	simm.s32 $0x0  }
0x13: {  	[tilespmem:s16], [sflag:$0x3] =	stream.linear.gather [hbm4b:s7+s0], $0x2E00, $0x38;
	[tilespmem:$0x10380] =	vst v63  }
0x14: {  	_ =	swait.ge [sflag:s17], $0x2E00  }
0x15: {  	[sflag:s17] =	ssyncset.done $0x0  }
0x16: {  	[sflag:s17] =	ssyncadd.s32 $0xFFFFD200  }
0x17: {  	[tilespmem:s18], [sflag:$0x3] =	stream.linear.gather [hbm4b:s8+s0], $0x2E00, $0x38;
	[tilespmem:$0x10380] =	vst v63  }
0x18: {  	_ =	swait.ge [sflag:s17], $0x2E00  }
0x19: {  	[sflag:s17] =	ssyncset.done $0x0  }
0x1a: {  	[sflag:s17] =	ssyncadd.s32 $0xFFFFD200  }
0x1b: {  	[tilespmem:s20], [sflag:$0x2] =	stream.indirect.gather [hbm4b:s1+s19], $0x10, s18, s19, $0xb8;
	[tilespmem:$0x10380] =	vst v63  }
0x1c: {  	s2 =	simm.s32 $0xD600  }
0x1d: {  	[tilespmem:s22], [sflag:$0x2] =	stream.indirect.gather [hbm4b:s1+s19], $0x10, s2, s19, $0xb8;
	[tilespmem:$0x10380] =	vst v63  }
0x1e: {  	s5 =	simm.s32 $0xD680  }
0x1f: {  	[tilespmem:s24], [sflag:$0x2] =	stream.indirect.gather [hbm4b:s1+s19], $0x10, s5, s19, $0xb8;
	[tilespmem:$0x10380] =	vst v63  }
0x20: {  	s21 =	simm.s32 $0xD700;
	s2 =	simm.s32 $0x6D80  }
0x21: {  	[tilespmem:s2], [sflag:$0x2] =	stream.indirect.gather [hbm4b:s1+s19], $0x10, s21, s19, $0xb8;
	[tilespmem:$0x10380] =	vst v63  }
0x22: {  	s5 =	simm.s32 $0xD780;
	s21 =	simm.s32 $0x7580  }
0x23: {  	[tilespmem:s21], [sflag:$0x2] =	stream.indirect.gather [hbm4b:s1+s19], $0x10, s5, s19, $0xb8;
	[tilespmem:$0x10380] =	vst v63  }
0x24: {  	s5 =	simm.s32 $0xD800;
	s21 =	simm.s32 $0x7D80  }
0x25: {  	[tilespmem:s21], [sflag:$0x2] =	stream.indirect.gather [hbm4b:s1+s19], $0x10, s5, s19, $0xb8;
	[tilespmem:$0x10380] =	vst v63  }
0x26: {  	s5 =	simm.s32 $0xD880;
	s21 =	simm.s32 $0x8580  }
0x27: {  	[tilespmem:s21], [sflag:$0x2] =	stream.indirect.gather [hbm4b:s1+s19], $0x10, s5, s19, $0xb8;
	[tilespmem:$0x10380] =	vst v63  }
0x28: {  	s5 =	simm.s32 $0xD900;
	s21 =	simm.s32 $0x8D80  }
0x29: {  	[tilespmem:s21], [sflag:$0x2] =	stream.indirect.gather [hbm4b:s1+s19], $0x10, s5, s19, $0xb8;
	[tilespmem:$0x10380] =	vst v63  }
0x2a: {  	s5 =	simm.s32 $0xD980;
	s21 =	simm.s32 $0x9580  }
0x2b: {  	[tilespmem:s21], [sflag:$0x2] =	stream.indirect.gather [hbm4b:s1+s19], $0x10, s5, s19, $0xb8;
	[tilespmem:$0x10380] =	vst v63  }
0x2c: {  	s5 =	simm.s32 $0xDA00;
	s21 =	simm.s32 $0x9D80  }
0x2d: {  	[tilespmem:s21], [sflag:$0x2] =	stream.indirect.gather [hbm4b:s1+s19], $0x10, s5, s19, $0xb8;
	[tilespmem:$0x10380] =	vst v63  }
0x2e: {  	s5 =	simm.s32 $0xDA80;
	s21 =	simm.s32 $0xA580  }
0x2f: {  	[tilespmem:s21], [sflag:$0x2] =	stream.indirect.gather [hbm4b:s1+s19], $0x10, s5, s19, $0xb8;
	[tilespmem:$0x10380] =	vst v63  }
0x30: {  	s5 =	simm.s32 $0xDB00;
	s21 =	simm.s32 $0xAD80  }
0x31: {  	[tilespmem:s21], [sflag:$0x2] =	stream.indirect.gather [hbm4b:s1+s19], $0x10, s5, s19, $0xb8;
	[tilespmem:$0x10380] =	vst v63  }
0x32: {  	s21 =	stileid.u32  }
0x33: {  	s2 =	simm.s32 $0xDB80;
	s5 =	simm.s32 $0xB580;
	s0 =	sshll.u32 s21, $0x6  }
0x34: {  	[tilespmem:s5], [sflag:$0x2] =	stream.indirect.gather [hbm4b:s1+s19], $0x10, s2, s19, $0xb8;
	[tilespmem:$0x10380] =	vst v63  }
0x35: {  	s29 =	sshrl.u32 s9, $0x3;
	s28 =	sor.u32 $0x1C03, s0  }
0x36: {  	[spmem:s29], [sflag:s28] =	dma.local [hbm:s6], $0x4F0  }
0x37: {  	_ =	swait.ge [sflag:s17], $0x4F0  }
0x38: {  	[sflag:s17] =	ssyncset.done $0x0  }
0x39: {  	[sflag:s17] =	ssyncadd.s32 $0xFFFFFB10  }
0x3a: {  	[bflag:$0x0] =	sbarrier.arrive $0xFFFF  }
0x3b: {  	_ =	swait.ge [sflag:s25], $0x800  }
0x3c: {  	[sflag:s25] =	ssyncset.done $0x0  }
0x3d: {  	[sflag:s25] =	ssyncadd.s32 $0xFFFFF800  }
0x3e: {  	[spmem:s4] =	stream.indirect.scatter.add.f32 [tilespmem:s20], [sflag:$0x1], $0x10, s16, s19, $0xb8;
	[tilespmem:$0x10380] =	vst v63  }
0x3f: {  	s2 =	simm.s32 $0xDC00;
	s5 =	simm.s32 $0xBD80  }
0x40: {  	[tilespmem:s5], [sflag:$0x2] =	stream.indirect.gather [hbm4b:s1+s19], $0x10, s2, s19, $0xb8;
	[tilespmem:$0x10380] =	vst v63  }
0x41: {  	_ =	swait.ge [sflag:s25], $0x800  }
0x42: {  	[sflag:s25] =	ssyncset.done $0x0  }
0x43: {  	s21 =	simm.s32 $0x2800;
	[sflag:s25] =	ssyncadd.s32 $0xFFFFF800  }
0x44: {  	[spmem:s4] =	stream.indirect.scatter.add.f32 [tilespmem:s22], [sflag:$0x1], $0x10, s21, s19, $0xb8;
	[tilespmem:$0x10380] =	vst v63  }
0x45: {  	s2 =	simm.s32 $0xDC80;
	s5 =	simm.s32 $0xC580  }
0x46: {  	[tilespmem:s5], [sflag:$0x2] =	stream.indirect.gather [hbm4b:s1+s19], $0x10, s2, s19, $0xb8;
	[tilespmem:$0x10380] =	vst v63  }
0x47: {  	_ =	swait.ge [sflag:s25], $0x800  }
0x48: {  	s30 =	simm.s32 $0xDD80;
	p0 =	sne.s32 s11, $0x1;
	[sflag:s25] =	ssyncset.done $0x0  }
0x49: {  	s0 =	simm.s32 $0x20000;
	s21 =	simm.s32 $0x2880;
	[sflag:s25] =	ssyncadd.s32 $0xFFFFF800  }
0x4a: {  	[spmem:s4] =	stream.indirect.scatter.add.f32 [tilespmem:s24], [sflag:$0x1], $0x10, s21, s19, $0xb8;
	[tilespmem:$0x10380] =	vst v63  }
0x4b: {  	s2 =	simm.s32 $0xDD00;
	s5 =	simm.s32 $0xCD80;
	s21 =	simm.s32 $0x6000  }
0x4c: {  	[tilespmem:s5], [sflag:$0x2] =	stream.indirect.gather [hbm4b:s1+s19], $0x10, s2, s19, $0xb8;
	[tilespmem:$0x10380] =	vst v63  }
0x4d: {  	s0 =	sand.u32 $0x1E000, s0;
	s2 =	sand.u32 $0x1E000, s21;
	_ =	swait.ge [sflag:s25], $0x800  }
0x4e: {  	s5 =	simm.s32 $0x2900;
	s2 =	sshrl.u32 s2, $0x2;
	[sflag:s25] =	ssyncset.done $0x0  }
.Ltmp0:
0x4f: {  	s2 =	sadd.s32 $0x5580, s2;
	[sflag:s25] =	ssyncadd.s32 $0xFFFFF800;
	(pc) =	sbr.rel @!p0 .LBB2_3-.Ltmp0, $4  }
0x50: {  	[spmem:s4] =	stream.indirect.scatter.add.f32 [tilespmem:s2], [sflag:$0x1], $0x10, s5, s19, $0xb8;
	[tilespmem:$0x10380] =	vst v63  }
0x51: {  	s31 =	sadd.s32 $0xFFFFFFFF, s11;
	s21 =	sshrl.u32 s0, $0x2;
	_ =	swait.ge [sflag:s23], $0x800  }
0x52: {  	s0 =	simm.s32 $0xDE00;
	s2 =	simm.s32 $0x2980;
	[sflag:s23] =	ssyncset.done $0x0  }
0x53: {  	s5 =	sadd.s32 $0x5580, s21;
	s21 =	simm.s32 $0x22000;
	[sflag:s23] =	ssyncadd.s32 $0xFFFFF800  }
.LBB2_2:
0x54: {  	[tilespmem:s5], [sflag:$0x2] =	stream.indirect.gather [hbm4b:s1+s19], $0x10, s30, s19, $0xb8;
	[tilespmem:$0x10380] =	vst v63  }
0x55: {  	s5 =	sadd.s32 $0xFFFE6000, s21;
	p0 =	sne.s32 s31, $0x1;
	s31 =	sadd.s32 $0xFFFFFFFF, s31  }
0x56: {  	s30 =	smov.u32 s0;
	s5 =	sand.u32 $0x1E000, s5;
	_ =	swait.ge [sflag:s25], $0x800  }
0x57: {  	s5 =	sshrl.u32 s5, $0x2;
	[sflag:s25] =	ssyncset.done $0x0  }
.Ltmp1:
0x58: {  	s5 =	sadd.s32 $0x5580, s5;
	[sflag:s25] =	ssyncadd.s32 $0xFFFFF800;
	(pc) =	sbr.rel @p0 .LBB2_2-.Ltmp1, $4  }
0x59: {  	[spmem:s4] =	stream.indirect.scatter.add.f32 [tilespmem:s5], [sflag:$0x1], $0x10, s2, s19, $0xb8;
	[tilespmem:$0x10380] =	vst v63  }
0x5a: {  	s5 =	sand.u32 $0x1E000, s21;
	s2 =	sadd.s32 $0x80, s2;
	_ =	swait.ge [sflag:s23], $0x800  }
0x5b: {  	s0 =	sadd.s32 $0x80, s0;
	s5 =	sshrl.u32 s5, $0x2;
	[sflag:s23] =	ssyncset.done $0x0  }
0x5c: {  	s21 =	sadd.s32 $0x2000, s21;
	s5 =	sadd.s32 $0x5580, s5;
	[sflag:s23] =	ssyncadd.s32 $0xFFFFF800  }
.LBB2_3:
0x5d: {  	s0 =	sadd.s32 $0x1, s10  }
0x5e: {  	p0 =	slt.u32 s0, s3  }
.Ltmp2:
0x5f: {  	_ = 	snop;
	(pc) =	sbr.rel @!p0 .LBB2_5-.Ltmp2, $4  }
0x60: {  	[tilespmem:s5], [sflag:$0x2] =	stream.indirect.gather [hbm4b:s1+s19], $0x10, s30, s19, $0xb8;
	[tilespmem:$0x10380] =	vst v63  }
0x61: {  	s2 =	sand.u32 $0x1E000, s15;
	s30 =	smov.u32 s14;
	_ =	swait.ge [sflag:s25], $0x800  }
0x62: {  	s21 =	sshrl.u32 s2, $0x2;
	s2 =	sadd.s32 $0x2000, s15;
	[sflag:s25] =	ssyncset.done $0x0  }
0x63: {  	s31 =	sadd.s32 $0x5580, s21;
	s21 =	sadd.s32 $0x80, s14;
	[sflag:s25] =	ssyncadd.s32 $0xFFFFF800  }
.LBB2_4:
0x64: {  	[spmem:s4] =	stream.indirect.scatter.add.f32 [tilespmem:s31], [sflag:$0x1], $0x10, s30, s19, $0xb8;
	[tilespmem:$0x10380] =	vst v63  }
0x65: {  	s0 =	sadd.s32 $0x1, s0  }
0x66: {  	p0 =	slt.u32 s0, s3  }
.Ltmp3:
0x67: {  	s30 =	smov.u32 s21;
	(pc) =	sbr.rel @p0 .LBB2_4-.Ltmp3, $4  }
0x68: {  	_ = 	snop  }
0x69: {  	s5 =	sand.u32 $0x1E000, s2;
	_ =	swait.ge [sflag:s25], $0x800  }
0x6a: {  	s2 =	sadd.s32 $0x2000, s2;
	s5 =	sshrl.u32 s5, $0x2;
	[sflag:s25] =	ssyncset.done $0x0  }
0x6b: {  	s21 =	sadd.s32 $0x80, s21;
	s31 =	sadd.s32 $0x5580, s5;
	[sflag:s25] =	ssyncadd.s32 $0xFFFFF800  }
.LBB2_5:
0x6c: {  	s0 =	sadd.s32 $0x1, s11  }
0x6d: {  	p0 =	slt.u32 s0, s3  }
.Ltmp4:
0x6e: {  	_ = 	snop;
	(pc) =	sbr.rel @!p0 .LBB2_7-.Ltmp4, $4  }
0x6f: {  	_ = 	snop  }
0x70: {  	[spmem:s4] =	stream.indirect.scatter.add.f32 [tilespmem:s31], [sflag:$0x1], $0x10, s30, s19, $0xb8;
	[tilespmem:$0x10380] =	vst v63  }
0x71: {  	_ =	swait.ge [sflag:s23], $0x800  }
0x72: {  	[sflag:s23] =	ssyncset.done $0x0  }
.LBB2_6:
0x73: {  	s0 =	sadd.s32 $0x1, s0  }
0x74: {  	[sflag:s23] =	ssyncadd.s32 $0xFFFFF800;
	p0 =	slt.u32 s0, s3  }
.Ltmp5:
0x75: {  	(pc) =	sbr.rel @p0 .LBB2_6-.Ltmp5, $3  }
0x76: {  	_ =	sdelay $0x1  }
0x77: {  	_ =	swait.ge [sflag:s23], $0x800  }
0x78: {  	[sflag:s23] =	ssyncset.done $0x0  }
.LBB2_7:
0x79: {  	s26 =	sadd.s32 $0x1, s26  }
0x7a: {  	[sflag:s23] =	ssyncadd.s32 $0xFFFFF800;
	p0 =	sne.s32 s26, s13  }
.Ltmp6:
0x7b: {  	[bflag:$0x0] =	sbarrier.arrive $0xFFFF;
	(pc) =	sbr.rel @p0 .LBB2_1-.Ltmp6, $4  }
0x7c: {  	[hbm:s12], [sflag:s28] =	dma.local [spmem:s29], $0x4F0  }
0x7d: {  	_ =	swait.ge [sflag:s17], $0x4F0  }
0x7e: {  	[sflag:s17] =	ssyncset.done $0x0  }
0x7f: {  	[sflag:s17] =	ssyncadd.s32 $0xFFFFFB10  }
0x80: {  	_ =	sfence.sel $0x180000  }
0x81: {  	[bflag:$0x0] =	sbarrier.arrive $0xFFFF  }
0x82: {  	_ =	strace $0x9000004D  }
0x83: {  	s0 =	stileid.u32;
	[bflag:$0x2] =	sbarrier.arrive $0xFFFF  }
0x84: {  	p0 =	sne.s32 s0, $0x0;
	s0 =	rddreg [dreg:$0x3]  }
0x85: {  	s0 =	sadd.s32 @!p0 $0x100000, s0  }
0x86: {  	[sflag:s0] =	ssyncadd.tile.s32 @!p0 $0x1;
	_ =	shalt  }
.Lfunc_end2:
_tile_overlayer_lowered:
.L_overlay_start_2:
0x87: {  	(tag) =	ssettag $0x2  }
0x88: {  	s0 =	rddreg [dreg:$0x0];
	s2 =	stileid.u32  }
0x89: {  	s1 =	rddreg [dreg:$0x1];
	p0 =	sne.s32 s2, $0x0  }
0x8a: {  	s3 =	rddreg [dreg:$0x2];
	[bflag:$0x3] =	sbarrier.arrive $0xFFFF;
	s2 =	simm.s32 @!p0 $0x1C03  }
0x8b: {  	[timem:s3], [sflag:s2] =	dma.local @!p0 [hbm:s0], s1  }
0x8c: {  	s0 =	simm.s32 @!p0 $0x3  }
0x8d: {  	_ =	swait.ge @!p0 [sflag:s0], s1  }
0x8e: {  	s1 =	ssub.s32 @!p0 $0x0, s1;
	[sflag:s0] =	ssyncset.done @!p0 $0x0  }
0x8f: {  	[sflag:s0] =	ssyncadd.s32 @!p0 s1  }
0x90: {  	[bflag:$0x3] =	sbarrier.arrive $0xFFFF  }
0x91: {  	_ =	shalt  }

// kernel: kernel.9.cloned.1.call-start
scs
__scs_entry_jumppad:
0x0: {  	(pc) =	sbr.rel $0x88, $3  }
0x1: {  	(tag) =	ssettag $0x0;
	lr =	simm.s32 $0x1  }
0x2: {  	[smem:$0x3F9B] =	sst lr;
	_ =	strace $0xD0000000  }
0x3: {  	_ = 	snop  }
0x4: {  	_ = 	snop  }
0x5: {  	_ = 	snop  }
0x6: {  	_ = 	snop  }
0x7: {  	_ = 	snop  }
__scs_overlays_trampoline_lowered:
0x8: {  	[smem:$0x3FAA] =	sst s0  }
0x9: {  	[smem:$0x3FAB] =	sst s1  }
0xa: {  	[smem:$0x3FAC] =	sst s2  }
0xb: {  	[smem:$0x3FAD] =	sst s3  }
0xc: {  	[smem:$0x3FAE] =	sst s4  }
0xd: {  	[smem:$0x3FAF] =	sst s5  }
0xe: {  	[smem:$0x3FB0] =	sst s6  }
0xf: {  	[smem:$0x3FB1] =	sst s7  }
0x10: {  	[smem:$0x3FB2] =	sst s8  }
0x11: {  	[smem:$0x3FB3] =	sst s9;
	s0 =	simm.s32 @!p0 $0x0  }
0x12: {  	s1 =	sld [smem:$0x3F99];
	s0 =	simm.s32 @p0 $0x1  }
0x13: {  	[smem:$0x3FB4] =	sst s0;
	s0 =	simm.s32 @!p1 $0x0  }
0x14: {  	s2 =	sld [smem:$0x3F98];
	s0 =	simm.s32 @p1 $0x1  }
0x15: {  	[smem:$0x3FB5] =	sst s0;
	s0 =	simm.s32 @!p2 $0x0  }
0x16: {  	s3 =	sld [smem:$0x3FDB];
	s0 =	simm.s32 @p2 $0x1  }
0x17: {  	s4 =	simm.s32 $0x1BF5;
	[smem:$0x3FB7] =	sst s0  }
0x18: {  	s0 =	sld [smem:$0x3F9A];
	_ =	swait.ge [sflag:s4], $0x0  }
0x19: {  	s7 =	sld [smem:$0x3F9B]  }
0x1a: {  	s8 =	sadd.s32 $0xFFFFE003, lr  }
0x1b: {  	s9 =	sadd.s32 $0xFFFFFEF7, lr;
	s5 =	simm.s32 $0xFFFFFFFF;
	p2 =	slt.u32 s8, $0xFFFFF086  }
0x1c: {  	p1 =	slt.u32 s9, $0xF7A;
	s5 =	simm.s32 @!p2 $0x0  }
0x1d: {  	s5 =	simm.s32 @p1 $0x1;
	p0 =	seq.s32 s7, s2  }
0x1e: {  	s7 =	smul.u32 @!p0 $0xF7A, s2;
	p2 =	seq.s32 @!p0 s5, $0x0  }
0x1f: {  	s9 =	smul.u32 $0xF7A, s1;
	s8 =	simm.s32 @!p0 $0x1BF5;
	p2 =	por !p2, p0  }
0x20: {  	[sflag:s8] =	ssyncset.s32 @!p0 $0xFFFFF086;
	s6 =	sadd.s32 @!p0 s3, s7;
	s7 =	simm.s32 @!p0 $0x108  }
0x21: {  	s3 =	sadd.s32 s3, s9;
	s6 =	sadd.s32 @!p0 $0x88, s6;
	s7 =	simm.s32 @p2 $0x1082  }
0x22: {  	[simem:s7], [sflag:s8] =	dma.local @!p0 [hbm:s6], $0xF7A  }
0x23: {  	s9 =	sor.u32 $0xD0000000, s2;
	s6 =	simm.s32 $0x108;
	_ =	swait.ge @!p0 [sflag:s8], $0x0  }
0x24: {  	s3 =	sadd.s32 $0x88, s3;
	s6 =	simm.s32 @!p1 $0x1082;
	[sflag:s4] =	ssyncset.s32 $0xFFFFF086  }
0x25: {  	[simem:s6], [sflag:s4] =	dma.local [hbm:s3], $0xF7A  }
0x26: {  	[smem:$0x3F9B] =	sst s1;
	(tag) =	ssettag s2;
	_ =	strace s9  }
0x27: {  	s1 =	sld [smem:$0x3FAB]  }
0x28: {  	s2 =	sld [smem:$0x3FAC]  }
0x29: {  	s4 =	sld [smem:$0x3FAE]  }
0x2a: {  	p0 =	seq.s32 s5, $0x0;
	s5 =	sld [smem:$0x3FAF]  }
0x2b: {  	s6 =	sld [smem:$0x3FB0]  }
0x2c: {  	s7 =	sld [smem:$0x3FB1]  }
0x2d: {  	s3 =	simm.s32 $0x108;
	s8 =	sld [smem:$0x3FB2]  }
0x2e: {  	s3 =	simm.s32 @!p0 $0x1082;
	s9 =	sld [smem:$0x3FB3]  }
0x2f: {  	lr =	sadd.s32 s0, s3;
	s0 =	sld [smem:$0x3FAA]  }
0x30: {  	s3 =	sld [smem:$0x3FAD]  }
0x31: {  	[smem:$0x3FB6] =	sst s10  }
0x32: {  	s10 =	sld [smem:$0x3FB4];
	_ =	sdelay $0x3  }
0x33: {  	p0 =	seq.s32 s10, $0x1;
	s10 =	sld [smem:$0x3FB6];
	_ =	sdelay $0x3  }
0x34: {  	[smem:$0x3FB6] =	sst s10  }
0x35: {  	s10 =	sld [smem:$0x3FB5];
	_ =	sdelay $0x3  }
0x36: {  	p1 =	seq.s32 s10, $0x1;
	s10 =	sld [smem:$0x3FB6];
	_ =	sdelay $0x3  }
0x37: {  	[smem:$0x3FB6] =	sst s10  }
0x38: {  	s10 =	sld [smem:$0x3FB7]  }
0x39: {  	_ = 	snop;
	(pc) =	sbr.ind lr, $3  }
0x3a: {  	_ = 	snop  }
0x3b: {  	_ = 	snop  }
0x3c: {  	p2 =	seq.s32 s10, $0x1;
	s10 =	sld [smem:$0x3FB6]  }
0x3d: {  	_ =	shalt  }
0x3e: {  	_ =	shalt  }
0x3f: {  	_ =	shalt  }
0x40: {  	_ =	shalt  }
0x41: {  	_ =	shalt  }
0x42: {  	_ =	shalt  }
0x43: {  	_ =	shalt  }
0x44: {  	_ =	shalt  }
0x45: {  	_ =	shalt  }
0x46: {  	_ =	shalt  }
0x47: {  	_ =	shalt  }
0x48: {  	_ =	shalt  }
0x49: {  	_ =	shalt  }
0x4a: {  	_ =	shalt  }
0x4b: {  	_ =	shalt  }
0x4c: {  	_ =	shalt  }
0x4d: {  	_ =	shalt  }
0x4e: {  	_ =	shalt  }
0x4f: {  	_ =	shalt  }
0x50: {  	_ =	shalt  }
0x51: {  	_ =	shalt  }
0x52: {  	_ =	shalt  }
0x53: {  	_ =	shalt  }
0x54: {  	_ =	shalt  }
0x55: {  	_ =	shalt  }
0x56: {  	_ =	shalt  }
0x57: {  	_ =	shalt  }
0x58: {  	_ =	shalt  }
0x59: {  	_ =	shalt  }
0x5a: {  	_ =	shalt  }
0x5b: {  	_ =	shalt  }
0x5c: {  	_ =	shalt  }
0x5d: {  	_ =	shalt  }
0x5e: {  	_ =	shalt  }
0x5f: {  	_ =	shalt  }
0x60: {  	_ =	shalt  }
0x61: {  	_ =	shalt  }
0x62: {  	_ =	shalt  }
0x63: {  	_ =	shalt  }
0x64: {  	_ =	shalt  }
0x65: {  	_ =	shalt  }
0x66: {  	_ =	shalt  }
0x67: {  	_ =	shalt  }
0x68: {  	_ =	shalt  }
0x69: {  	_ =	shalt  }
0x6a: {  	_ =	shalt  }
0x6b: {  	_ =	shalt  }
0x6c: {  	_ =	shalt  }
0x6d: {  	_ =	shalt  }
0x6e: {  	_ =	shalt  }
0x6f: {  	_ =	shalt  }
0x70: {  	_ =	shalt  }
0x71: {  	_ =	shalt  }
0x72: {  	_ =	shalt  }
0x73: {  	_ =	shalt  }
0x74: {  	_ =	shalt  }
0x75: {  	_ =	shalt  }
0x76: {  	_ =	shalt  }
0x77: {  	_ =	shalt  }
0x78: {  	_ =	shalt  }
0x79: {  	_ =	shalt  }
0x7a: {  	_ =	shalt  }
0x7b: {  	_ =	shalt  }
0x7c: {  	_ =	shalt  }
0x7d: {  	_ =	shalt  }
0x7e: {  	_ =	shalt  }
0x7f: {  	_ =	shalt  }
0x80: {  	_ =	shalt  }
0x81: {  	_ =	shalt  }
0x82: {  	_ =	shalt  }
0x83: {  	_ =	shalt  }
0x84: {  	_ =	shalt  }
0x85: {  	_ =	shalt  }
0x86: {  	_ =	shalt  }
0x87: {  	_ =	shalt  }
.Lfunc_end0:
.L_simem_size_0:
called_computation_lowered:
.L_overlay_start_0:
0x88: {  	s2 =	sld [smem:$0x3FD9]  }
0x89: {  	s3 =	sld [smem:$0x3FFE];
	_ =	sdelay $0x1  }
0x8a: {  	s1 =	srdreg.scid  }
0x8b: {  	s0 =	sand.u32 $0x1, s1  }
0x8c: {  	s17 =	sshll.u32 s0, $0xA;
	s2 =	sadd.s32 s3, s2  }
0x8d: {  	s2 =	sadd.s32 s2, s17  }
0x8e: {  	[smem:$0x3FC2] =	sst s2  }
0x8f: {  	_ = 	snop  }
0x90: {  	s2 =	sld [smem:$0x3FD0];
	(tm) =	ssettm $0x1  }
0x91: {  	s18 =	sld [smem:$0x3FFB];
	_ =	sdelay $0x3  }
0x92: {  	_ =	strace s18  }
0x93: {  	s3 =	sld [smem:$0x3FFC];
	_ =	sdelay $0x3  }
0x94: {  	_ =	strace s3  }
0x95: {  	s3 =	sld [smem:$0x3FFD];
	_ =	sdelay $0x3  }
0x96: {  	_ =	strace s3  }
0x97: {  	_ =	strace $0x8FFFFFFF  }
0x98: {  	s19 =	sld [smem:$0x3FDB];
	_ =	sdelay $0x1  }
0x99: {  	s4 =	simm.s32 $_scs_section_size  }
0x9a: {  	s5 =	simm.s32 $_size__tile_overlayer_lowered;
	s6 =	simm.s32 $_tile_overlayer_lowered  }
0x9b: {  	s22 =	simm.s32 $0x1BFF;
	s21 =	sshll.u32 s6, $0x1;
	s3 =	sadd.s32 s4, s19  }
0x9c: {  	s7 =	simm.s32 $0x0;
	s20 =	sshll.u32 s5, $0x1;
	s5 =	sadd.s32 s21, s3  }
0x9d: {  	[timem:s7], [sflag:s22] =	dma.local [hbm:s5], s20  }
0x9e: {  	_ =	swait.ge [sflag:s22], s20  }
0x9f: {  	s4 =	ssub.s32 $0x0, s20;
	[sflag:s22] =	ssyncset.done $0x0  }
0xa0: {  	[sflag:s22] =	ssyncadd.s32 s4;
	_ =	sdelay $0x1  }
0xa1: {  	s23 =	simm.s32 $0x1B8B  }
0xa2: {  	_ =	swait.ge [sflag:s23], $0x1  }
0xa3: {  	[sflag:s23] =	ssyncset.done $0x0  }
0xa4: {  	s25 =	simm.s32 $0x1B8E;
	s24 =	sld [smem:$0x3FFE];
	[sflag:s23] =	ssyncadd.s32 $0xFFFFFFFF  }
0xa5: {  	s26 =	simm.s32 $execute0_lowered;
	[smem:$0x3FD2] =	sst s25  }
0xa6: {  	s5 =	sshll.u32 s26, $0x1;
	_ =	strace $0x80000046;
	[dreg:$0x1] =	wrdreg $0xFFFFFFFF  }
0xa7: {  	s28 =	simm.s32 $_size_execute0_lowered;
	s3 =	sadd.s32 s3, s5;
	[dreg:$0x0] =	wrdreg $0x0  }
0xa8: {  	s5 =	sshll.u32 s28, $0x1;
	[dreg:$0x2] =	wrdreg s3  }
0xa9: {  	[dreg:$0x3] =	wrdreg s5  }
0xaa: {  	[dreg:$0x4] =	wrdreg $0xC0  }
0xab: {  	_ =	task [dreg:s7], $0x5FFFF  }
0xac: {  	[dreg:$0x1] =	wrdreg $0xFFFFFFFF  }
0xad: {  	[dreg:$0x0] =	wrdreg $0x60  }
0xae: {  	[dreg:$0x2] =	wrdreg s24  }
0xaf: {  	[dreg:$0x3] =	wrdreg s2  }
0xb0: {  	[dreg:$0x4] =	wrdreg $0x0  }
0xb1: {  	[dreg:$0x5] =	wrdreg $0x9  }
0xb2: {  	_ =	task.clear_ibuf [dreg:s7], $0x6FFFF;
	_ =	strace $0x90000046  }
0xb3: {  	s29 =	simm.s32 $0x9;
	_ =	strace $0x80000048  }
0xb4: {  	_ =	swait.ge [sflag:s29], $0x1  }
0xb5: {  	[sflag:s29] =	ssyncadd.s32 $0xFFFFFFFF  }
0xb6: {  	_ =	strace $0x90000048  }
0xb7: {  	_ =	sfence  }
0xb8: {  	s30 =	sld [smem:$0x0];
	_ =	sdelay $0x2  }
0xb9: {  	s31 =	sshll.u32 s1, $0xD;
	s1 =	sshrl.u32 s1, $0x2  }
0xba: {  	s3 =	sand.u32 $0x4000, s31;
	s1 =	sadd.s32 s1, s30  }
0xbb: {  	s0 =	sor.u32 s3, s0;
	s1 =	sshll.u32 s1, $0x11  }
0xbc: {  	s0 =	sor.u32 s1, s0  }
0xbd: {  	s0 =	sadd.s32 $0x8F2B, s0  }
0xbe: {  	[sflag:s0] =	ssyncadd.remote.s32 $0x1  }
0xbf: {  	_ =	sfence.sel $0xFFFF  }
0xc0: {  	[dreg:$0x0] =	wrdreg $0xFFFFFFFF;
	(pc) =	sbr.abs _section_cstart, $3  }
0xc1: {  	[dreg:$0x1] =	wrdreg $0xFFFFFFFF  }
0xc2: {  	_ =	task.clear_ibuf [dreg:s7], $0x2FFFF;
	_ =	strace $0x9FFFFFFF  }
0xc3: {  	(tm) =	ssettm $0x7FFFFFFF  }
tec
execute0_lowered:
.L_overlay_start_1:
0x0: {  	(tag) =	ssettag $0x1  }
0x1: {  	s0 =	rddreg [dreg:$0x0]  }
0x2: {  	s7 =	rddreg [dreg:$0x1]  }
0x3: {  	s1 =	rddreg [dreg:$0x2]  }
0x4: {  	s2 =	srdreg.scid;
	s3 =	simm.s32 $0x0;
	s14 =	simm.s32 $0x80  }
0x5: {  	s15 =	simm.s32 $0x1440;
	s16 =	simm.s32 $0x14C0;
	s17 =	simm.s32 $0x1540  }
0x6: {  	s18 =	simm.s32 $0x15C0;
	s19 =	simm.s32 $0x1640;
	s20 =	simm.s32 $0x16C0  }
0x7: {  	s21 =	simm.s32 $0x1740;
	s22 =	simm.s32 $0x17C0;
	s4 =	sand.u32 $0x1, s2  }
0x8: {  	s23 =	simm.s32 $0x1840;
	s2 =	stileid.u32;
	s5 =	smul.u32 $0x4F00, s4  }
0x9: {  	s28 =	simm.s32 $0x1A40;
	s29 =	simm.s32 $0x1;
	s6 =	smul.u32 $0x4F0, s2  }
0xa: {  	s30 =	simm.s32 $0x0;
	[smem:$0x7FF] =	sst s3;
	s8 =	smul.u32 $0x13C0, s2  }
0xb: {  	_ =	strace $0x80000047;
	s24 =	ssub.s32 $0x2, s4;
	s9 =	smul.u32 $0x13C00, s4  }
0xc: {  	s4 =	sadd.s32 $0xB000, s0;
	s31 =	sshll.u32 s2, $0x6;
	s11 =	sshrl.u32 s24, $0x1  }
0xd: {  	s12 =	sor.u32 $0x1C02, s31;
	s5 =	sadd.s32 s6, s5;
	s25 =	ssub.s32 s24, s11  }
0xe: {  	s9 =	sadd.s32 s8, s9;
	s13 =	sadd.s32 s8, s1;
	s11 =	simm.s32 $0x3B40  }
0xf: {  	s24 =	simm.s32 $0x18C0;
	s10 =	sadd.s32 s5, s0;
	s5 =	sadd.s32 $0xAC00, s0  }
0x10: {  	s26 =	sshrl.u32 s9, $0x3;
	s8 =	smax.u32 s25, $0x1;
	s9 =	simm.s32 $0x13C0  }
0x11: {  	s13 =	sshrl.u32 s13, $0x3;
	s25 =	simm.s32 $0x1940;
	s6 =	sadd.s32 $0xA00, s10  }
0x12: {  	s7 =	sadd.s32 s7, s26;
	s10 =	simm.s32 $0x2;
	s26 =	simm.s32 $0x19C0  }
.LBB2_1:
0x13: {  	[tilespmem:s9], [sflag:$0x2] =	stream.linear.gather [hbm4b:s6+s3], $0x2780, $0x38;
	[tilespmem:$0x7B40] =	vst v63  }
0x14: {  	_ =	swait.ge [sflag:s10], $0x2780  }
0x15: {  	[sflag:s10] =	ssyncset.done $0x0  }
0x16: {  	[sflag:s10] =	ssyncadd.s32 $0xFFFFD880  }
0x17: {  	[tilespmem:s11], [sflag:$0x2] =	stream.linear.gather [hbm4b:s4+s3], $0x400, $0x38;
	[tilespmem:$0x7B40] =	vst v63  }
0x18: {  	_ =	swait.ge [sflag:s10], $0x400  }
0x19: {  	[sflag:s10] =	ssyncset.done $0x0  }
0x1a: {  	[sflag:s10] =	ssyncadd.s32 $0xFFFFFC00  }
0x1b: {  	[spmem:s13], [sflag:s12] =	dma.local [hbm:s5], $0x278  }
0x1c: {  	_ =	swait.ge [sflag:s10], $0x278  }
0x1d: {  	[sflag:s10] =	ssyncset.done $0x0  }
0x1e: {  	[sflag:s10] =	ssyncadd.s32 $0xFFFFFD88  }
0x1f: {  	[bflag:$0x0] =	sbarrier.arrive $0xFFFF  }
0x20: {  	[spmem:s1] =	stream.indirect.scatter.add.f32 [tilespmem:s11], [sflag:$0x1], $0x8, s9, s14, $0xb8;
	[tilespmem:$0x7B40] =	vst v63  }
0x21: {  	_ = 	snop  }
0x22: {  	[spmem:s1] =	stream.indirect.scatter.add.f32 [tilespmem:s11], [sflag:$0x1], $0x8, s15, s14, $0xb8;
	[tilespmem:$0x7B40] =	vst v63  }
0x23: {  	_ = 	snop  }
0x24: {  	[spmem:s1] =	stream.indirect.scatter.add.f32 [tilespmem:s11], [sflag:$0x1], $0x8, s16, s14, $0xb8;
	[tilespmem:$0x7B40] =	vst v63  }
0x25: {  	_ = 	snop  }
0x26: {  	[spmem:s1] =	stream.indirect.scatter.add.f32 [tilespmem:s11], [sflag:$0x1], $0x8, s17, s14, $0xb8;
	[tilespmem:$0x7B40] =	vst v63  }
0x27: {  	_ = 	snop  }
0x28: {  	[spmem:s1] =	stream.indirect.scatter.add.f32 [tilespmem:s11], [sflag:$0x1], $0x8, s18, s14, $0xb8;
	[tilespmem:$0x7B40] =	vst v63  }
0x29: {  	_ = 	snop  }
0x2a: {  	[spmem:s1] =	stream.indirect.scatter.add.f32 [tilespmem:s11], [sflag:$0x1], $0x8, s19, s14, $0xb8;
	[tilespmem:$0x7B40] =	vst v63  }
0x2b: {  	_ = 	snop  }
0x2c: {  	[spmem:s1] =	stream.indirect.scatter.add.f32 [tilespmem:s11], [sflag:$0x1], $0x8, s20, s14, $0xb8;
	[tilespmem:$0x7B40] =	vst v63  }
0x2d: {  	_ = 	snop  }
0x2e: {  	[spmem:s1] =	stream.indirect.scatter.add.f32 [tilespmem:s11], [sflag:$0x1], $0x8, s21, s14, $0xb8;
	[tilespmem:$0x7B40] =	vst v63  }
0x2f: {  	_ = 	snop  }
0x30: {  	[spmem:s1] =	stream.indirect.scatter.add.f32 [tilespmem:s11], [sflag:$0x1], $0x8, s22, s14, $0xb8;
	[tilespmem:$0x7B40] =	vst v63  }
0x31: {  	_ = 	snop  }
0x32: {  	[spmem:s1] =	stream.indirect.scatter.add.f32 [tilespmem:s11], [sflag:$0x1], $0x8, s23, s14, $0xb8;
	[tilespmem:$0x7B40] =	vst v63  }
0x33: {  	_ = 	snop  }
0x34: {  	[spmem:s1] =	stream.indirect.scatter.add.f32 [tilespmem:s11], [sflag:$0x1], $0x8, s24, s14, $0xb8;
	[tilespmem:$0x7B40] =	vst v63  }
0x35: {  	_ = 	snop  }
0x36: {  	[spmem:s1] =	stream.indirect.scatter.add.f32 [tilespmem:s11], [sflag:$0x1], $0x8, s25, s14, $0xb8;
	[tilespmem:$0x7B40] =	vst v63  }
0x37: {  	_ = 	snop  }
0x38: {  	[spmem:s1] =	stream.indirect.scatter.add.f32 [tilespmem:s11], [sflag:$0x1], $0x8, s26, s14, $0xb8;
	[tilespmem:$0x7B40] =	vst v63  }
0x39: {  	_ = 	snop  }
0x3a: {  	[spmem:s1] =	stream.indirect.scatter.add.f32 [tilespmem:s11], [sflag:$0x1], $0x8, s28, s14, $0xb8;
	[tilespmem:$0x7B40] =	vst v63  }
0x3b: {  	_ =	swait.ge [sflag:s29], $0x400  }
0x3c: {  	[sflag:s29] =	ssyncset.done $0x0  }
0x3d: {  	s31 =	simm.s32 $0x1E00;
	s0 =	simm.s32 $0x1AC0;
	[sflag:s29] =	ssyncadd.s32 $0xFFFFFC00  }
.LBB2_2:
0x3e: {  	[spmem:s1] =	stream.indirect.scatter.add.f32 [tilespmem:s11], [sflag:$0x1], $0x8, s0, s14, $0xb8;
	[tilespmem:$0x7B40] =	vst v63  }
0x3f: {  	s0 =	smov.u32 s31;
	p0 =	sne.s32 s31, $0x9C00  }
.Ltmp0:
0x40: {  	s31 =	sadd.s32 $0x200, s31;
	(pc) =	sbr.rel @p0 .LBB2_2-.Ltmp0, $4  }
0x41: {  	_ = 	snop  }
0x42: {  	_ =	swait.ge [sflag:s29], $0x400  }
0x43: {  	s0 =	sshra.s32 s0, $0x2;
	[sflag:s29] =	ssyncset.done $0x0  }
0x44: {  	s0 =	sadd.s32 $0x13C0, s0;
	[sflag:s29] =	ssyncadd.s32 $0xFFFFFC00  }
0x45: {  	[spmem:s1] =	stream.indirect.scatter.add.f32 [tilespmem:s11], [sflag:$0x1], $0x8, s0, s14, $0xb8;
	[tilespmem:$0x7B40] =	vst v63  }
0x46: {  	_ =	swait.ge [sflag:s29], $0x400  }
0x47: {  	[sflag:s29] =	ssyncset.done $0x0  }
0x48: {  	[sflag:s29] =	ssyncadd.s32 $0xFFFFFC00  }
0x49: {  	_ =	swait.ge [sflag:s29], $0x400  }
0x4a: {  	[sflag:s29] =	ssyncset.done $0x0  }
0x4b: {  	[sflag:s29] =	ssyncadd.s32 $0xFFFFFC00  }
0x4c: {  	_ =	swait.ge [sflag:s29], $0x400  }
0x4d: {  	[sflag:s29] =	ssyncset.done $0x0  }
0x4e: {  	[sflag:s29] =	ssyncadd.s32 $0xFFFFFC00  }
0x4f: {  	_ =	swait.ge [sflag:s29], $0x400  }
0x50: {  	[sflag:s29] =	ssyncset.done $0x0  }
0x51: {  	[sflag:s29] =	ssyncadd.s32 $0xFFFFFC00  }
0x52: {  	_ =	swait.ge [sflag:s29], $0x400  }
0x53: {  	[sflag:s29] =	ssyncset.done $0x0  }
0x54: {  	[sflag:s29] =	ssyncadd.s32 $0xFFFFFC00  }
0x55: {  	_ =	swait.ge [sflag:s29], $0x400  }
0x56: {  	[sflag:s29] =	ssyncset.done $0x0  }
0x57: {  	[sflag:s29] =	ssyncadd.s32 $0xFFFFFC00  }
0x58: {  	_ =	swait.ge [sflag:s29], $0x400  }
0x59: {  	[sflag:s29] =	ssyncset.done $0x0  }
0x5a: {  	[sflag:s29] =	ssyncadd.s32 $0xFFFFFC00  }
0x5b: {  	_ =	swait.ge [sflag:s29], $0x400  }
0x5c: {  	[sflag:s29] =	ssyncset.done $0x0  }
0x5d: {  	[sflag:s29] =	ssyncadd.s32 $0xFFFFFC00  }
0x5e: {  	_ =	swait.ge [sflag:s29], $0x400  }
0x5f: {  	[sflag:s29] =	ssyncset.done $0x0  }
0x60: {  	[sflag:s29] =	ssyncadd.s32 $0xFFFFFC00  }
0x61: {  	_ =	swait.ge [sflag:s29], $0x400  }
0x62: {  	[sflag:s29] =	ssyncset.done $0x0  }
0x63: {  	[sflag:s29] =	ssyncadd.s32 $0xFFFFFC00  }
0x64: {  	_ =	swait.ge [sflag:s29], $0x400  }
0x65: {  	[sflag:s29] =	ssyncset.done $0x0  }
0x66: {  	[sflag:s29] =	ssyncadd.s32 $0xFFFFFC00  }
0x67: {  	_ =	swait.ge [sflag:s29], $0x400  }
0x68: {  	[sflag:s29] =	ssyncset.done $0x0  }
0x69: {  	[sflag:s29] =	ssyncadd.s32 $0xFFFFFC00  }
0x6a: {  	_ =	swait.ge [sflag:s29], $0x400  }
0x6b: {  	[sflag:s29] =	ssyncset.done $0x0  }
0x6c: {  	[sflag:s29] =	ssyncadd.s32 $0xFFFFFC00  }
0x6d: {  	_ =	swait.ge [sflag:s29], $0x400  }
0x6e: {  	s30 =	sadd.s32 $0x1, s30;
	[sflag:s29] =	ssyncset.done $0x0  }
0x6f: {  	p0 =	sne.s32 s30, s8;
	[sflag:s29] =	ssyncadd.s32 $0xFFFFFC00  }
.Ltmp1:
0x70: {  	[bflag:$0x0] =	sbarrier.arrive $0xFFFF;
	(pc) =	sbr.rel @p0 .LBB2_1-.Ltmp1, $4  }
0x71: {  	[hbm:s7], [sflag:s12] =	dma.local [spmem:s13], $0x278  }
0x72: {  	_ =	swait.ge [sflag:s10], $0x278  }
0x73: {  	[sflag:s10] =	ssyncset.done $0x0  }
0x74: {  	[sflag:s10] =	ssyncadd.s32 $0xFFFFFD88  }
0x75: {  	_ =	sfence.sel $0x180000  }
0x76: {  	[bflag:$0x0] =	sbarrier.arrive $0xFFFF  }
0x77: {  	_ =	strace $0x90000047  }
0x78: {  	[bflag:$0x2] =	sbarrier.arrive $0xFFFF  }
0x79: {  	p0 =	sne.s32 s2, $0x0;
	s0 =	rddreg [dreg:$0x3]  }
0x7a: {  	s0 =	sadd.s32 @!p0 $0x100000, s0  }
0x7b: {  	[sflag:s0] =	ssyncadd.tile.s32 @!p0 $0x1;
	_ =	shalt  }
.Lfunc_end2:
_tile_overlayer_lowered:
.L_overlay_start_2:
0x7c: {  	(tag) =	ssettag $0x2  }
0x7d: {  	s0 =	rddreg [dreg:$0x0];
	s2 =	stileid.u32  }
0x7e: {  	s1 =	rddreg [dreg:$0x1];
	p0 =	sne.s32 s2, $0x0  }
0x7f: {  	s3 =	rddreg [dreg:$0x2];
	[bflag:$0x3] =	sbarrier.arrive $0xFFFF;
	s2 =	simm.s32 @!p0 $0x1C02  }
0x80: {  	[timem:s3], [sflag:s2] =	dma.local @!p0 [hbm:s0], s1  }
0x81: {  	s0 =	simm.s32 @!p0 $0x2  }
0x82: {  	_ =	swait.ge @!p0 [sflag:s0], s1  }
0x83: {  	s1 =	ssub.s32 @!p0 $0x0, s1;
	[sflag:s0] =	ssyncset.done @!p0 $0x0  }
0x84: {  	[sflag:s0] =	ssyncadd.s32 @!p0 s1  }
0x85: {  	[bflag:$0x3] =	sbarrier.arrive $0xFFFF  }
0x86: {  	_ =	shalt  }

</sc_bundles>
